<compile_context>
chip_gen: v7x
topology: tpu7x:2x2x1
jax: 0.10.2.dev20260603
libtpu: 0.0.44.dev20260713+nightly
codegen_flags: <defaults>
</compile_context>

<pallas_src>
import functools

import jax
import jax.numpy as jnp
from jax import lax
from jax.experimental import pallas as pl
from jax.experimental.pallas import tpu as pltpu
from jax.experimental.pallas import tpu_sc as plsc

NC, NS, L = 2, 16, 16
NW = NC * NS
H = W = 512
N = H * W
ROWS = 32
NCHUNK = H // ROWS
SC_SAMPLES = 8
TC_SAMPLES = 8
SC_PAIRS = 2 * SC_SAMPLES
HALF_CHUNKS = NCHUNK // 2


def _make_reduce_kernel():
    mesh = plsc.VectorSubcoreMesh(
        core_axis_name="c", subcore_axis_name="s",
        num_cores=NC, num_subcores=NS)

    @functools.partial(
        pl.kernel,
        out_type=jax.ShapeDtypeStruct((NW, 8, 128), jnp.float32),
        mesh=mesh,
        compiler_params=pltpu.CompilerParams(use_tc_tiling_on_sc=True,
                                             needs_layout_passes=False),
        scratch_types=[
            pltpu.VMEM((2, ROWS, W), jnp.float32),
            pltpu.VMEM((2, ROWS, W), jnp.float32),
            pltpu.VMEM((8, 128), jnp.float32),
            pltpu.SemaphoreType.DMA,
            pltpu.SemaphoreType.DMA,
            pltpu.SemaphoreType.DMA,
            pltpu.SemaphoreType.DMA,
        ],
    )
    def reduce_kernel(pred_hbm, char_hbm, aff_hbm, out_hbm, pbuf, tbuf,
                      ostage, ps0, ps1, ts0, ts1):
        w = lax.axis_index("s") * NC + lax.axis_index("c")
        pair = w % SC_PAIRS
        half = w // SC_PAIRS
        samp = pair // 2
        chan = w % 2
        base_chunk = half * HALF_CHUNKS
        psem = (ps0, ps1)
        tsem = (ts0, ts1)

        GROUP = 8

        def tree(xs):
            while len(xs) > 1:
                xs = [xs[j] + xs[j + 1] for j in range(0, len(xs), 2)]
            return xs[0]

        GROUPS_PER_ROW = W // L // GROUP

        def compute(slot, carry):
            def gstep(i, c2):
                aa, ap, ct = c2
                r = i >> 2
                base = (i & 3) * (GROUP * L)
                ls, ms = [], []
                for u in range(GROUP):
                    off = base + u * L
                    p = pbuf[slot, r, pl.ds(off, L)]
                    t = tbuf[slot, r, pl.ds(off, L)]
                    d = p - t
                    ls.append(d * d)
                    ms.append(t > 0.0)
                aa = aa + tree(ls)
                ap = ap + tree([jnp.where(m, l, 0.0)
                                for m, l in zip(ms, ls)])
                ct = ct + tree([plsc.all_reduce_population_count(m)
                                for m in ms])
                return (aa, ap, ct)

            return lax.fori_loop(0, ROWS * GROUPS_PER_ROW, gstep, carry)

        def run(tgt_hbm):
            def start_load(g, slot):
                r0 = g * ROWS
                pltpu.make_async_copy(
                    pred_hbm.at[samp, chan, pl.ds(r0, ROWS), :],
                    pbuf.at[slot], psem[slot]).start()
                pltpu.make_async_copy(tgt_hbm.at[samp, pl.ds(r0, ROWS), :],
                                      tbuf.at[slot], tsem[slot]).start()

            def wait_load(slot):
                pltpu.make_async_copy(pred_hbm.at[0, 0, pl.ds(0, ROWS), :],
                                      pbuf.at[slot], psem[slot]).wait()
                pltpu.make_async_copy(tgt_hbm.at[0, pl.ds(0, ROWS), :],
                                      tbuf.at[slot], tsem[slot]).wait()

            zeros = jnp.zeros((L,), jnp.float32)
            carry = (zeros, zeros, jnp.zeros((L,), jnp.int32))
            start_load(base_chunk, 0)
            def super_body(gg, carry):
                start_load(base_chunk + 2 * gg + 1, 1)
                wait_load(0)
                carry = compute(0, carry)

                @pl.when(gg < HALF_CHUNKS // 2 - 1)
                def _():
                    start_load(base_chunk + 2 * gg + 2, 0)

                wait_load(1)
                return compute(1, carry)

            acc_all, acc_pos, cnt = lax.fori_loop(0, HALF_CHUNKS // 2,
                                                  super_body, carry)
            ostage[0, pl.ds(0, L)] = acc_all
            ostage[1, pl.ds(0, L)] = acc_pos
            ostage[2, pl.ds(0, L)] = cnt.astype(jnp.float32)
            pltpu.sync_copy(ostage, out_hbm.at[w])

        @pl.when(chan == 0)
        def _():
            run(char_hbm)

        @pl.when(chan == 1)
        def _():
            run(aff_hbm)

    return reduce_kernel


_reduce_kernel_cache = None


def _reduce(*args):
    global _reduce_kernel_cache
    if _reduce_kernel_cache is None:
        _reduce_kernel_cache = _make_reduce_kernel()
    return _reduce_kernel_cache(*args)


def _tc_stats_kernel(pred_ref, char_ref, aff_ref, out_ref):
    rows = []
    for p, t in ((pred_ref[0, 0], char_ref[0]), (pred_ref[0, 1], aff_ref[0])):
        l = (p - t) ** 2
        msk = t > 0.0
        rows.append(jnp.full((1, 128), jnp.sum(l), jnp.float32))
        rows.append(jnp.full((1, 128), jnp.sum(jnp.where(msk, l, 0.0)),
                             jnp.float32))
        rows.append(jnp.full((1, 128), jnp.sum(msk.astype(jnp.float32)),
                             jnp.float32))
    rows.append(jnp.zeros((2, 128), jnp.float32))
    out_ref[0] = jnp.concatenate(rows, axis=0)


def _tc_stats(output_imgs, char_target, aff_target):
    out = pl.pallas_call(
        _tc_stats_kernel,
        grid=(TC_SAMPLES,),
        in_specs=[
            pl.BlockSpec((1, 2, H, W), lambda s: (s + SC_SAMPLES, 0, 0, 0)),
            pl.BlockSpec((1, H, W), lambda s: (s + SC_SAMPLES, 0, 0)),
            pl.BlockSpec((1, H, W), lambda s: (s + SC_SAMPLES, 0, 0)),
        ],
        out_specs=pl.BlockSpec((1, 8, 128), lambda s: (s, 0, 0)),
        out_shape=jax.ShapeDtypeStruct((TC_SAMPLES, 8, 128), jnp.float32),
    )(output_imgs, char_target, aff_target)
    return out[:, :6, 0].reshape(TC_SAMPLES * 2, 3)


def _topk_tc_kernel(k_sref, pred_ref, tgt_ref, out_ref):
    w = pl.program_id(0)
    k = k_sref[w]
    pred = pred_ref[0]
    tgt = tgt_ref[0]
    loss = (pred - tgt) ** 2
    keys = jnp.where(tgt > 0.0, jnp.int32(-1),
                     lax.bitcast_convert_type(loss, jnp.int32))

    def bit_step(i, t):
        cand = t | (jnp.int32(1) << (30 - i))
        cnt = jnp.sum((keys >= cand).astype(jnp.int32))
        return jnp.where(cnt >= k, cand, t)

    t = lax.fori_loop(0, 31, bit_step, jnp.int32(0))
    cnt_gt = jnp.sum((keys > t).astype(jnp.int32))
    sum_gt = jnp.sum(jnp.where(keys > t, loss, 0.0))
    tval = lax.bitcast_convert_type(t, jnp.float32)
    res = sum_gt + (k - cnt_gt).astype(jnp.float32) * tval
    out_ref[0] = jnp.full((8, 128), res, jnp.float32)


def _exact_topk_sums(kk, pred32, char_target, aff_target):
    tgt32 = jnp.stack([char_target, aff_target], axis=1).reshape(NW, H, W)
    grid_spec = pltpu.PrefetchScalarGridSpec(
        num_scalar_prefetch=1,
        grid=(NW,),
        in_specs=[
            pl.BlockSpec((1, H, W), lambda w, k: (w, 0, 0)),
            pl.BlockSpec((1, H, W), lambda w, k: (w, 0, 0)),
        ],
        out_specs=pl.BlockSpec((1, 8, 128), lambda w, k: (w, 0, 0)),
    )
    out = pl.pallas_call(
        _topk_tc_kernel,
        grid_spec=grid_spec,
        out_shape=jax.ShapeDtypeStruct((NW, 8, 128), jnp.float32),
    )(kk, pred32.reshape(NW, H, W), tgt32)
    return out[:, 0, 0]


def kernel(output_imgs, char_target, aff_target):
    B = output_imgs.shape[0]
    pred32 = output_imgs.reshape(NW, N)

    accs = _reduce(output_imgs, char_target, aff_target)
    sc = jnp.sum(accs[:, :3, :L], axis=-1).reshape(2, SC_PAIRS, 3).sum(axis=0)
    sc = sc * jnp.array([[1.0, 1.0, 1.0 / L]], jnp.float32)
    tc = _tc_stats(output_imgs, char_target, aff_target)
    sums = jnp.concatenate([sc, tc], axis=0)
    sum_all = sums[:, 0]
    sum_pos = sums[:, 1]
    num_pos_f = sums[:, 2]
    num_pos = num_pos_f.astype(jnp.int32)

    m = jnp.int32(N) - num_pos
    k = jnp.minimum(num_pos * 3, m)
    kf = k.astype(jnp.float32)

    mean_all = sum_all / jnp.float32(N)
    positive_mean = sum_pos / num_pos_f
    easy_topk_mean = (sum_all - sum_pos) / kf

    need_hard = jnp.any((num_pos * 3 < m) & (k >= 10))
    hard_sums = lax.cond(
        need_hard,
        lambda: _exact_topk_sums(k, pred32, char_target, aff_target),
        lambda: jnp.zeros((NW,), jnp.float32),
    )
    topk_mean = jnp.where(num_pos * 3 >= m, easy_topk_mean, hard_sums / kf)
    ohem = positive_mean + topk_mean
    pair_loss = jnp.where(k < 10, mean_all, ohem)
    return jnp.sum(pair_loss) / jnp.float32(B)

# --- scband reference (transcript-rebuilt; emitter-appended) ---
"""Pipeline reference for scband-mse-ohem-loss-66580583022655 (READ-ONLY COPY).

The authoritative reference and input builder live on the scoring server;
editing this copy changes nothing except your own understanding.
"""

import jax, jax.numpy as jnp
import numpy as np

POSITIVE_MULT = 3.0

def _sample_loss(pred, tgt):
    pred = pred.reshape(-1)
    tgt = tgt.reshape(-1)
    N = tgt.shape[0]
    mask = tgt > 0
    num_pos = jnp.sum(mask).astype(jnp.int32)
    k = jnp.minimum(num_pos * 3, jnp.int32(N) - num_pos)
    sample_loss = (pred - tgt) ** 2
    mean_all = jnp.mean(sample_loss)
    positive_mean = jnp.sum(jnp.where(mask, sample_loss, 0.0)) / num_pos
    neg_vals = jnp.where(mask, -jnp.inf, sample_loss)
    topk_vals, _ = jax.lax.top_k(neg_vals, N)
    in_topk = jnp.arange(N) < k
    topk_mean = jnp.sum(jnp.where(in_topk, topk_vals, 0.0)) / k
    ohem_loss = positive_mean + topk_mean
    return jnp.where(k < 10, mean_all, ohem_loss)

def setup_inputs(seed: int = 0):
    key = jax.random.key(seed)
    k1, k2, k3 = jax.random.split(key, 3)
    B, H, W = 16, 512, 512
    output_imgs = jax.random.normal(k1, (B, 2, H, W), dtype=jnp.float32)
    char_target = jax.random.normal(k2, (B, H, W), dtype=jnp.float32)
    aff_target = jax.random.normal(k3, (B, H, W), dtype=jnp.float32)
    return {"output_imgs": output_imgs, "char_target": char_target, "aff_target": aff_target}

def reference(output_imgs, char_target, aff_target):
    B = output_imgs.shape[0]
    predict_r = output_imgs[:, 0, :, :]
    predict_a = output_imgs[:, 1, :, :]
    losses = []
    for i in range(B):
        char_loss = _sample_loss(predict_r[i], char_target[i])
        aff_loss = _sample_loss(predict_a[i], aff_target[i])
        losses.append(char_loss + aff_loss)
    return jnp.mean(jnp.stack(losses, 0))

if __name__ == "__main__":
    import jax
    _d = setup_inputs()
    print(jax.jit(kernel)(*tuple(_d.values())))

</pallas_src>

<mosaic_0001>
#map = affine_map<(d0, d1) -> (0, 0, 0, 0)>
#map1 = affine_map<(d0, d1) -> (0, 0, 0)>
module attributes {stable_mosaic.version = 14 : i64} {
  func.func @reduce_kernel(%arg0: i32, %arg1: i32, %arg2: memref<16x2x512x512xf32, #tpu.memory_space<hbm>>, %arg3: memref<16x512x512xf32, #tpu.memory_space<hbm>>, %arg4: memref<16x512x512xf32, #tpu.memory_space<hbm>>, %arg5: memref<32x8x128xf32, #tpu.memory_space<hbm>>, %arg6: memref<2x32x512xf32, #tpu.memory_space<vmem>>, %arg7: memref<2x32x512xf32, #tpu.memory_space<vmem>>, %arg8: memref<8x128xf32, #tpu.memory_space<vmem>>, %arg9: memref<!tpu.dma_semaphore, #tpu.memory_space<semaphore_mem>>, %arg10: memref<!tpu.dma_semaphore, #tpu.memory_space<semaphore_mem>>, %arg11: memref<!tpu.dma_semaphore, #tpu.memory_space<semaphore_mem>>, %arg12: memref<!tpu.dma_semaphore, #tpu.memory_space<semaphore_mem>>) attributes {dimension_semantics = [#tpu.dimension_semantics<core_parallel>, #tpu.dimension_semantics<subcore_parallel>], iteration_bounds = array<i64: 2, 16>, scalar_prefetch = 0 : i64, scratch_operands = 7 : i64, tpu.core_type = #tpu.core_type<sc_vector_subcore>, window_params = [{transform_indices = #map}, {transform_indices = #map1}, {transform_indices = #map1}, {transform_indices = #map1}]} {
    %mul3A = arith.constant 2 : i32
    %mul3A_0 = arith.muli %arg1, %mul3A : i32
    %add3A = arith.addi %mul3A_0, %arg0 : i32
    %jit3A = arith.constant 16 : i32
    %eq3A = arith.constant 0 : i32
    %eq3A_1 = arith.cmpi eq, %jit3A, %eq3A : i32
    %jit3A_2 = arith.constant 1 : i32
    %select_n3A = arith.select %eq3A_1, %jit3A_2, %jit3A : i32
    %rem3A = arith.remsi %add3A, %select_n3A : i32
    %ne3A = arith.constant 0 : i32
    %ne3A_3 = arith.cmpi ne, %rem3A, %ne3A : i32
    %lt3A = arith.constant 0 : i32
    %lt3A_4 = arith.cmpi slt, %rem3A, %lt3A : i32
    %lt3A_5 = arith.constant 0 : i32
    %lt3A_6 = arith.cmpi slt, %select_n3A, %lt3A_5 : i32
    %ne3A_7 = arith.xori %lt3A_4, %lt3A_6 : i1
    %and3A = arith.andi %ne3A_7, %ne3A_3 : i1
    %add3A_8 = arith.addi %rem3A, %select_n3A : i32
    %select_n3A_9 = arith.select %and3A, %add3A_8, %rem3A : i32
    %jit3A_10 = arith.constant 16 : i32
    %div3A = arith.divsi %add3A, %jit3A_10 : i32
    %sign3A = arith.constant 0 : i32
    %sign3A_11 = arith.cmpi sgt, %add3A, %sign3A : i32
    %sign3A_12 = arith.extui %sign3A_11 : i1 to i32
    %sign3A_13 = arith.constant 0 : i32
    %sign3A_14 = arith.cmpi slt, %add3A, %sign3A_13 : i32
    %sign3A_15 = arith.extui %sign3A_14 : i1 to i32
    %sign3A_16 = arith.subi %sign3A_12, %sign3A_15 : i32
    %sign3A_17 = arith.constant 0 : i32
    %sign3A_18 = arith.cmpi sgt, %jit3A_10, %sign3A_17 : i32
    %sign3A_19 = arith.extui %sign3A_18 : i1 to i32
    %sign3A_20 = arith.constant 0 : i32
    %sign3A_21 = arith.cmpi slt, %jit3A_10, %sign3A_20 : i32
    %sign3A_22 = arith.extui %sign3A_21 : i1 to i32
    %sign3A_23 = arith.subi %sign3A_19, %sign3A_22 : i32
    %ne3A_24 = arith.cmpi ne, %sign3A_16, %sign3A_23 : i32
    %rem3A_25 = arith.remsi %add3A, %jit3A_10 : i32
    %ne3A_26 = arith.constant 0 : i32
    %ne3A_27 = arith.cmpi ne, %rem3A_25, %ne3A_26 : i32
    %and3A_28 = arith.andi %ne3A_24, %ne3A_27 : i1
    %sub3A = arith.constant 1 : i32
    %sub3A_29 = arith.subi %div3A, %sub3A : i32
    %select_n3A_30 = arith.select %and3A_28, %sub3A_29, %div3A : i32
    %jit3A_31 = arith.constant 2 : i32
    %div3A_32 = arith.divsi %select_n3A_9, %jit3A_31 : i32
    %sign3A_33 = arith.constant 0 : i32
    %sign3A_34 = arith.cmpi sgt, %select_n3A_9, %sign3A_33 : i32
    %sign3A_35 = arith.extui %sign3A_34 : i1 to i32
    %sign3A_36 = arith.constant 0 : i32
    %sign3A_37 = arith.cmpi slt, %select_n3A_9, %sign3A_36 : i32
    %sign3A_38 = arith.extui %sign3A_37 : i1 to i32
    %sign3A_39 = arith.subi %sign3A_35, %sign3A_38 : i32
    %sign3A_40 = arith.constant 0 : i32
    %sign3A_41 = arith.cmpi sgt, %jit3A_31, %sign3A_40 : i32
    %sign3A_42 = arith.extui %sign3A_41 : i1 to i32
    %sign3A_43 = arith.constant 0 : i32
    %sign3A_44 = arith.cmpi slt, %jit3A_31, %sign3A_43 : i32
    %sign3A_45 = arith.extui %sign3A_44 : i1 to i32
    %sign3A_46 = arith.subi %sign3A_42, %sign3A_45 : i32
    %ne3A_47 = arith.cmpi ne, %sign3A_39, %sign3A_46 : i32
    %rem3A_48 = arith.remsi %select_n3A_9, %jit3A_31 : i32
    %ne3A_49 = arith.constant 0 : i32
    %ne3A_50 = arith.cmpi ne, %rem3A_48, %ne3A_49 : i32
    %and3A_51 = arith.andi %ne3A_47, %ne3A_50 : i1
    %sub3A_52 = arith.constant 1 : i32
    %sub3A_53 = arith.subi %div3A_32, %sub3A_52 : i32
    %select_n3A_54 = arith.select %and3A_51, %sub3A_53, %div3A_32 : i32
    %jit3A_55 = arith.constant 2 : i32
    %eq3A_56 = arith.constant 0 : i32
    %eq3A_57 = arith.cmpi eq, %jit3A_55, %eq3A_56 : i32
    %jit3A_58 = arith.constant 1 : i32
    %select_n3A_59 = arith.select %eq3A_57, %jit3A_58, %jit3A_55 : i32
    %rem3A_60 = arith.remsi %add3A, %select_n3A_59 : i32
    %ne3A_61 = arith.constant 0 : i32
    %ne3A_62 = arith.cmpi ne, %rem3A_60, %ne3A_61 : i32
    %lt3A_63 = arith.constant 0 : i32
    %lt3A_64 = arith.cmpi slt, %rem3A_60, %lt3A_63 : i32
    %lt3A_65 = arith.constant 0 : i32
    %lt3A_66 = arith.cmpi slt, %select_n3A_59, %lt3A_65 : i32
    %ne3A_67 = arith.xori %lt3A_64, %lt3A_66 : i1
    %and3A_68 = arith.andi %ne3A_67, %ne3A_62 : i1
    %add3A_69 = arith.addi %rem3A_60, %select_n3A_59 : i32
    %select_n3A_70 = arith.select %and3A_68, %add3A_69, %rem3A_60 : i32
    %mul3A_71 = arith.constant 8 : i32
    %mul3A_72 = arith.muli %select_n3A_30, %mul3A_71 : i32
    %eq3A_73 = arith.constant 0 : i32
    %eq3A_74 = arith.cmpi eq, %select_n3A_70, %eq3A_73 : i32
    %convert_element_type3A = arith.extui %eq3A_74 : i1 to i32
    %cond3A = arith.constant 0 : i32
    %cond3A_75 = arith.cmpi ne, %convert_element_type3A, %cond3A : i32
    scf.if %cond3A_75 {
      %broadcast_in_dim3A = arith.constant 0.000000e+00 : f32
      %broadcast_in_dim3A_81 = vector.broadcast %broadcast_in_dim3A : f32 to vector<16xf32>
      %broadcast_in_dim3A_82 = arith.constant 0 : i32
      %broadcast_in_dim3A_83 = vector.broadcast %broadcast_in_dim3A_82 : i32 to vector<16xi32>
      %mul3A_84 = arith.constant 32 : i32
      %mul3A_85 = arith.muli %mul3A_72, %mul3A_84 : i32
      %dma_start3A = arith.constant 0 : i32
      %dma_start3A_86 = arith.constant 0 : i32
      %dma_start3A_87 = arith.constant 0 : i32
      %dma_start3A_88 = tpu.memref_slice %arg6[%dma_start3A, %dma_start3A_86, %dma_start3A_87] : memref<2x32x512xf32, #tpu.memory_space<vmem>> -> memref<1x32x512xf32, #tpu.memory_space<vmem>>
      %dma_start3A_89 = tpu.memref_squeeze %dma_start3A_88 : memref<1x32x512xf32, #tpu.memory_space<vmem>> -> memref<32x512xf32, #tpu.memory_space<vmem>>
      %dma_start3A_90 = arith.constant 0 : i32
      %dma_start3A_91 = tpu.memref_slice %arg2[%select_n3A_54, %select_n3A_70, %mul3A_85, %dma_start3A_90] : memref<16x2x512x512xf32, #tpu.memory_space<hbm>> -> memref<1x1x32x512xf32, #tpu.memory_space<hbm>>
      %dma_start3A_92 = tpu.memref_squeeze %dma_start3A_91 : memref<1x1x32x512xf32, #tpu.memory_space<hbm>> -> memref<32x512xf32, #tpu.memory_space<hbm>>
      %dma_start3A_93 = arith.constant 0 : i32
      %dma_start3A_94 = arith.constant 0 : i32
      %dma_start3A_95 = tpu.memref_slice %arg6[%dma_start3A, %dma_start3A_93, %dma_start3A_94] : memref<2x32x512xf32, #tpu.memory_space<vmem>> -> memref<1x32x512xf32, #tpu.memory_space<vmem>>
      %dma_start3A_96 = tpu.memref_squeeze %dma_start3A_95 : memref<1x32x512xf32, #tpu.memory_space<vmem>> -> memref<32x512xf32, #tpu.memory_space<vmem>>
      %dma_start3A_97 = arith.constant 0 : i32
      %dma_start3A_98 = tpu.memref_slice %arg2[%select_n3A_54, %select_n3A_70, %mul3A_85, %dma_start3A_97] : memref<16x2x512x512xf32, #tpu.memory_space<hbm>> -> memref<1x1x32x512xf32, #tpu.memory_space<hbm>>
      %dma_start3A_99 = tpu.memref_squeeze %dma_start3A_98 : memref<1x1x32x512xf32, #tpu.memory_space<hbm>> -> memref<32x512xf32, #tpu.memory_space<hbm>>
      tpu.enqueue_dma source(%dma_start3A_99 : memref<32x512xf32, #tpu.memory_space<hbm>>) target(%dma_start3A_96 : memref<32x512xf32, #tpu.memory_space<vmem>>) target_semaphore(%arg9 : memref<!tpu.dma_semaphore, #tpu.memory_space<semaphore_mem>>)
      %dma_start3A_100 = arith.constant 0 : i32
      %dma_start3A_101 = arith.constant 0 : i32
      %dma_start3A_102 = arith.constant 0 : i32
      %dma_start3A_103 = tpu.memref_slice %arg7[%dma_start3A_100, %dma_start3A_101, %dma_start3A_102] : memref<2x32x512xf32, #tpu.memory_space<vmem>> -> memref<1x32x512xf32, #tpu.memory_space<vmem>>
      %dma_start3A_104 = tpu.memref_squeeze %dma_start3A_103 : memref<1x32x512xf32, #tpu.memory_space<vmem>> -> memref<32x512xf32, #tpu.memory_space<vmem>>
      %dma_start3A_105 = arith.constant 0 : i32
      %dma_start3A_106 = tpu.memref_slice %arg3[%select_n3A_54, %mul3A_85, %dma_start3A_105] : memref<16x512x512xf32, #tpu.memory_space<hbm>> -> memref<1x32x512xf32, #tpu.memory_space<hbm>>
      %dma_start3A_107 = tpu.memref_squeeze %dma_start3A_106 : memref<1x32x512xf32, #tpu.memory_space<hbm>> -> memref<32x512xf32, #tpu.memory_space<hbm>>
      %dma_start3A_108 = arith.constant 0 : i32
      %dma_start3A_109 = arith.constant 0 : i32
      %dma_start3A_110 = tpu.memref_slice %arg7[%dma_start3A_100, %dma_start3A_108, %dma_start3A_109] : memref<2x32x512xf32, #tpu.memory_space<vmem>> -> memref<1x32x512xf32, #tpu.memory_space<vmem>>
      %dma_start3A_111 = tpu.memref_squeeze %dma_start3A_110 : memref<1x32x512xf32, #tpu.memory_space<vmem>> -> memref<32x512xf32, #tpu.memory_space<vmem>>
      %dma_start3A_112 = arith.constant 0 : i32
      %dma_start3A_113 = tpu.memref_slice %arg3[%select_n3A_54, %mul3A_85, %dma_start3A_112] : memref<16x512x512xf32, #tpu.memory_space<hbm>> -> memref<1x32x512xf32, #tpu.memory_space<hbm>>
      %dma_start3A_114 = tpu.memref_squeeze %dma_start3A_113 : memref<1x32x512xf32, #tpu.memory_space<hbm>> -> memref<32x512xf32, #tpu.memory_space<hbm>>
      tpu.enqueue_dma source(%dma_start3A_114 : memref<32x512xf32, #tpu.memory_space<hbm>>) target(%dma_start3A_111 : memref<32x512xf32, #tpu.memory_space<vmem>>) target_semaphore(%arg11 : memref<!tpu.dma_semaphore, #tpu.memory_space<semaphore_mem>>)
      %scan3A = arith.constant 0 : i32
      %scan3A_115 = arith.constant 4 : i32
      %scan3A_116 = arith.addi %scan3A, %scan3A_115 : i32
      %scan3A_117 = arith.constant 1 : i32
      %scan3A_118:3 = scf.for %scan3A_132 = %scan3A to %scan3A_116 step %scan3A_117 iter_args(%scan3A_133 = %broadcast_in_dim3A_81, %scan3A_134 = %broadcast_in_dim3A_81, %scan3A_135 = %broadcast_in_dim3A_83) -> (vector<16xf32>, vector<16xf32>, vector<16xi32>)  : i32 {
        %mul3A_136 = arith.constant 2 : i32
        %mul3A_137 = arith.muli %mul3A_136, %scan3A_132 : i32
        %add3A_138 = arith.addi %mul3A_72, %mul3A_137 : i32
        %add3A_139 = arith.constant 1 : i32
        %add3A_140 = arith.addi %add3A_138, %add3A_139 : i32
        %mul3A_141 = arith.constant 32 : i32
        %mul3A_142 = arith.muli %add3A_140, %mul3A_141 : i32
        %dma_start3A_143 = arith.constant 1 : i32
        %dma_start3A_144 = arith.constant 0 : i32
        %dma_start3A_145 = arith.constant 0 : i32
        %dma_start3A_146 = tpu.memref_slice %arg6[%dma_start3A_143, %dma_start3A_144, %dma_start3A_145] : memref<2x32x512xf32, #tpu.memory_space<vmem>> -> memref<1x32x512xf32, #tpu.memory_space<vmem>>
        %dma_start3A_147 = tpu.memref_squeeze %dma_start3A_146 : memref<1x32x512xf32, #tpu.memory_space<vmem>> -> memref<32x512xf32, #tpu.memory_space<vmem>>
        %dma_start3A_148 = arith.constant 0 : i32
        %dma_start3A_149 = tpu.memref_slice %arg2[%select_n3A_54, %select_n3A_70, %mul3A_142, %dma_start3A_148] : memref<16x2x512x512xf32, #tpu.memory_space<hbm>> -> memref<1x1x32x512xf32, #tpu.memory_space<hbm>>
        %dma_start3A_150 = tpu.memref_squeeze %dma_start3A_149 : memref<1x1x32x512xf32, #tpu.memory_space<hbm>> -> memref<32x512xf32, #tpu.memory_space<hbm>>
        %dma_start3A_151 = arith.constant 0 : i32
        %dma_start3A_152 = arith.constant 0 : i32
        %dma_start3A_153 = tpu.memref_slice %arg6[%dma_start3A_143, %dma_start3A_151, %dma_start3A_152] : memref<2x32x512xf32, #tpu.memory_space<vmem>> -> memref<1x32x512xf32, #tpu.memory_space<vmem>>
        %dma_start3A_154 = tpu.memref_squeeze %dma_start3A_153 : memref<1x32x512xf32, #tpu.memory_space<vmem>> -> memref<32x512xf32, #tpu.memory_space<vmem>>
        %dma_start3A_155 = arith.constant 0 : i32
        %dma_start3A_156 = tpu.memref_slice %arg2[%select_n3A_54, %select_n3A_70, %mul3A_142, %dma_start3A_155] : memref<16x2x512x512xf32, #tpu.memory_space<hbm>> -> memref<1x1x32x512xf32, #tpu.memory_space<hbm>>
        %dma_start3A_157 = tpu.memref_squeeze %dma_start3A_156 : memref<1x1x32x512xf32, #tpu.memory_space<hbm>> -> memref<32x512xf32, #tpu.memory_space<hbm>>
        tpu.enqueue_dma source(%dma_start3A_157 : memref<32x512xf32, #tpu.memory_space<hbm>>) target(%dma_start3A_154 : memref<32x512xf32, #tpu.memory_space<vmem>>) target_semaphore(%arg10 : memref<!tpu.dma_semaphore, #tpu.memory_space<semaphore_mem>>)
        %dma_start3A_158 = arith.constant 1 : i32
        %dma_start3A_159 = arith.constant 0 : i32
        %dma_start3A_160 = arith.constant 0 : i32
        %dma_start3A_161 = tpu.memref_slice %arg7[%dma_start3A_158, %dma_start3A_159, %dma_start3A_160] : memref<2x32x512xf32, #tpu.memory_space<vmem>> -> memref<1x32x512xf32, #tpu.memory_space<vmem>>
        %dma_start3A_162 = tpu.memref_squeeze %dma_start3A_161 : memref<1x32x512xf32, #tpu.memory_space<vmem>> -> memref<32x512xf32, #tpu.memory_space<vmem>>
        %dma_start3A_163 = arith.constant 0 : i32
        %dma_start3A_164 = tpu.memref_slice %arg3[%select_n3A_54, %mul3A_142, %dma_start3A_163] : memref<16x512x512xf32, #tpu.memory_space<hbm>> -> memref<1x32x512xf32, #tpu.memory_space<hbm>>
        %dma_start3A_165 = tpu.memref_squeeze %dma_start3A_164 : memref<1x32x512xf32, #tpu.memory_space<hbm>> -> memref<32x512xf32, #tpu.memory_space<hbm>>
        %dma_start3A_166 = arith.constant 0 : i32
        %dma_start3A_167 = arith.constant 0 : i32
        %dma_start3A_168 = tpu.memref_slice %arg7[%dma_start3A_158, %dma_start3A_166, %dma_start3A_167] : memref<2x32x512xf32, #tpu.memory_space<vmem>> -> memref<1x32x512xf32, #tpu.memory_space<vmem>>
        %dma_start3A_169 = tpu.memref_squeeze %dma_start3A_168 : memref<1x32x512xf32, #tpu.memory_space<vmem>> -> memref<32x512xf32, #tpu.memory_space<vmem>>
        %dma_start3A_170 = arith.constant 0 : i32
        %dma_start3A_171 = tpu.memref_slice %arg3[%select_n3A_54, %mul3A_142, %dma_start3A_170] : memref<16x512x512xf32, #tpu.memory_space<hbm>> -> memref<1x32x512xf32, #tpu.memory_space<hbm>>
        %dma_start3A_172 = tpu.memref_squeeze %dma_start3A_171 : memref<1x32x512xf32, #tpu.memory_space<hbm>> -> memref<32x512xf32, #tpu.memory_space<hbm>>
        tpu.enqueue_dma source(%dma_start3A_172 : memref<32x512xf32, #tpu.memory_space<hbm>>) target(%dma_start3A_169 : memref<32x512xf32, #tpu.memory_space<vmem>>) target_semaphore(%arg12 : memref<!tpu.dma_semaphore, #tpu.memory_space<semaphore_mem>>)
        %dma_wait3A = arith.constant 0 : i32
        %dma_wait3A_173 = arith.constant 0 : i32
        %dma_wait3A_174 = arith.constant 0 : i32
        %dma_wait3A_175 = arith.constant 0 : i32
        %dma_wait3A_176 = arith.constant 0 : i32
        %dma_wait3A_177 = tpu.memref_slice %arg6[%dma_wait3A_174, %dma_wait3A_175, %dma_wait3A_176] : memref<2x32x512xf32, #tpu.memory_space<vmem>> -> memref<1x32x512xf32, #tpu.memory_space<vmem>>
        %dma_wait3A_178 = tpu.memref_squeeze %dma_wait3A_177 : memref<1x32x512xf32, #tpu.memory_space<vmem>> -> memref<32x512xf32, #tpu.memory_space<vmem>>
        %dma_wait3A_179 = arith.constant 0 : i32
        %dma_wait3A_180 = arith.constant 0 : i32
        %dma_wait3A_181 = tpu.memref_slice %arg2[%dma_wait3A, %dma_wait3A_173, %dma_wait3A_179, %dma_wait3A_180] : memref<16x2x512x512xf32, #tpu.memory_space<hbm>> -> memref<1x1x32x512xf32, #tpu.memory_space<hbm>>
        %dma_wait3A_182 = tpu.memref_squeeze %dma_wait3A_181 : memref<1x1x32x512xf32, #tpu.memory_space<hbm>> -> memref<32x512xf32, #tpu.memory_space<hbm>>
        %dma_wait3A_183 = arith.constant 0 : i32
        %dma_wait3A_184 = arith.constant 0 : i32
        %dma_wait3A_185 = tpu.memref_slice %arg6[%dma_wait3A_174, %dma_wait3A_183, %dma_wait3A_184] : memref<2x32x512xf32, #tpu.memory_space<vmem>> -> memref<1x32x512xf32, #tpu.memory_space<vmem>>
        %dma_wait3A_186 = tpu.memref_squeeze %dma_wait3A_185 : memref<1x32x512xf32, #tpu.memory_space<vmem>> -> memref<32x512xf32, #tpu.memory_space<vmem>>
        %dma_wait3A_187 = arith.constant 0 : i32
        %dma_wait3A_188 = arith.constant 0 : i32
        %dma_wait3A_189 = tpu.memref_slice %arg2[%dma_wait3A, %dma_wait3A_173, %dma_wait3A_187, %dma_wait3A_188] : memref<16x2x512x512xf32, #tpu.memory_space<hbm>> -> memref<1x1x32x512xf32, #tpu.memory_space<hbm>>
        %dma_wait3A_190 = tpu.memref_squeeze %dma_wait3A_189 : memref<1x1x32x512xf32, #tpu.memory_space<hbm>> -> memref<32x512xf32, #tpu.memory_space<hbm>>
        tpu.wait_dma2 semaphore(%arg9 : memref<!tpu.dma_semaphore, #tpu.memory_space<semaphore_mem>>) src(%dma_wait3A_190 : memref<32x512xf32, #tpu.memory_space<hbm>>) dst(%dma_wait3A_186 : memref<32x512xf32, #tpu.memory_space<vmem>>)
        %dma_wait3A_191 = arith.constant 0 : i32
        %dma_wait3A_192 = arith.constant 0 : i32
        %dma_wait3A_193 = arith.constant 0 : i32
        %dma_wait3A_194 = arith.constant 0 : i32
        %dma_wait3A_195 = tpu.memref_slice %arg7[%dma_wait3A_192, %dma_wait3A_193, %dma_wait3A_194] : memref<2x32x512xf32, #tpu.memory_space<vmem>> -> memref<1x32x512xf32, #tpu.memory_space<vmem>>
        %dma_wait3A_196 = tpu.memref_squeeze %dma_wait3A_195 : memref<1x32x512xf32, #tpu.memory_space<vmem>> -> memref<32x512xf32, #tpu.memory_space<vmem>>
        %dma_wait3A_197 = arith.constant 0 : i32
        %dma_wait3A_198 = arith.constant 0 : i32
        %dma_wait3A_199 = tpu.memref_slice %arg3[%dma_wait3A_191, %dma_wait3A_197, %dma_wait3A_198] : memref<16x512x512xf32, #tpu.memory_space<hbm>> -> memref<1x32x512xf32, #tpu.memory_space<hbm>>
        %dma_wait3A_200 = tpu.memref_squeeze %dma_wait3A_199 : memref<1x32x512xf32, #tpu.memory_space<hbm>> -> memref<32x512xf32, #tpu.memory_space<hbm>>
        %dma_wait3A_201 = arith.constant 0 : i32
        %dma_wait3A_202 = arith.constant 0 : i32
        %dma_wait3A_203 = tpu.memref_slice %arg7[%dma_wait3A_192, %dma_wait3A_201, %dma_wait3A_202] : memref<2x32x512xf32, #tpu.memory_space<vmem>> -> memref<1x32x512xf32, #tpu.memory_space<vmem>>
        %dma_wait3A_204 = tpu.memref_squeeze %dma_wait3A_203 : memref<1x32x512xf32, #tpu.memory_space<vmem>> -> memref<32x512xf32, #tpu.memory_space<vmem>>
        %dma_wait3A_205 = arith.constant 0 : i32
        %dma_wait3A_206 = arith.constant 0 : i32
        %dma_wait3A_207 = tpu.memref_slice %arg3[%dma_wait3A_191, %dma_wait3A_205, %dma_wait3A_206] : memref<16x512x512xf32, #tpu.memory_space<hbm>> -> memref<1x32x512xf32, #tpu.memory_space<hbm>>
        %dma_wait3A_208 = tpu.memref_squeeze %dma_wait3A_207 : memref<1x32x512xf32, #tpu.memory_space<hbm>> -> memref<32x512xf32, #tpu.memory_space<hbm>>
        tpu.wait_dma2 semaphore(%arg11 : memref<!tpu.dma_semaphore, #tpu.memory_space<semaphore_mem>>) src(%dma_wait3A_208 : memref<32x512xf32, #tpu.memory_space<hbm>>) dst(%dma_wait3A_204 : memref<32x512xf32, #tpu.memory_space<vmem>>)
        %scan3A_209 = arith.constant 0 : i32
        %scan3A_210 = arith.constant 128 : i32
        %scan3A_211 = arith.addi %scan3A_209, %scan3A_210 : i32
        %scan3A_212 = arith.constant 1 : i32
        %scan3A_213:3 = scf.for %scan3A_263 = %scan3A_209 to %scan3A_211 step %scan3A_212 iter_args(%scan3A_264 = %scan3A_133, %scan3A_265 = %scan3A_134, %scan3A_266 = %scan3A_135) -> (vector<16xf32>, vector<16xf32>, vector<16xi32>)  : i32 {
          %shift_right_arithmetic3A = arith.constant 2 : i32
          %shift_right_arithmetic3A_267 = arith.shrsi %scan3A_263, %shift_right_arithmetic3A : i32
          %and3A_268 = arith.constant 3 : i32
          %and3A_269 = arith.andi %scan3A_263, %and3A_268 : i32
          %mul3A_270 = arith.constant 128 : i32
          %mul3A_271 = arith.muli %and3A_269, %mul3A_270 : i32
          %add3A_272 = arith.constant 0 : i32
          %add3A_273 = arith.addi %mul3A_271, %add3A_272 : i32
          %get3A = arith.constant 0 : i32
          %get3A_274 = arith.index_cast %get3A : i32 to index
          %get3A_275 = arith.index_cast %shift_right_arithmetic3A_267 : i32 to index
          %get3A_276 = arith.index_cast %add3A_273 : i32 to index
          %get3A_277 = tpu.vector_load %arg6[%get3A_274, %get3A_275, %get3A_276] {strides = array<i32>} : memref<2x32x512xf32, #tpu.memory_space<vmem>>, vector<16xf32>,
          %get3A_278 = arith.constant 0 : i32
          %get3A_279 = arith.index_cast %get3A_278 : i32 to index
          %get3A_280 = arith.index_cast %shift_right_arithmetic3A_267 : i32 to index
          %get3A_281 = arith.index_cast %add3A_273 : i32 to index
          %get3A_282 = tpu.vector_load %arg7[%get3A_279, %get3A_280, %get3A_281] {strides = array<i32>} : memref<2x32x512xf32, #tpu.memory_space<vmem>>, vector<16xf32>,
          %sub3A_283 = arith.subf %get3A_277, %get3A_282 : vector<16xf32>
          %mul3A_284 = arith.mulf %sub3A_283, %sub3A_283 : vector<16xf32>
          %gt3A = arith.constant 0.000000e+00 : f32
          %gt3A_285 = vector.broadcast %gt3A : f32 to vector<16xf32>
          %gt3A_286 = arith.cmpf ogt, %get3A_282, %gt3A_285 : vector<16xf32>
          %add3A_287 = arith.constant 16 : i32
          %add3A_288 = arith.addi %mul3A_271, %add3A_287 : i32
          %get3A_289 = arith.constant 0 : i32
          %get3A_290 = arith.index_cast %get3A_289 : i32 to index
          %get3A_291 = arith.index_cast %shift_right_arithmetic3A_267 : i32 to index
          %get3A_292 = arith.index_cast %add3A_288 : i32 to index
          %get3A_293 = tpu.vector_load %arg6[%get3A_290, %get3A_291, %get3A_292] {strides = array<i32>} : memref<2x32x512xf32, #tpu.memory_space<vmem>>, vector<16xf32>,
          %get3A_294 = arith.constant 0 : i32
          %get3A_295 = arith.index_cast %get3A_294 : i32 to index
          %get3A_296 = arith.index_cast %shift_right_arithmetic3A_267 : i32 to index
          %get3A_297 = arith.index_cast %add3A_288 : i32 to index
          %get3A_298 = tpu.vector_load %arg7[%get3A_295, %get3A_296, %get3A_297] {strides = array<i32>} : memref<2x32x512xf32, #tpu.memory_space<vmem>>, vector<16xf32>,
          %sub3A_299 = arith.subf %get3A_293, %get3A_298 : vector<16xf32>
          %mul3A_300 = arith.mulf %sub3A_299, %sub3A_299 : vector<16xf32>
          %gt3A_301 = arith.constant 0.000000e+00 : f32
          %gt3A_302 = vector.broadcast %gt3A_301 : f32 to vector<16xf32>
          %gt3A_303 = arith.cmpf ogt, %get3A_298, %gt3A_302 : vector<16xf32>
          %add3A_304 = arith.constant 32 : i32
          %add3A_305 = arith.addi %mul3A_271, %add3A_304 : i32
          %get3A_306 = arith.constant 0 : i32
          %get3A_307 = arith.index_cast %get3A_306 : i32 to index
          %get3A_308 = arith.index_cast %shift_right_arithmetic3A_267 : i32 to index
          %get3A_309 = arith.index_cast %add3A_305 : i32 to index
          %get3A_310 = tpu.vector_load %arg6[%get3A_307, %get3A_308, %get3A_309] {strides = array<i32>} : memref<2x32x512xf32, #tpu.memory_space<vmem>>, vector<16xf32>,
          %get3A_311 = arith.constant 0 : i32
          %get3A_312 = arith.index_cast %get3A_311 : i32 to index
          %get3A_313 = arith.index_cast %shift_right_arithmetic3A_267 : i32 to index
          %get3A_314 = arith.index_cast %add3A_305 : i32 to index
          %get3A_315 = tpu.vector_load %arg7[%get3A_312, %get3A_313, %get3A_314] {strides = array<i32>} : memref<2x32x512xf32, #tpu.memory_space<vmem>>, vector<16xf32>,
          %sub3A_316 = arith.subf %get3A_310, %get3A_315 : vector<16xf32>
          %mul3A_317 = arith.mulf %sub3A_316, %sub3A_316 : vector<16xf32>
          %gt3A_318 = arith.constant 0.000000e+00 : f32
          %gt3A_319 = vector.broadcast %gt3A_318 : f32 to vector<16xf32>
          %gt3A_320 = arith.cmpf ogt, %get3A_315, %gt3A_319 : vector<16xf32>
          %add3A_321 = arith.constant 48 : i32
          %add3A_322 = arith.addi %mul3A_271, %add3A_321 : i32
          %get3A_323 = arith.constant 0 : i32
          %get3A_324 = arith.index_cast %get3A_323 : i32 to index
          %get3A_325 = arith.index_cast %shift_right_arithmetic3A_267 : i32 to index
          %get3A_326 = arith.index_cast %add3A_322 : i32 to index
          %get3A_327 = tpu.vector_load %arg6[%get3A_324, %get3A_325, %get3A_326] {strides = array<i32>} : memref<2x32x512xf32, #tpu.memory_space<vmem>>, vector<16xf32>,
          %get3A_328 = arith.constant 0 : i32
          %get3A_329 = arith.index_cast %get3A_328 : i32 to index
          %get3A_330 = arith.index_cast %shift_right_arithmetic3A_267 : i32 to index
          %get3A_331 = arith.index_cast %add3A_322 : i32 to index
          %get3A_332 = tpu.vector_load %arg7[%get3A_329, %get3A_330, %get3A_331] {strides = array<i32>} : memref<2x32x512xf32, #tpu.memory_space<vmem>>, vector<16xf32>,
          %sub3A_333 = arith.subf %get3A_327, %get3A_332 : vector<16xf32>
          %mul3A_334 = arith.mulf %sub3A_333, %sub3A_333 : vector<16xf32>
          %gt3A_335 = arith.constant 0.000000e+00 : f32
          %gt3A_336 = vector.broadcast %gt3A_335 : f32 to vector<16xf32>
          %gt3A_337 = arith.cmpf ogt, %get3A_332, %gt3A_336 : vector<16xf32>
          %add3A_338 = arith.constant 64 : i32
          %add3A_339 = arith.addi %mul3A_271, %add3A_338 : i32
          %get3A_340 = arith.constant 0 : i32
          %get3A_341 = arith.index_cast %get3A_340 : i32 to index
          %get3A_342 = arith.index_cast %shift_right_arithmetic3A_267 : i32 to index
          %get3A_343 = arith.index_cast %add3A_339 : i32 to index
          %get3A_344 = tpu.vector_load %arg6[%get3A_341, %get3A_342, %get3A_343] {strides = array<i32>} : memref<2x32x512xf32, #tpu.memory_space<vmem>>, vector<16xf32>,
          %get3A_345 = arith.constant 0 : i32
          %get3A_346 = arith.index_cast %get3A_345 : i32 to index
          %get3A_347 = arith.index_cast %shift_right_arithmetic3A_267 : i32 to index
          %get3A_348 = arith.index_cast %add3A_339 : i32 to index
          %get3A_349 = tpu.vector_load %arg7[%get3A_346, %get3A_347, %get3A_348] {strides = array<i32>} : memref<2x32x512xf32, #tpu.memory_space<vmem>>, vector<16xf32>,
          %sub3A_350 = arith.subf %get3A_344, %get3A_349 : vector<16xf32>
          %mul3A_351 = arith.mulf %sub3A_350, %sub3A_350 : vector<16xf32>
          %gt3A_352 = arith.constant 0.000000e+00 : f32
          %gt3A_353 = vector.broadcast %gt3A_352 : f32 to vector<16xf32>
          %gt3A_354 = arith.cmpf ogt, %get3A_349, %gt3A_353 : vector<16xf32>
          %add3A_355 = arith.constant 80 : i32
          %add3A_356 = arith.addi %mul3A_271, %add3A_355 : i32
          %get3A_357 = arith.constant 0 : i32
          %get3A_358 = arith.index_cast %get3A_357 : i32 to index
          %get3A_359 = arith.index_cast %shift_right_arithmetic3A_267 : i32 to index
          %get3A_360 = arith.index_cast %add3A_356 : i32 to index
          %get3A_361 = tpu.vector_load %arg6[%get3A_358, %get3A_359, %get3A_360] {strides = array<i32>} : memref<2x32x512xf32, #tpu.memory_space<vmem>>, vector<16xf32>,
          %get3A_362 = arith.constant 0 : i32
          %get3A_363 = arith.index_cast %get3A_362 : i32 to index
          %get3A_364 = arith.index_cast %shift_right_arithmetic3A_267 : i32 to index
          %get3A_365 = arith.index_cast %add3A_356 : i32 to index
          %get3A_366 = tpu.vector_load %arg7[%get3A_363, %get3A_364, %get3A_365] {strides = array<i32>} : memref<2x32x512xf32, #tpu.memory_space<vmem>>, vector<16xf32>,
          %sub3A_367 = arith.subf %get3A_361, %get3A_366 : vector<16xf32>
          %mul3A_368 = arith.mulf %sub3A_367, %sub3A_367 : vector<16xf32>
          %gt3A_369 = arith.constant 0.000000e+00 : f32
          %gt3A_370 = vector.broadcast %gt3A_369 : f32 to vector<16xf32>
          %gt3A_371 = arith.cmpf ogt, %get3A_366, %gt3A_370 : vector<16xf32>
          %add3A_372 = arith.constant 96 : i32
          %add3A_373 = arith.addi %mul3A_271, %add3A_372 : i32
          %get3A_374 = arith.constant 0 : i32
          %get3A_375 = arith.index_cast %get3A_374 : i32 to index
          %get3A_376 = arith.index_cast %shift_right_arithmetic3A_267 : i32 to index
          %get3A_377 = arith.index_cast %add3A_373 : i32 to index
          %get3A_378 = tpu.vector_load %arg6[%get3A_375, %get3A_376, %get3A_377] {strides = array<i32>} : memref<2x32x512xf32, #tpu.memory_space<vmem>>, vector<16xf32>,
          %get3A_379 = arith.constant 0 : i32
          %get3A_380 = arith.index_cast %get3A_379 : i32 to index
          %get3A_381 = arith.index_cast %shift_right_arithmetic3A_267 : i32 to index
          %get3A_382 = arith.index_cast %add3A_373 : i32 to index
          %get3A_383 = tpu.vector_load %arg7[%get3A_380, %get3A_381, %get3A_382] {strides = array<i32>} : memref<2x32x512xf32, #tpu.memory_space<vmem>>, vector<16xf32>,
          %sub3A_384 = arith.subf %get3A_378, %get3A_383 : vector<16xf32>
          %mul3A_385 = arith.mulf %sub3A_384, %sub3A_384 : vector<16xf32>
          %gt3A_386 = arith.constant 0.000000e+00 : f32
          %gt3A_387 = vector.broadcast %gt3A_386 : f32 to vector<16xf32>
          %gt3A_388 = arith.cmpf ogt, %get3A_383, %gt3A_387 : vector<16xf32>
          %add3A_389 = arith.constant 112 : i32
          %add3A_390 = arith.addi %mul3A_271, %add3A_389 : i32
          %get3A_391 = arith.constant 0 : i32
          %get3A_392 = arith.index_cast %get3A_391 : i32 to index
          %get3A_393 = arith.index_cast %shift_right_arithmetic3A_267 : i32 to index
          %get3A_394 = arith.index_cast %add3A_390 : i32 to index
          %get3A_395 = tpu.vector_load %arg6[%get3A_392, %get3A_393, %get3A_394] {strides = array<i32>} : memref<2x32x512xf32, #tpu.memory_space<vmem>>, vector<16xf32>,
          %get3A_396 = arith.constant 0 : i32
          %get3A_397 = arith.index_cast %get3A_396 : i32 to index
          %get3A_398 = arith.index_cast %shift_right_arithmetic3A_267 : i32 to index
          %get3A_399 = arith.index_cast %add3A_390 : i32 to index
          %get3A_400 = tpu.vector_load %arg7[%get3A_397, %get3A_398, %get3A_399] {strides = array<i32>} : memref<2x32x512xf32, #tpu.memory_space<vmem>>, vector<16xf32>,
          %sub3A_401 = arith.subf %get3A_395, %get3A_400 : vector<16xf32>
          %mul3A_402 = arith.mulf %sub3A_401, %sub3A_401 : vector<16xf32>
          %gt3A_403 = arith.constant 0.000000e+00 : f32
          %gt3A_404 = vector.broadcast %gt3A_403 : f32 to vector<16xf32>
          %gt3A_405 = arith.cmpf ogt, %get3A_400, %gt3A_404 : vector<16xf32>
          %add3A_406 = arith.addf %mul3A_284, %mul3A_300 : vector<16xf32>
          %add3A_407 = arith.addf %mul3A_317, %mul3A_334 : vector<16xf32>
          %add3A_408 = arith.addf %mul3A_351, %mul3A_368 : vector<16xf32>
          %add3A_409 = arith.addf %mul3A_385, %mul3A_402 : vector<16xf32>
          %add3A_410 = arith.addf %add3A_406, %add3A_407 : vector<16xf32>
          %add3A_411 = arith.addf %add3A_408, %add3A_409 : vector<16xf32>
          %add3A_412 = arith.addf %add3A_410, %add3A_411 : vector<16xf32>
          %add3A_413 = arith.addf %scan3A_264, %add3A_412 : vector<16xf32>
          %jit3A_414 = arith.constant 0.000000e+00 : f32
          %broadcast_in_dim3A_415 = vector.broadcast %jit3A_414 : f32 to vector<16xf32>
          %select_n3A_416 = arith.select %gt3A_286, %mul3A_284, %broadcast_in_dim3A_415 : vector<16xi1>, vector<16xf32>
          %jit3A_417 = arith.constant 0.000000e+00 : f32
          %broadcast_in_dim3A_418 = vector.broadcast %jit3A_417 : f32 to vector<16xf32>
          %select_n3A_419 = arith.select %gt3A_303, %mul3A_300, %broadcast_in_dim3A_418 : vector<16xi1>, vector<16xf32>
          %jit3A_420 = arith.constant 0.000000e+00 : f32
          %broadcast_in_dim3A_421 = vector.broadcast %jit3A_420 : f32 to vector<16xf32>
          %select_n3A_422 = arith.select %gt3A_320, %mul3A_317, %broadcast_in_dim3A_421 : vector<16xi1>, vector<16xf32>
          %jit3A_423 = arith.constant 0.000000e+00 : f32
          %broadcast_in_dim3A_424 = vector.broadcast %jit3A_423 : f32 to vector<16xf32>
          %select_n3A_425 = arith.select %gt3A_337, %mul3A_334, %broadcast_in_dim3A_424 : vector<16xi1>, vector<16xf32>
          %jit3A_426 = arith.constant 0.000000e+00 : f32
          %broadcast_in_dim3A_427 = vector.broadcast %jit3A_426 : f32 to vector<16xf32>
          %select_n3A_428 = arith.select %gt3A_354, %mul3A_351, %broadcast_in_dim3A_427 : vector<16xi1>, vector<16xf32>
          %jit3A_429 = arith.constant 0.000000e+00 : f32
          %broadcast_in_dim3A_430 = vector.broadcast %jit3A_429 : f32 to vector<16xf32>
          %select_n3A_431 = arith.select %gt3A_371, %mul3A_368, %broadcast_in_dim3A_430 : vector<16xi1>, vector<16xf32>
          %jit3A_432 = arith.constant 0.000000e+00 : f32
          %broadcast_in_dim3A_433 = vector.broadcast %jit3A_432 : f32 to vector<16xf32>
          %select_n3A_434 = arith.select %gt3A_388, %mul3A_385, %broadcast_in_dim3A_433 : vector<16xi1>, vector<16xf32>
          %jit3A_435 = arith.constant 0.000000e+00 : f32
          %broadcast_in_dim3A_436 = vector.broadcast %jit3A_435 : f32 to vector<16xf32>
          %select_n3A_437 = arith.select %gt3A_405, %mul3A_402, %broadcast_in_dim3A_436 : vector<16xi1>, vector<16xf32>
          %add3A_438 = arith.addf %select_n3A_416, %select_n3A_419 : vector<16xf32>
          %add3A_439 = arith.addf %select_n3A_422, %select_n3A_425 : vector<16xf32>
          %add3A_440 = arith.addf %select_n3A_428, %select_n3A_431 : vector<16xf32>
          %add3A_441 = arith.addf %select_n3A_434, %select_n3A_437 : vector<16xf32>
          %add3A_442 = arith.addf %add3A_438, %add3A_439 : vector<16xf32>
          %add3A_443 = arith.addf %add3A_440, %add3A_441 : vector<16xf32>
          %add3A_444 = arith.addf %add3A_442, %add3A_443 : vector<16xf32>
          %add3A_445 = arith.addf %scan3A_265, %add3A_444 : vector<16xf32>
          %all_reduce_population_count3A = tpu.all_reduce %gt3A_286 {dim = 0 : i64, kind = #tpu.reduction_kind<sum>} : vector<16xi1> -> vector<16xi32>
          %all_reduce_population_count3A_446 = tpu.all_reduce %gt3A_303 {dim = 0 : i64, kind = #tpu.reduction_kind<sum>} : vector<16xi1> -> vector<16xi32>
          %all_reduce_population_count3A_447 = tpu.all_reduce %gt3A_320 {dim = 0 : i64, kind = #tpu.reduction_kind<sum>} : vector<16xi1> -> vector<16xi32>
          %all_reduce_population_count3A_448 = tpu.all_reduce %gt3A_337 {dim = 0 : i64, kind = #tpu.reduction_kind<sum>} : vector<16xi1> -> vector<16xi32>
          %all_reduce_population_count3A_449 = tpu.all_reduce %gt3A_354 {dim = 0 : i64, kind = #tpu.reduction_kind<sum>} : vector<16xi1> -> vector<16xi32>
          %all_reduce_population_count3A_450 = tpu.all_reduce %gt3A_371 {dim = 0 : i64, kind = #tpu.reduction_kind<sum>} : vector<16xi1> -> vector<16xi32>
          %all_reduce_population_count3A_451 = tpu.all_reduce %gt3A_388 {dim = 0 : i64, kind = #tpu.reduction_kind<sum>} : vector<16xi1> -> vector<16xi32>
          %all_reduce_population_count3A_452 = tpu.all_reduce %gt3A_405 {dim = 0 : i64, kind = #tpu.reduction_kind<sum>} : vector<16xi1> -> vector<16xi32>
          %add3A_453 = arith.addi %all_reduce_population_count3A, %all_reduce_population_count3A_446 : vector<16xi32>
          %add3A_454 = arith.addi %all_reduce_population_count3A_447, %all_reduce_population_count3A_448 : vector<16xi32>
          %add3A_455 = arith.addi %all_reduce_population_count3A_449, %all_reduce_population_count3A_450 : vector<16xi32>
          %add3A_456 = arith.addi %all_reduce_population_count3A_451, %all_reduce_population_count3A_452 : vector<16xi32>
          %add3A_457 = arith.addi %add3A_453, %add3A_454 : vector<16xi32>
          %add3A_458 = arith.addi %add3A_455, %add3A_456 : vector<16xi32>
          %add3A_459 = arith.addi %add3A_457, %add3A_458 : vector<16xi32>
          %add3A_460 = arith.addi %scan3A_266, %add3A_459 : vector<16xi32>
          scf.yield %add3A_413, %add3A_445, %add3A_460 : vector<16xf32>, vector<16xf32>, vector<16xi32>
        }
        %scan3A_214 = arith.constant 128 : i32
        %lt3A_215 = arith.constant 3 : i32
        %lt3A_216 = arith.cmpi slt, %scan3A_132, %lt3A_215 : i32
        %convert_element_type3A_217 = arith.extui %lt3A_216 : i1 to i32
        %cond3A_218 = arith.constant 0 : i32
        %cond3A_219 = arith.cmpi ne, %convert_element_type3A_217, %cond3A_218 : i32
        scf.if %cond3A_219 {
          %mul3A_263 = arith.constant 2 : i32
          %mul3A_264 = arith.muli %mul3A_263, %scan3A_132 : i32
          %add3A_265 = arith.addi %mul3A_72, %mul3A_264 : i32
          %add3A_266 = arith.constant 2 : i32
          %add3A_267 = arith.addi %add3A_265, %add3A_266 : i32
          %mul3A_268 = arith.constant 32 : i32
          %mul3A_269 = arith.muli %add3A_267, %mul3A_268 : i32
          %dma_start3A_270 = arith.constant 0 : i32
          %dma_start3A_271 = arith.constant 0 : i32
          %dma_start3A_272 = arith.constant 0 : i32
          %dma_start3A_273 = tpu.memref_slice %arg6[%dma_start3A_270, %dma_start3A_271, %dma_start3A_272] : memref<2x32x512xf32, #tpu.memory_space<vmem>> -> memref<1x32x512xf32, #tpu.memory_space<vmem>>
          %dma_start3A_274 = tpu.memref_squeeze %dma_start3A_273 : memref<1x32x512xf32, #tpu.memory_space<vmem>> -> memref<32x512xf32, #tpu.memory_space<vmem>>
          %dma_start3A_275 = arith.constant 0 : i32
          %dma_start3A_276 = tpu.memref_slice %arg2[%select_n3A_54, %select_n3A_70, %mul3A_269, %dma_start3A_275] : memref<16x2x512x512xf32, #tpu.memory_space<hbm>> -> memref<1x1x32x512xf32, #tpu.memory_space<hbm>>
          %dma_start3A_277 = tpu.memref_squeeze %dma_start3A_276 : memref<1x1x32x512xf32, #tpu.memory_space<hbm>> -> memref<32x512xf32, #tpu.memory_space<hbm>>
          %dma_start3A_278 = arith.constant 0 : i32
          %dma_start3A_279 = arith.constant 0 : i32
          %dma_start3A_280 = tpu.memref_slice %arg6[%dma_start3A_270, %dma_start3A_278, %dma_start3A_279] : memref<2x32x512xf32, #tpu.memory_space<vmem>> -> memref<1x32x512xf32, #tpu.memory_space<vmem>>
          %dma_start3A_281 = tpu.memref_squeeze %dma_start3A_280 : memref<1x32x512xf32, #tpu.memory_space<vmem>> -> memref<32x512xf32, #tpu.memory_space<vmem>>
          %dma_start3A_282 = arith.constant 0 : i32
          %dma_start3A_283 = tpu.memref_slice %arg2[%select_n3A_54, %select_n3A_70, %mul3A_269, %dma_start3A_282] : memref<16x2x512x512xf32, #tpu.memory_space<hbm>> -> memref<1x1x32x512xf32, #tpu.memory_space<hbm>>
          %dma_start3A_284 = tpu.memref_squeeze %dma_start3A_283 : memref<1x1x32x512xf32, #tpu.memory_space<hbm>> -> memref<32x512xf32, #tpu.memory_space<hbm>>
          tpu.enqueue_dma source(%dma_start3A_284 : memref<32x512xf32, #tpu.memory_space<hbm>>) target(%dma_start3A_281 : memref<32x512xf32, #tpu.memory_space<vmem>>) target_semaphore(%arg9 : memref<!tpu.dma_semaphore, #tpu.memory_space<semaphore_mem>>)
          %dma_start3A_285 = arith.constant 0 : i32
          %dma_start3A_286 = arith.constant 0 : i32
          %dma_start3A_287 = arith.constant 0 : i32
          %dma_start3A_288 = tpu.memref_slice %arg7[%dma_start3A_285, %dma_start3A_286, %dma_start3A_287] : memref<2x32x512xf32, #tpu.memory_space<vmem>> -> memref<1x32x512xf32, #tpu.memory_space<vmem>>
          %dma_start3A_289 = tpu.memref_squeeze %dma_start3A_288 : memref<1x32x512xf32, #tpu.memory_space<vmem>> -> memref<32x512xf32, #tpu.memory_space<vmem>>
          %dma_start3A_290 = arith.constant 0 : i32
          %dma_start3A_291 = tpu.memref_slice %arg3[%select_n3A_54, %mul3A_269, %dma_start3A_290] : memref<16x512x512xf32, #tpu.memory_space<hbm>> -> memref<1x32x512xf32, #tpu.memory_space<hbm>>
          %dma_start3A_292 = tpu.memref_squeeze %dma_start3A_291 : memref<1x32x512xf32, #tpu.memory_space<hbm>> -> memref<32x512xf32, #tpu.memory_space<hbm>>
          %dma_start3A_293 = arith.constant 0 : i32
          %dma_start3A_294 = arith.constant 0 : i32
          %dma_start3A_295 = tpu.memref_slice %arg7[%dma_start3A_285, %dma_start3A_293, %dma_start3A_294] : memref<2x32x512xf32, #tpu.memory_space<vmem>> -> memref<1x32x512xf32, #tpu.memory_space<vmem>>
          %dma_start3A_296 = tpu.memref_squeeze %dma_start3A_295 : memref<1x32x512xf32, #tpu.memory_space<vmem>> -> memref<32x512xf32, #tpu.memory_space<vmem>>
          %dma_start3A_297 = arith.constant 0 : i32
          %dma_start3A_298 = tpu.memref_slice %arg3[%select_n3A_54, %mul3A_269, %dma_start3A_297] : memref<16x512x512xf32, #tpu.memory_space<hbm>> -> memref<1x32x512xf32, #tpu.memory_space<hbm>>
          %dma_start3A_299 = tpu.memref_squeeze %dma_start3A_298 : memref<1x32x512xf32, #tpu.memory_space<hbm>> -> memref<32x512xf32, #tpu.memory_space<hbm>>
          tpu.enqueue_dma source(%dma_start3A_299 : memref<32x512xf32, #tpu.memory_space<hbm>>) target(%dma_start3A_296 : memref<32x512xf32, #tpu.memory_space<vmem>>) target_semaphore(%arg11 : memref<!tpu.dma_semaphore, #tpu.memory_space<semaphore_mem>>)
        } else {
        }
        %dma_wait3A_220 = arith.constant 0 : i32
        %dma_wait3A_221 = arith.constant 0 : i32
        %dma_wait3A_222 = arith.constant 1 : i32
        %dma_wait3A_223 = arith.constant 0 : i32
        %dma_wait3A_224 = arith.constant 0 : i32
        %dma_wait3A_225 = tpu.memref_slice %arg6[%dma_wait3A_222, %dma_wait3A_223, %dma_wait3A_224] : memref<2x32x512xf32, #tpu.memory_space<vmem>> -> memref<1x32x512xf32, #tpu.memory_space<vmem>>
        %dma_wait3A_226 = tpu.memref_squeeze %dma_wait3A_225 : memref<1x32x512xf32, #tpu.memory_space<vmem>> -> memref<32x512xf32, #tpu.memory_space<vmem>>
        %dma_wait3A_227 = arith.constant 0 : i32
        %dma_wait3A_228 = arith.constant 0 : i32
        %dma_wait3A_229 = tpu.memref_slice %arg2[%dma_wait3A_220, %dma_wait3A_221, %dma_wait3A_227, %dma_wait3A_228] : memref<16x2x512x512xf32, #tpu.memory_space<hbm>> -> memref<1x1x32x512xf32, #tpu.memory_space<hbm>>
        %dma_wait3A_230 = tpu.memref_squeeze %dma_wait3A_229 : memref<1x1x32x512xf32, #tpu.memory_space<hbm>> -> memref<32x512xf32, #tpu.memory_space<hbm>>
        %dma_wait3A_231 = arith.constant 0 : i32
        %dma_wait3A_232 = arith.constant 0 : i32
        %dma_wait3A_233 = tpu.memref_slice %arg6[%dma_wait3A_222, %dma_wait3A_231, %dma_wait3A_232] : memref<2x32x512xf32, #tpu.memory_space<vmem>> -> memref<1x32x512xf32, #tpu.memory_space<vmem>>
        %dma_wait3A_234 = tpu.memref_squeeze %dma_wait3A_233 : memref<1x32x512xf32, #tpu.memory_space<vmem>> -> memref<32x512xf32, #tpu.memory_space<vmem>>
        %dma_wait3A_235 = arith.constant 0 : i32
        %dma_wait3A_236 = arith.constant 0 : i32
        %dma_wait3A_237 = tpu.memref_slice %arg2[%dma_wait3A_220, %dma_wait3A_221, %dma_wait3A_235, %dma_wait3A_236] : memref<16x2x512x512xf32, #tpu.memory_space<hbm>> -> memref<1x1x32x512xf32, #tpu.memory_space<hbm>>
        %dma_wait3A_238 = tpu.memref_squeeze %dma_wait3A_237 : memref<1x1x32x512xf32, #tpu.memory_space<hbm>> -> memref<32x512xf32, #tpu.memory_space<hbm>>
        tpu.wait_dma2 semaphore(%arg10 : memref<!tpu.dma_semaphore, #tpu.memory_space<semaphore_mem>>) src(%dma_wait3A_238 : memref<32x512xf32, #tpu.memory_space<hbm>>) dst(%dma_wait3A_234 : memref<32x512xf32, #tpu.memory_space<vmem>>)
        %dma_wait3A_239 = arith.constant 0 : i32
        %dma_wait3A_240 = arith.constant 1 : i32
        %dma_wait3A_241 = arith.constant 0 : i32
        %dma_wait3A_242 = arith.constant 0 : i32
        %dma_wait3A_243 = tpu.memref_slice %arg7[%dma_wait3A_240, %dma_wait3A_241, %dma_wait3A_242] : memref<2x32x512xf32, #tpu.memory_space<vmem>> -> memref<1x32x512xf32, #tpu.memory_space<vmem>>
        %dma_wait3A_244 = tpu.memref_squeeze %dma_wait3A_243 : memref<1x32x512xf32, #tpu.memory_space<vmem>> -> memref<32x512xf32, #tpu.memory_space<vmem>>
        %dma_wait3A_245 = arith.constant 0 : i32
        %dma_wait3A_246 = arith.constant 0 : i32
        %dma_wait3A_247 = tpu.memref_slice %arg3[%dma_wait3A_239, %dma_wait3A_245, %dma_wait3A_246] : memref<16x512x512xf32, #tpu.memory_space<hbm>> -> memref<1x32x512xf32, #tpu.memory_space<hbm>>
        %dma_wait3A_248 = tpu.memref_squeeze %dma_wait3A_247 : memref<1x32x512xf32, #tpu.memory_space<hbm>> -> memref<32x512xf32, #tpu.memory_space<hbm>>
        %dma_wait3A_249 = arith.constant 0 : i32
        %dma_wait3A_250 = arith.constant 0 : i32
        %dma_wait3A_251 = tpu.memref_slice %arg7[%dma_wait3A_240, %dma_wait3A_249, %dma_wait3A_250] : memref<2x32x512xf32, #tpu.memory_space<vmem>> -> memref<1x32x512xf32, #tpu.memory_space<vmem>>
        %dma_wait3A_252 = tpu.memref_squeeze %dma_wait3A_251 : memref<1x32x512xf32, #tpu.memory_space<vmem>> -> memref<32x512xf32, #tpu.memory_space<vmem>>
        %dma_wait3A_253 = arith.constant 0 : i32
        %dma_wait3A_254 = arith.constant 0 : i32
        %dma_wait3A_255 = tpu.memref_slice %arg3[%dma_wait3A_239, %dma_wait3A_253, %dma_wait3A_254] : memref<16x512x512xf32, #tpu.memory_space<hbm>> -> memref<1x32x512xf32, #tpu.memory_space<hbm>>
        %dma_wait3A_256 = tpu.memref_squeeze %dma_wait3A_255 : memref<1x32x512xf32, #tpu.memory_space<hbm>> -> memref<32x512xf32, #tpu.memory_space<hbm>>
        tpu.wait_dma2 semaphore(%arg12 : memref<!tpu.dma_semaphore, #tpu.memory_space<semaphore_mem>>) src(%dma_wait3A_256 : memref<32x512xf32, #tpu.memory_space<hbm>>) dst(%dma_wait3A_252 : memref<32x512xf32, #tpu.memory_space<vmem>>)
        %scan3A_257 = arith.constant 0 : i32
        %scan3A_258 = arith.constant 128 : i32
        %scan3A_259 = arith.addi %scan3A_257, %scan3A_258 : i32
        %scan3A_260 = arith.constant 1 : i32
        %scan3A_261:3 = scf.for %scan3A_263 = %scan3A_257 to %scan3A_259 step %scan3A_260 iter_args(%scan3A_264 = %scan3A_213#0, %scan3A_265 = %scan3A_213#1, %scan3A_266 = %scan3A_213#2) -> (vector<16xf32>, vector<16xf32>, vector<16xi32>)  : i32 {
          %shift_right_arithmetic3A = arith.constant 2 : i32
          %shift_right_arithmetic3A_267 = arith.shrsi %scan3A_263, %shift_right_arithmetic3A : i32
          %and3A_268 = arith.constant 3 : i32
          %and3A_269 = arith.andi %scan3A_263, %and3A_268 : i32
          %mul3A_270 = arith.constant 128 : i32
          %mul3A_271 = arith.muli %and3A_269, %mul3A_270 : i32
          %add3A_272 = arith.constant 0 : i32
          %add3A_273 = arith.addi %mul3A_271, %add3A_272 : i32
          %get3A = arith.constant 1 : i32
          %get3A_274 = arith.index_cast %get3A : i32 to index
          %get3A_275 = arith.index_cast %shift_right_arithmetic3A_267 : i32 to index
          %get3A_276 = arith.index_cast %add3A_273 : i32 to index
          %get3A_277 = tpu.vector_load %arg6[%get3A_274, %get3A_275, %get3A_276] {strides = array<i32>} : memref<2x32x512xf32, #tpu.memory_space<vmem>>, vector<16xf32>,
          %get3A_278 = arith.constant 1 : i32
          %get3A_279 = arith.index_cast %get3A_278 : i32 to index
          %get3A_280 = arith.index_cast %shift_right_arithmetic3A_267 : i32 to index
          %get3A_281 = arith.index_cast %add3A_273 : i32 to index
          %get3A_282 = tpu.vector_load %arg7[%get3A_279, %get3A_280, %get3A_281] {strides = array<i32>} : memref<2x32x512xf32, #tpu.memory_space<vmem>>, vector<16xf32>,
          %sub3A_283 = arith.subf %get3A_277, %get3A_282 : vector<16xf32>
          %mul3A_284 = arith.mulf %sub3A_283, %sub3A_283 : vector<16xf32>
          %gt3A = arith.constant 0.000000e+00 : f32
          %gt3A_285 = vector.broadcast %gt3A : f32 to vector<16xf32>
          %gt3A_286 = arith.cmpf ogt, %get3A_282, %gt3A_285 : vector<16xf32>
          %add3A_287 = arith.constant 16 : i32
          %add3A_288 = arith.addi %mul3A_271, %add3A_287 : i32
          %get3A_289 = arith.constant 1 : i32
          %get3A_290 = arith.index_cast %get3A_289 : i32 to index
          %get3A_291 = arith.index_cast %shift_right_arithmetic3A_267 : i32 to index
          %get3A_292 = arith.index_cast %add3A_288 : i32 to index
          %get3A_293 = tpu.vector_load %arg6[%get3A_290, %get3A_291, %get3A_292] {strides = array<i32>} : memref<2x32x512xf32, #tpu.memory_space<vmem>>, vector<16xf32>,
          %get3A_294 = arith.constant 1 : i32
          %get3A_295 = arith.index_cast %get3A_294 : i32 to index
          %get3A_296 = arith.index_cast %shift_right_arithmetic3A_267 : i32 to index
          %get3A_297 = arith.index_cast %add3A_288 : i32 to index
          %get3A_298 = tpu.vector_load %arg7[%get3A_295, %get3A_296, %get3A_297] {strides = array<i32>} : memref<2x32x512xf32, #tpu.memory_space<vmem>>, vector<16xf32>,
          %sub3A_299 = arith.subf %get3A_293, %get3A_298 : vector<16xf32>
          %mul3A_300 = arith.mulf %sub3A_299, %sub3A_299 : vector<16xf32>
          %gt3A_301 = arith.constant 0.000000e+00 : f32
          %gt3A_302 = vector.broadcast %gt3A_301 : f32 to vector<16xf32>
          %gt3A_303 = arith.cmpf ogt, %get3A_298, %gt3A_302 : vector<16xf32>
          %add3A_304 = arith.constant 32 : i32
          %add3A_305 = arith.addi %mul3A_271, %add3A_304 : i32
          %get3A_306 = arith.constant 1 : i32
          %get3A_307 = arith.index_cast %get3A_306 : i32 to index
          %get3A_308 = arith.index_cast %shift_right_arithmetic3A_267 : i32 to index
          %get3A_309 = arith.index_cast %add3A_305 : i32 to index
          %get3A_310 = tpu.vector_load %arg6[%get3A_307, %get3A_308, %get3A_309] {strides = array<i32>} : memref<2x32x512xf32, #tpu.memory_space<vmem>>, vector<16xf32>,
          %get3A_311 = arith.constant 1 : i32
          %get3A_312 = arith.index_cast %get3A_311 : i32 to index
          %get3A_313 = arith.index_cast %shift_right_arithmetic3A_267 : i32 to index
          %get3A_314 = arith.index_cast %add3A_305 : i32 to index
          %get3A_315 = tpu.vector_load %arg7[%get3A_312, %get3A_313, %get3A_314] {strides = array<i32>} : memref<2x32x512xf32, #tpu.memory_space<vmem>>, vector<16xf32>,
          %sub3A_316 = arith.subf %get3A_310, %get3A_315 : vector<16xf32>
          %mul3A_317 = arith.mulf %sub3A_316, %sub3A_316 : vector<16xf32>
          %gt3A_318 = arith.constant 0.000000e+00 : f32
          %gt3A_319 = vector.broadcast %gt3A_318 : f32 to vector<16xf32>
          %gt3A_320 = arith.cmpf ogt, %get3A_315, %gt3A_319 : vector<16xf32>
          %add3A_321 = arith.constant 48 : i32
          %add3A_322 = arith.addi %mul3A_271, %add3A_321 : i32
          %get3A_323 = arith.constant 1 : i32
          %get3A_324 = arith.index_cast %get3A_323 : i32 to index
          %get3A_325 = arith.index_cast %shift_right_arithmetic3A_267 : i32 to index
          %get3A_326 = arith.index_cast %add3A_322 : i32 to index
          %get3A_327 = tpu.vector_load %arg6[%get3A_324, %get3A_325, %get3A_326] {strides = array<i32>} : memref<2x32x512xf32, #tpu.memory_space<vmem>>, vector<16xf32>,
          %get3A_328 = arith.constant 1 : i32
          %get3A_329 = arith.index_cast %get3A_328 : i32 to index
          %get3A_330 = arith.index_cast %shift_right_arithmetic3A_267 : i32 to index
          %get3A_331 = arith.index_cast %add3A_322 : i32 to index
          %get3A_332 = tpu.vector_load %arg7[%get3A_329, %get3A_330, %get3A_331] {strides = array<i32>} : memref<2x32x512xf32, #tpu.memory_space<vmem>>, vector<16xf32>,
          %sub3A_333 = arith.subf %get3A_327, %get3A_332 : vector<16xf32>
          %mul3A_334 = arith.mulf %sub3A_333, %sub3A_333 : vector<16xf32>
          %gt3A_335 = arith.constant 0.000000e+00 : f32
          %gt3A_336 = vector.broadcast %gt3A_335 : f32 to vector<16xf32>
          %gt3A_337 = arith.cmpf ogt, %get3A_332, %gt3A_336 : vector<16xf32>
          %add3A_338 = arith.constant 64 : i32
          %add3A_339 = arith.addi %mul3A_271, %add3A_338 : i32
          %get3A_340 = arith.constant 1 : i32
          %get3A_341 = arith.index_cast %get3A_340 : i32 to index
          %get3A_342 = arith.index_cast %shift_right_arithmetic3A_267 : i32 to index
          %get3A_343 = arith.index_cast %add3A_339 : i32 to index
          %get3A_344 = tpu.vector_load %arg6[%get3A_341, %get3A_342, %get3A_343] {strides = array<i32>} : memref<2x32x512xf32, #tpu.memory_space<vmem>>, vector<16xf32>,
          %get3A_345 = arith.constant 1 : i32
          %get3A_346 = arith.index_cast %get3A_345 : i32 to index
          %get3A_347 = arith.index_cast %shift_right_arithmetic3A_267 : i32 to index
          %get3A_348 = arith.index_cast %add3A_339 : i32 to index
          %get3A_349 = tpu.vector_load %arg7[%get3A_346, %get3A_347, %get3A_348] {strides = array<i32>} : memref<2x32x512xf32, #tpu.memory_space<vmem>>, vector<16xf32>,
          %sub3A_350 = arith.subf %get3A_344, %get3A_349 : vector<16xf32>
          %mul3A_351 = arith.mulf %sub3A_350, %sub3A_350 : vector<16xf32>
          %gt3A_352 = arith.constant 0.000000e+00 : f32
          %gt3A_353 = vector.broadcast %gt3A_352 : f32 to vector<16xf32>
          %gt3A_354 = arith.cmpf ogt, %get3A_349, %gt3A_353 : vector<16xf32>
          %add3A_355 = arith.constant 80 : i32
          %add3A_356 = arith.addi %mul3A_271, %add3A_355 : i32
          %get3A_357 = arith.constant 1 : i32
          %get3A_358 = arith.index_cast %get3A_357 : i32 to index
          %get3A_359 = arith.index_cast %shift_right_arithmetic3A_267 : i32 to index
          %get3A_360 = arith.index_cast %add3A_356 : i32 to index
          %get3A_361 = tpu.vector_load %arg6[%get3A_358, %get3A_359, %get3A_360] {strides = array<i32>} : memref<2x32x512xf32, #tpu.memory_space<vmem>>, vector<16xf32>,
          %get3A_362 = arith.constant 1 : i32
          %get3A_363 = arith.index_cast %get3A_362 : i32 to index
          %get3A_364 = arith.index_cast %shift_right_arithmetic3A_267 : i32 to index
          %get3A_365 = arith.index_cast %add3A_356 : i32 to index
          %get3A_366 = tpu.vector_load %arg7[%get3A_363, %get3A_364, %get3A_365] {strides = array<i32>} : memref<2x32x512xf32, #tpu.memory_space<vmem>>, vector<16xf32>,
          %sub3A_367 = arith.subf %get3A_361, %get3A_366 : vector<16xf32>
          %mul3A_368 = arith.mulf %sub3A_367, %sub3A_367 : vector<16xf32>
          %gt3A_369 = arith.constant 0.000000e+00 : f32
          %gt3A_370 = vector.broadcast %gt3A_369 : f32 to vector<16xf32>
          %gt3A_371 = arith.cmpf ogt, %get3A_366, %gt3A_370 : vector<16xf32>
          %add3A_372 = arith.constant 96 : i32
          %add3A_373 = arith.addi %mul3A_271, %add3A_372 : i32
          %get3A_374 = arith.constant 1 : i32
          %get3A_375 = arith.index_cast %get3A_374 : i32 to index
          %get3A_376 = arith.index_cast %shift_right_arithmetic3A_267 : i32 to index
          %get3A_377 = arith.index_cast %add3A_373 : i32 to index
          %get3A_378 = tpu.vector_load %arg6[%get3A_375, %get3A_376, %get3A_377] {strides = array<i32>} : memref<2x32x512xf32, #tpu.memory_space<vmem>>, vector<16xf32>,
          %get3A_379 = arith.constant 1 : i32
          %get3A_380 = arith.index_cast %get3A_379 : i32 to index
          %get3A_381 = arith.index_cast %shift_right_arithmetic3A_267 : i32 to index
          %get3A_382 = arith.index_cast %add3A_373 : i32 to index
          %get3A_383 = tpu.vector_load %arg7[%get3A_380, %get3A_381, %get3A_382] {strides = array<i32>} : memref<2x32x512xf32, #tpu.memory_space<vmem>>, vector<16xf32>,
          %sub3A_384 = arith.subf %get3A_378, %get3A_383 : vector<16xf32>
          %mul3A_385 = arith.mulf %sub3A_384, %sub3A_384 : vector<16xf32>
          %gt3A_386 = arith.constant 0.000000e+00 : f32
          %gt3A_387 = vector.broadcast %gt3A_386 : f32 to vector<16xf32>
          %gt3A_388 = arith.cmpf ogt, %get3A_383, %gt3A_387 : vector<16xf32>
          %add3A_389 = arith.constant 112 : i32
          %add3A_390 = arith.addi %mul3A_271, %add3A_389 : i32
          %get3A_391 = arith.constant 1 : i32
          %get3A_392 = arith.index_cast %get3A_391 : i32 to index
          %get3A_393 = arith.index_cast %shift_right_arithmetic3A_267 : i32 to index
          %get3A_394 = arith.index_cast %add3A_390 : i32 to index
          %get3A_395 = tpu.vector_load %arg6[%get3A_392, %get3A_393, %get3A_394] {strides = array<i32>} : memref<2x32x512xf32, #tpu.memory_space<vmem>>, vector<16xf32>,
          %get3A_396 = arith.constant 1 : i32
          %get3A_397 = arith.index_cast %get3A_396 : i32 to index
          %get3A_398 = arith.index_cast %shift_right_arithmetic3A_267 : i32 to index
          %get3A_399 = arith.index_cast %add3A_390 : i32 to index
          %get3A_400 = tpu.vector_load %arg7[%get3A_397, %get3A_398, %get3A_399] {strides = array<i32>} : memref<2x32x512xf32, #tpu.memory_space<vmem>>, vector<16xf32>,
          %sub3A_401 = arith.subf %get3A_395, %get3A_400 : vector<16xf32>
          %mul3A_402 = arith.mulf %sub3A_401, %sub3A_401 : vector<16xf32>
          %gt3A_403 = arith.constant 0.000000e+00 : f32
          %gt3A_404 = vector.broadcast %gt3A_403 : f32 to vector<16xf32>
          %gt3A_405 = arith.cmpf ogt, %get3A_400, %gt3A_404 : vector<16xf32>
          %add3A_406 = arith.addf %mul3A_284, %mul3A_300 : vector<16xf32>
          %add3A_407 = arith.addf %mul3A_317, %mul3A_334 : vector<16xf32>
          %add3A_408 = arith.addf %mul3A_351, %mul3A_368 : vector<16xf32>
          %add3A_409 = arith.addf %mul3A_385, %mul3A_402 : vector<16xf32>
          %add3A_410 = arith.addf %add3A_406, %add3A_407 : vector<16xf32>
          %add3A_411 = arith.addf %add3A_408, %add3A_409 : vector<16xf32>
          %add3A_412 = arith.addf %add3A_410, %add3A_411 : vector<16xf32>
          %add3A_413 = arith.addf %scan3A_264, %add3A_412 : vector<16xf32>
          %jit3A_414 = arith.constant 0.000000e+00 : f32
          %broadcast_in_dim3A_415 = vector.broadcast %jit3A_414 : f32 to vector<16xf32>
          %select_n3A_416 = arith.select %gt3A_286, %mul3A_284, %broadcast_in_dim3A_415 : vector<16xi1>, vector<16xf32>
          %jit3A_417 = arith.constant 0.000000e+00 : f32
          %broadcast_in_dim3A_418 = vector.broadcast %jit3A_417 : f32 to vector<16xf32>
          %select_n3A_419 = arith.select %gt3A_303, %mul3A_300, %broadcast_in_dim3A_418 : vector<16xi1>, vector<16xf32>
          %jit3A_420 = arith.constant 0.000000e+00 : f32
          %broadcast_in_dim3A_421 = vector.broadcast %jit3A_420 : f32 to vector<16xf32>
          %select_n3A_422 = arith.select %gt3A_320, %mul3A_317, %broadcast_in_dim3A_421 : vector<16xi1>, vector<16xf32>
          %jit3A_423 = arith.constant 0.000000e+00 : f32
          %broadcast_in_dim3A_424 = vector.broadcast %jit3A_423 : f32 to vector<16xf32>
          %select_n3A_425 = arith.select %gt3A_337, %mul3A_334, %broadcast_in_dim3A_424 : vector<16xi1>, vector<16xf32>
          %jit3A_426 = arith.constant 0.000000e+00 : f32
          %broadcast_in_dim3A_427 = vector.broadcast %jit3A_426 : f32 to vector<16xf32>
          %select_n3A_428 = arith.select %gt3A_354, %mul3A_351, %broadcast_in_dim3A_427 : vector<16xi1>, vector<16xf32>
          %jit3A_429 = arith.constant 0.000000e+00 : f32
          %broadcast_in_dim3A_430 = vector.broadcast %jit3A_429 : f32 to vector<16xf32>
          %select_n3A_431 = arith.select %gt3A_371, %mul3A_368, %broadcast_in_dim3A_430 : vector<16xi1>, vector<16xf32>
          %jit3A_432 = arith.constant 0.000000e+00 : f32
          %broadcast_in_dim3A_433 = vector.broadcast %jit3A_432 : f32 to vector<16xf32>
          %select_n3A_434 = arith.select %gt3A_388, %mul3A_385, %broadcast_in_dim3A_433 : vector<16xi1>, vector<16xf32>
          %jit3A_435 = arith.constant 0.000000e+00 : f32
          %broadcast_in_dim3A_436 = vector.broadcast %jit3A_435 : f32 to vector<16xf32>
          %select_n3A_437 = arith.select %gt3A_405, %mul3A_402, %broadcast_in_dim3A_436 : vector<16xi1>, vector<16xf32>
          %add3A_438 = arith.addf %select_n3A_416, %select_n3A_419 : vector<16xf32>
          %add3A_439 = arith.addf %select_n3A_422, %select_n3A_425 : vector<16xf32>
          %add3A_440 = arith.addf %select_n3A_428, %select_n3A_431 : vector<16xf32>
          %add3A_441 = arith.addf %select_n3A_434, %select_n3A_437 : vector<16xf32>
          %add3A_442 = arith.addf %add3A_438, %add3A_439 : vector<16xf32>
          %add3A_443 = arith.addf %add3A_440, %add3A_441 : vector<16xf32>
          %add3A_444 = arith.addf %add3A_442, %add3A_443 : vector<16xf32>
          %add3A_445 = arith.addf %scan3A_265, %add3A_444 : vector<16xf32>
          %all_reduce_population_count3A = tpu.all_reduce %gt3A_286 {dim = 0 : i64, kind = #tpu.reduction_kind<sum>} : vector<16xi1> -> vector<16xi32>
          %all_reduce_population_count3A_446 = tpu.all_reduce %gt3A_303 {dim = 0 : i64, kind = #tpu.reduction_kind<sum>} : vector<16xi1> -> vector<16xi32>
          %all_reduce_population_count3A_447 = tpu.all_reduce %gt3A_320 {dim = 0 : i64, kind = #tpu.reduction_kind<sum>} : vector<16xi1> -> vector<16xi32>
          %all_reduce_population_count3A_448 = tpu.all_reduce %gt3A_337 {dim = 0 : i64, kind = #tpu.reduction_kind<sum>} : vector<16xi1> -> vector<16xi32>
          %all_reduce_population_count3A_449 = tpu.all_reduce %gt3A_354 {dim = 0 : i64, kind = #tpu.reduction_kind<sum>} : vector<16xi1> -> vector<16xi32>
          %all_reduce_population_count3A_450 = tpu.all_reduce %gt3A_371 {dim = 0 : i64, kind = #tpu.reduction_kind<sum>} : vector<16xi1> -> vector<16xi32>
          %all_reduce_population_count3A_451 = tpu.all_reduce %gt3A_388 {dim = 0 : i64, kind = #tpu.reduction_kind<sum>} : vector<16xi1> -> vector<16xi32>
          %all_reduce_population_count3A_452 = tpu.all_reduce %gt3A_405 {dim = 0 : i64, kind = #tpu.reduction_kind<sum>} : vector<16xi1> -> vector<16xi32>
          %add3A_453 = arith.addi %all_reduce_population_count3A, %all_reduce_population_count3A_446 : vector<16xi32>
          %add3A_454 = arith.addi %all_reduce_population_count3A_447, %all_reduce_population_count3A_448 : vector<16xi32>
          %add3A_455 = arith.addi %all_reduce_population_count3A_449, %all_reduce_population_count3A_450 : vector<16xi32>
          %add3A_456 = arith.addi %all_reduce_population_count3A_451, %all_reduce_population_count3A_452 : vector<16xi32>
          %add3A_457 = arith.addi %add3A_453, %add3A_454 : vector<16xi32>
          %add3A_458 = arith.addi %add3A_455, %add3A_456 : vector<16xi32>
          %add3A_459 = arith.addi %add3A_457, %add3A_458 : vector<16xi32>
          %add3A_460 = arith.addi %scan3A_266, %add3A_459 : vector<16xi32>
          scf.yield %add3A_413, %add3A_445, %add3A_460 : vector<16xf32>, vector<16xf32>, vector<16xi32>
        }
        %scan3A_262 = arith.constant 128 : i32
        scf.yield %scan3A_261#0, %scan3A_261#1, %scan3A_261#2 : vector<16xf32>, vector<16xf32>, vector<16xi32>
      }
      %scan3A_119 = arith.constant 4 : i32
      %swap3A = arith.constant 0 : i32
      %swap3A_120 = arith.index_cast %swap3A : i32 to index
      %swap3A_121 = arith.constant 0 : index
      %swap3A_122 = tpu.vector_load %arg8[%swap3A_120, %swap3A_121] {strides = array<i32>} : memref<8x128xf32, #tpu.memory_space<vmem>>, vector<16xf32>,
      tpu.vector_store %arg8[%swap3A_120, %swap3A_121], %scan3A_118#0 {strides = array<i32>} : memref<8x128xf32, #tpu.memory_space<vmem>>, vector<16xf32>,
      %swap3A_123 = arith.constant 1 : i32
      %swap3A_124 = arith.index_cast %swap3A_123 : i32 to index
      %swap3A_125 = arith.constant 0 : index
      %swap3A_126 = tpu.vector_load %arg8[%swap3A_124, %swap3A_125] {strides = array<i32>} : memref<8x128xf32, #tpu.memory_space<vmem>>, vector<16xf32>,
      tpu.vector_store %arg8[%swap3A_124, %swap3A_125], %scan3A_118#1 {strides = array<i32>} : memref<8x128xf32, #tpu.memory_space<vmem>>, vector<16xf32>,
      %convert_element_type3A_127 = arith.sitofp %scan3A_118#2 : vector<16xi32> to vector<16xf32>
      %swap3A_128 = arith.constant 2 : i32
      %swap3A_129 = arith.index_cast %swap3A_128 : i32 to index
      %swap3A_130 = arith.constant 0 : index
      %swap3A_131 = tpu.vector_load %arg8[%swap3A_129, %swap3A_130] {strides = array<i32>} : memref<8x128xf32, #tpu.memory_space<vmem>>, vector<16xf32>,
      tpu.vector_store %arg8[%swap3A_129, %swap3A_130], %convert_element_type3A_127 {strides = array<i32>} : memref<8x128xf32, #tpu.memory_space<vmem>>, vector<16xf32>,
      "tpu.region"() ({
        %run_scoped3A = tpu.sem_alloc : memref<!tpu.dma_semaphore, #tpu.memory_space<semaphore_mem>>
        %dma_start3A_132 = arith.constant 0 : i32
        %dma_start3A_133 = arith.constant 0 : i32
        %dma_start3A_134 = tpu.memref_slice %arg5[%add3A, %dma_start3A_132, %dma_start3A_133] : memref<32x8x128xf32, #tpu.memory_space<hbm>> -> memref<1x8x128xf32, #tpu.memory_space<hbm>>
        %dma_start3A_135 = tpu.memref_squeeze %dma_start3A_134 : memref<1x8x128xf32, #tpu.memory_space<hbm>> -> memref<8x128xf32, #tpu.memory_space<hbm>>
        %dma_start3A_136 = arith.constant 0 : i32
        %dma_start3A_137 = arith.constant 0 : i32
        %dma_start3A_138 = tpu.memref_slice %arg5[%add3A, %dma_start3A_136, %dma_start3A_137] : memref<32x8x128xf32, #tpu.memory_space<hbm>> -> memref<1x8x128xf32, #tpu.memory_space<hbm>>
        %dma_start3A_139 = tpu.memref_squeeze %dma_start3A_138 : memref<1x8x128xf32, #tpu.memory_space<hbm>> -> memref<8x128xf32, #tpu.memory_space<hbm>>
        tpu.enqueue_dma source(%arg8 : memref<8x128xf32, #tpu.memory_space<vmem>>) target(%dma_start3A_139 : memref<8x128xf32, #tpu.memory_space<hbm>>) target_semaphore(%run_scoped3A : memref<!tpu.dma_semaphore, #tpu.memory_space<semaphore_mem>>)
        %dma_wait3A = arith.constant 0 : i32
        %dma_wait3A_140 = arith.constant 0 : i32
        %dma_wait3A_141 = tpu.memref_slice %arg5[%add3A, %dma_wait3A, %dma_wait3A_140] : memref<32x8x128xf32, #tpu.memory_space<hbm>> -> memref<1x8x128xf32, #tpu.memory_space<hbm>>
        %dma_wait3A_142 = tpu.memref_squeeze %dma_wait3A_141 : memref<1x8x128xf32, #tpu.memory_space<hbm>> -> memref<8x128xf32, #tpu.memory_space<hbm>>
        %dma_wait3A_143 = arith.constant 0 : i32
        %dma_wait3A_144 = arith.constant 0 : i32
        %dma_wait3A_145 = tpu.memref_slice %arg5[%add3A, %dma_wait3A_143, %dma_wait3A_144] : memref<32x8x128xf32, #tpu.memory_space<hbm>> -> memref<1x8x128xf32, #tpu.memory_space<hbm>>
        %dma_wait3A_146 = tpu.memref_squeeze %dma_wait3A_145 : memref<1x8x128xf32, #tpu.memory_space<hbm>> -> memref<8x128xf32, #tpu.memory_space<hbm>>
        tpu.wait_dma2 semaphore(%run_scoped3A : memref<!tpu.dma_semaphore, #tpu.memory_space<semaphore_mem>>) src(%arg8 : memref<8x128xf32, #tpu.memory_space<vmem>>) dst(%dma_wait3A_146 : memref<8x128xf32, #tpu.memory_space<hbm>>)
        tpu.yield
      }) : () -> ()
    } else {
    }
    %eq3A_76 = arith.constant 1 : i32
    %eq3A_77 = arith.cmpi eq, %select_n3A_70, %eq3A_76 : i32
    %convert_element_type3A_78 = arith.extui %eq3A_77 : i1 to i32
    %cond3A_79 = arith.constant 0 : i32
    %cond3A_80 = arith.cmpi ne, %convert_element_type3A_78, %cond3A_79 : i32
    scf.if %cond3A_80 {
      %broadcast_in_dim3A = arith.constant 0.000000e+00 : f32
      %broadcast_in_dim3A_81 = vector.broadcast %broadcast_in_dim3A : f32 to vector<16xf32>
      %broadcast_in_dim3A_82 = arith.constant 0 : i32
      %broadcast_in_dim3A_83 = vector.broadcast %broadcast_in_dim3A_82 : i32 to vector<16xi32>
      %mul3A_84 = arith.constant 32 : i32
      %mul3A_85 = arith.muli %mul3A_72, %mul3A_84 : i32
      %dma_start3A = arith.constant 0 : i32
      %dma_start3A_86 = arith.constant 0 : i32
      %dma_start3A_87 = arith.constant 0 : i32
      %dma_start3A_88 = tpu.memref_slice %arg6[%dma_start3A, %dma_start3A_86, %dma_start3A_87] : memref<2x32x512xf32, #tpu.memory_space<vmem>> -> memref<1x32x512xf32, #tpu.memory_space<vmem>>
      %dma_start3A_89 = tpu.memref_squeeze %dma_start3A_88 : memref<1x32x512xf32, #tpu.memory_space<vmem>> -> memref<32x512xf32, #tpu.memory_space<vmem>>
      %dma_start3A_90 = arith.constant 0 : i32
      %dma_start3A_91 = tpu.memref_slice %arg2[%select_n3A_54, %select_n3A_70, %mul3A_85, %dma_start3A_90] : memref<16x2x512x512xf32, #tpu.memory_space<hbm>> -> memref<1x1x32x512xf32, #tpu.memory_space<hbm>>
      %dma_start3A_92 = tpu.memref_squeeze %dma_start3A_91 : memref<1x1x32x512xf32, #tpu.memory_space<hbm>> -> memref<32x512xf32, #tpu.memory_space<hbm>>
      %dma_start3A_93 = arith.constant 0 : i32
      %dma_start3A_94 = arith.constant 0 : i32
      %dma_start3A_95 = tpu.memref_slice %arg6[%dma_start3A, %dma_start3A_93, %dma_start3A_94] : memref<2x32x512xf32, #tpu.memory_space<vmem>> -> memref<1x32x512xf32, #tpu.memory_space<vmem>>
      %dma_start3A_96 = tpu.memref_squeeze %dma_start3A_95 : memref<1x32x512xf32, #tpu.memory_space<vmem>> -> memref<32x512xf32, #tpu.memory_space<vmem>>
      %dma_start3A_97 = arith.constant 0 : i32
      %dma_start3A_98 = tpu.memref_slice %arg2[%select_n3A_54, %select_n3A_70, %mul3A_85, %dma_start3A_97] : memref<16x2x512x512xf32, #tpu.memory_space<hbm>> -> memref<1x1x32x512xf32, #tpu.memory_space<hbm>>
      %dma_start3A_99 = tpu.memref_squeeze %dma_start3A_98 : memref<1x1x32x512xf32, #tpu.memory_space<hbm>> -> memref<32x512xf32, #tpu.memory_space<hbm>>
      tpu.enqueue_dma source(%dma_start3A_99 : memref<32x512xf32, #tpu.memory_space<hbm>>) target(%dma_start3A_96 : memref<32x512xf32, #tpu.memory_space<vmem>>) target_semaphore(%arg9 : memref<!tpu.dma_semaphore, #tpu.memory_space<semaphore_mem>>)
      %dma_start3A_100 = arith.constant 0 : i32
      %dma_start3A_101 = arith.constant 0 : i32
      %dma_start3A_102 = arith.constant 0 : i32
      %dma_start3A_103 = tpu.memref_slice %arg7[%dma_start3A_100, %dma_start3A_101, %dma_start3A_102] : memref<2x32x512xf32, #tpu.memory_space<vmem>> -> memref<1x32x512xf32, #tpu.memory_space<vmem>>
      %dma_start3A_104 = tpu.memref_squeeze %dma_start3A_103 : memref<1x32x512xf32, #tpu.memory_space<vmem>> -> memref<32x512xf32, #tpu.memory_space<vmem>>
      %dma_start3A_105 = arith.constant 0 : i32
      %dma_start3A_106 = tpu.memref_slice %arg4[%select_n3A_54, %mul3A_85, %dma_start3A_105] : memref<16x512x512xf32, #tpu.memory_space<hbm>> -> memref<1x32x512xf32, #tpu.memory_space<hbm>>
      %dma_start3A_107 = tpu.memref_squeeze %dma_start3A_106 : memref<1x32x512xf32, #tpu.memory_space<hbm>> -> memref<32x512xf32, #tpu.memory_space<hbm>>
      %dma_start3A_108 = arith.constant 0 : i32
      %dma_start3A_109 = arith.constant 0 : i32
      %dma_start3A_110 = tpu.memref_slice %arg7[%dma_start3A_100, %dma_start3A_108, %dma_start3A_109] : memref<2x32x512xf32, #tpu.memory_space<vmem>> -> memref<1x32x512xf32, #tpu.memory_space<vmem>>
      %dma_start3A_111 = tpu.memref_squeeze %dma_start3A_110 : memref<1x32x512xf32, #tpu.memory_space<vmem>> -> memref<32x512xf32, #tpu.memory_space<vmem>>
      %dma_start3A_112 = arith.constant 0 : i32
      %dma_start3A_113 = tpu.memref_slice %arg4[%select_n3A_54, %mul3A_85, %dma_start3A_112] : memref<16x512x512xf32, #tpu.memory_space<hbm>> -> memref<1x32x512xf32, #tpu.memory_space<hbm>>
      %dma_start3A_114 = tpu.memref_squeeze %dma_start3A_113 : memref<1x32x512xf32, #tpu.memory_space<hbm>> -> memref<32x512xf32, #tpu.memory_space<hbm>>
      tpu.enqueue_dma source(%dma_start3A_114 : memref<32x512xf32, #tpu.memory_space<hbm>>) target(%dma_start3A_111 : memref<32x512xf32, #tpu.memory_space<vmem>>) target_semaphore(%arg11 : memref<!tpu.dma_semaphore, #tpu.memory_space<semaphore_mem>>)
      %scan3A = arith.constant 0 : i32
      %scan3A_115 = arith.constant 4 : i32
      %scan3A_116 = arith.addi %scan3A, %scan3A_115 : i32
      %scan3A_117 = arith.constant 1 : i32
      %scan3A_118:3 = scf.for %scan3A_132 = %scan3A to %scan3A_116 step %scan3A_117 iter_args(%scan3A_133 = %broadcast_in_dim3A_81, %scan3A_134 = %broadcast_in_dim3A_81, %scan3A_135 = %broadcast_in_dim3A_83) -> (vector<16xf32>, vector<16xf32>, vector<16xi32>)  : i32 {
        %mul3A_136 = arith.constant 2 : i32
        %mul3A_137 = arith.muli %mul3A_136, %scan3A_132 : i32
        %add3A_138 = arith.addi %mul3A_72, %mul3A_137 : i32
        %add3A_139 = arith.constant 1 : i32
        %add3A_140 = arith.addi %add3A_138, %add3A_139 : i32
        %mul3A_141 = arith.constant 32 : i32
        %mul3A_142 = arith.muli %add3A_140, %mul3A_141 : i32
        %dma_start3A_143 = arith.constant 1 : i32
        %dma_start3A_144 = arith.constant 0 : i32
        %dma_start3A_145 = arith.constant 0 : i32
        %dma_start3A_146 = tpu.memref_slice %arg6[%dma_start3A_143, %dma_start3A_144, %dma_start3A_145] : memref<2x32x512xf32, #tpu.memory_space<vmem>> -> memref<1x32x512xf32, #tpu.memory_space<vmem>>
        %dma_start3A_147 = tpu.memref_squeeze %dma_start3A_146 : memref<1x32x512xf32, #tpu.memory_space<vmem>> -> memref<32x512xf32, #tpu.memory_space<vmem>>
        %dma_start3A_148 = arith.constant 0 : i32
        %dma_start3A_149 = tpu.memref_slice %arg2[%select_n3A_54, %select_n3A_70, %mul3A_142, %dma_start3A_148] : memref<16x2x512x512xf32, #tpu.memory_space<hbm>> -> memref<1x1x32x512xf32, #tpu.memory_space<hbm>>
        %dma_start3A_150 = tpu.memref_squeeze %dma_start3A_149 : memref<1x1x32x512xf32, #tpu.memory_space<hbm>> -> memref<32x512xf32, #tpu.memory_space<hbm>>
        %dma_start3A_151 = arith.constant 0 : i32
        %dma_start3A_152 = arith.constant 0 : i32
        %dma_start3A_153 = tpu.memref_slice %arg6[%dma_start3A_143, %dma_start3A_151, %dma_start3A_152] : memref<2x32x512xf32, #tpu.memory_space<vmem>> -> memref<1x32x512xf32, #tpu.memory_space<vmem>>
        %dma_start3A_154 = tpu.memref_squeeze %dma_start3A_153 : memref<1x32x512xf32, #tpu.memory_space<vmem>> -> memref<32x512xf32, #tpu.memory_space<vmem>>
        %dma_start3A_155 = arith.constant 0 : i32
        %dma_start3A_156 = tpu.memref_slice %arg2[%select_n3A_54, %select_n3A_70, %mul3A_142, %dma_start3A_155] : memref<16x2x512x512xf32, #tpu.memory_space<hbm>> -> memref<1x1x32x512xf32, #tpu.memory_space<hbm>>
        %dma_start3A_157 = tpu.memref_squeeze %dma_start3A_156 : memref<1x1x32x512xf32, #tpu.memory_space<hbm>> -> memref<32x512xf32, #tpu.memory_space<hbm>>
        tpu.enqueue_dma source(%dma_start3A_157 : memref<32x512xf32, #tpu.memory_space<hbm>>) target(%dma_start3A_154 : memref<32x512xf32, #tpu.memory_space<vmem>>) target_semaphore(%arg10 : memref<!tpu.dma_semaphore, #tpu.memory_space<semaphore_mem>>)
        %dma_start3A_158 = arith.constant 1 : i32
        %dma_start3A_159 = arith.constant 0 : i32
        %dma_start3A_160 = arith.constant 0 : i32
        %dma_start3A_161 = tpu.memref_slice %arg7[%dma_start3A_158, %dma_start3A_159, %dma_start3A_160] : memref<2x32x512xf32, #tpu.memory_space<vmem>> -> memref<1x32x512xf32, #tpu.memory_space<vmem>>
        %dma_start3A_162 = tpu.memref_squeeze %dma_start3A_161 : memref<1x32x512xf32, #tpu.memory_space<vmem>> -> memref<32x512xf32, #tpu.memory_space<vmem>>
        %dma_start3A_163 = arith.constant 0 : i32
        %dma_start3A_164 = tpu.memref_slice %arg4[%select_n3A_54, %mul3A_142, %dma_start3A_163] : memref<16x512x512xf32, #tpu.memory_space<hbm>> -> memref<1x32x512xf32, #tpu.memory_space<hbm>>
        %dma_start3A_165 = tpu.memref_squeeze %dma_start3A_164 : memref<1x32x512xf32, #tpu.memory_space<hbm>> -> memref<32x512xf32, #tpu.memory_space<hbm>>
        %dma_start3A_166 = arith.constant 0 : i32
        %dma_start3A_167 = arith.constant 0 : i32
        %dma_start3A_168 = tpu.memref_slice %arg7[%dma_start3A_158, %dma_start3A_166, %dma_start3A_167] : memref<2x32x512xf32, #tpu.memory_space<vmem>> -> memref<1x32x512xf32, #tpu.memory_space<vmem>>
        %dma_start3A_169 = tpu.memref_squeeze %dma_start3A_168 : memref<1x32x512xf32, #tpu.memory_space<vmem>> -> memref<32x512xf32, #tpu.memory_space<vmem>>
        %dma_start3A_170 = arith.constant 0 : i32
        %dma_start3A_171 = tpu.memref_slice %arg4[%select_n3A_54, %mul3A_142, %dma_start3A_170] : memref<16x512x512xf32, #tpu.memory_space<hbm>> -> memref<1x32x512xf32, #tpu.memory_space<hbm>>
        %dma_start3A_172 = tpu.memref_squeeze %dma_start3A_171 : memref<1x32x512xf32, #tpu.memory_space<hbm>> -> memref<32x512xf32, #tpu.memory_space<hbm>>
        tpu.enqueue_dma source(%dma_start3A_172 : memref<32x512xf32, #tpu.memory_space<hbm>>) target(%dma_start3A_169 : memref<32x512xf32, #tpu.memory_space<vmem>>) target_semaphore(%arg12 : memref<!tpu.dma_semaphore, #tpu.memory_space<semaphore_mem>>)
        %dma_wait3A = arith.constant 0 : i32
        %dma_wait3A_173 = arith.constant 0 : i32
        %dma_wait3A_174 = arith.constant 0 : i32
        %dma_wait3A_175 = arith.constant 0 : i32
        %dma_wait3A_176 = arith.constant 0 : i32
        %dma_wait3A_177 = tpu.memref_slice %arg6[%dma_wait3A_174, %dma_wait3A_175, %dma_wait3A_176] : memref<2x32x512xf32, #tpu.memory_space<vmem>> -> memref<1x32x512xf32, #tpu.memory_space<vmem>>
        %dma_wait3A_178 = tpu.memref_squeeze %dma_wait3A_177 : memref<1x32x512xf32, #tpu.memory_space<vmem>> -> memref<32x512xf32, #tpu.memory_space<vmem>>
        %dma_wait3A_179 = arith.constant 0 : i32
        %dma_wait3A_180 = arith.constant 0 : i32
        %dma_wait3A_181 = tpu.memref_slice %arg2[%dma_wait3A, %dma_wait3A_173, %dma_wait3A_179, %dma_wait3A_180] : memref<16x2x512x512xf32, #tpu.memory_space<hbm>> -> memref<1x1x32x512xf32, #tpu.memory_space<hbm>>
        %dma_wait3A_182 = tpu.memref_squeeze %dma_wait3A_181 : memref<1x1x32x512xf32, #tpu.memory_space<hbm>> -> memref<32x512xf32, #tpu.memory_space<hbm>>
        %dma_wait3A_183 = arith.constant 0 : i32
        %dma_wait3A_184 = arith.constant 0 : i32
        %dma_wait3A_185 = tpu.memref_slice %arg6[%dma_wait3A_174, %dma_wait3A_183, %dma_wait3A_184] : memref<2x32x512xf32, #tpu.memory_space<vmem>> -> memref<1x32x512xf32, #tpu.memory_space<vmem>>
        %dma_wait3A_186 = tpu.memref_squeeze %dma_wait3A_185 : memref<1x32x512xf32, #tpu.memory_space<vmem>> -> memref<32x512xf32, #tpu.memory_space<vmem>>
        %dma_wait3A_187 = arith.constant 0 : i32
        %dma_wait3A_188 = arith.constant 0 : i32
        %dma_wait3A_189 = tpu.memref_slice %arg2[%dma_wait3A, %dma_wait3A_173, %dma_wait3A_187, %dma_wait3A_188] : memref<16x2x512x512xf32, #tpu.memory_space<hbm>> -> memref<1x1x32x512xf32, #tpu.memory_space<hbm>>
        %dma_wait3A_190 = tpu.memref_squeeze %dma_wait3A_189 : memref<1x1x32x512xf32, #tpu.memory_space<hbm>> -> memref<32x512xf32, #tpu.memory_space<hbm>>
        tpu.wait_dma2 semaphore(%arg9 : memref<!tpu.dma_semaphore, #tpu.memory_space<semaphore_mem>>) src(%dma_wait3A_190 : memref<32x512xf32, #tpu.memory_space<hbm>>) dst(%dma_wait3A_186 : memref<32x512xf32, #tpu.memory_space<vmem>>)
        %dma_wait3A_191 = arith.constant 0 : i32
        %dma_wait3A_192 = arith.constant 0 : i32
        %dma_wait3A_193 = arith.constant 0 : i32
        %dma_wait3A_194 = arith.constant 0 : i32
        %dma_wait3A_195 = tpu.memref_slice %arg7[%dma_wait3A_192, %dma_wait3A_193, %dma_wait3A_194] : memref<2x32x512xf32, #tpu.memory_space<vmem>> -> memref<1x32x512xf32, #tpu.memory_space<vmem>>
        %dma_wait3A_196 = tpu.memref_squeeze %dma_wait3A_195 : memref<1x32x512xf32, #tpu.memory_space<vmem>> -> memref<32x512xf32, #tpu.memory_space<vmem>>
        %dma_wait3A_197 = arith.constant 0 : i32
        %dma_wait3A_198 = arith.constant 0 : i32
        %dma_wait3A_199 = tpu.memref_slice %arg4[%dma_wait3A_191, %dma_wait3A_197, %dma_wait3A_198] : memref<16x512x512xf32, #tpu.memory_space<hbm>> -> memref<1x32x512xf32, #tpu.memory_space<hbm>>
        %dma_wait3A_200 = tpu.memref_squeeze %dma_wait3A_199 : memref<1x32x512xf32, #tpu.memory_space<hbm>> -> memref<32x512xf32, #tpu.memory_space<hbm>>
        %dma_wait3A_201 = arith.constant 0 : i32
        %dma_wait3A_202 = arith.constant 0 : i32
        %dma_wait3A_203 = tpu.memref_slice %arg7[%dma_wait3A_192, %dma_wait3A_201, %dma_wait3A_202] : memref<2x32x512xf32, #tpu.memory_space<vmem>> -> memref<1x32x512xf32, #tpu.memory_space<vmem>>
        %dma_wait3A_204 = tpu.memref_squeeze %dma_wait3A_203 : memref<1x32x512xf32, #tpu.memory_space<vmem>> -> memref<32x512xf32, #tpu.memory_space<vmem>>
        %dma_wait3A_205 = arith.constant 0 : i32
        %dma_wait3A_206 = arith.constant 0 : i32
        %dma_wait3A_207 = tpu.memref_slice %arg4[%dma_wait3A_191, %dma_wait3A_205, %dma_wait3A_206] : memref<16x512x512xf32, #tpu.memory_space<hbm>> -> memref<1x32x512xf32, #tpu.memory_space<hbm>>
        %dma_wait3A_208 = tpu.memref_squeeze %dma_wait3A_207 : memref<1x32x512xf32, #tpu.memory_space<hbm>> -> memref<32x512xf32, #tpu.memory_space<hbm>>
        tpu.wait_dma2 semaphore(%arg11 : memref<!tpu.dma_semaphore, #tpu.memory_space<semaphore_mem>>) src(%dma_wait3A_208 : memref<32x512xf32, #tpu.memory_space<hbm>>) dst(%dma_wait3A_204 : memref<32x512xf32, #tpu.memory_space<vmem>>)
        %scan3A_209 = arith.constant 0 : i32
        %scan3A_210 = arith.constant 128 : i32
        %scan3A_211 = arith.addi %scan3A_209, %scan3A_210 : i32
        %scan3A_212 = arith.constant 1 : i32
        %scan3A_213:3 = scf.for %scan3A_263 = %scan3A_209 to %scan3A_211 step %scan3A_212 iter_args(%scan3A_264 = %scan3A_133, %scan3A_265 = %scan3A_134, %scan3A_266 = %scan3A_135) -> (vector<16xf32>, vector<16xf32>, vector<16xi32>)  : i32 {
          %shift_right_arithmetic3A = arith.constant 2 : i32
          %shift_right_arithmetic3A_267 = arith.shrsi %scan3A_263, %shift_right_arithmetic3A : i32
          %and3A_268 = arith.constant 3 : i32
          %and3A_269 = arith.andi %scan3A_263, %and3A_268 : i32
          %mul3A_270 = arith.constant 128 : i32
          %mul3A_271 = arith.muli %and3A_269, %mul3A_270 : i32
          %add3A_272 = arith.constant 0 : i32
          %add3A_273 = arith.addi %mul3A_271, %add3A_272 : i32
          %get3A = arith.constant 0 : i32
          %get3A_274 = arith.index_cast %get3A : i32 to index
          %get3A_275 = arith.index_cast %shift_right_arithmetic3A_267 : i32 to index
          %get3A_276 = arith.index_cast %add3A_273 : i32 to index
          %get3A_277 = tpu.vector_load %arg6[%get3A_274, %get3A_275, %get3A_276] {strides = array<i32>} : memref<2x32x512xf32, #tpu.memory_space<vmem>>, vector<16xf32>,
          %get3A_278 = arith.constant 0 : i32
          %get3A_279 = arith.index_cast %get3A_278 : i32 to index
          %get3A_280 = arith.index_cast %shift_right_arithmetic3A_267 : i32 to index
          %get3A_281 = arith.index_cast %add3A_273 : i32 to index
          %get3A_282 = tpu.vector_load %arg7[%get3A_279, %get3A_280, %get3A_281] {strides = array<i32>} : memref<2x32x512xf32, #tpu.memory_space<vmem>>, vector<16xf32>,
          %sub3A_283 = arith.subf %get3A_277, %get3A_282 : vector<16xf32>
          %mul3A_284 = arith.mulf %sub3A_283, %sub3A_283 : vector<16xf32>
          %gt3A = arith.constant 0.000000e+00 : f32
          %gt3A_285 = vector.broadcast %gt3A : f32 to vector<16xf32>
          %gt3A_286 = arith.cmpf ogt, %get3A_282, %gt3A_285 : vector<16xf32>
          %add3A_287 = arith.constant 16 : i32
          %add3A_288 = arith.addi %mul3A_271, %add3A_287 : i32
          %get3A_289 = arith.constant 0 : i32
          %get3A_290 = arith.index_cast %get3A_289 : i32 to index
          %get3A_291 = arith.index_cast %shift_right_arithmetic3A_267 : i32 to index
          %get3A_292 = arith.index_cast %add3A_288 : i32 to index
          %get3A_293 = tpu.vector_load %arg6[%get3A_290, %get3A_291, %get3A_292] {strides = array<i32>} : memref<2x32x512xf32, #tpu.memory_space<vmem>>, vector<16xf32>,
          %get3A_294 = arith.constant 0 : i32
          %get3A_295 = arith.index_cast %get3A_294 : i32 to index
          %get3A_296 = arith.index_cast %shift_right_arithmetic3A_267 : i32 to index
          %get3A_297 = arith.index_cast %add3A_288 : i32 to index
          %get3A_298 = tpu.vector_load %arg7[%get3A_295, %get3A_296, %get3A_297] {strides = array<i32>} : memref<2x32x512xf32, #tpu.memory_space<vmem>>, vector<16xf32>,
          %sub3A_299 = arith.subf %get3A_293, %get3A_298 : vector<16xf32>
          %mul3A_300 = arith.mulf %sub3A_299, %sub3A_299 : vector<16xf32>
          %gt3A_301 = arith.constant 0.000000e+00 : f32
          %gt3A_302 = vector.broadcast %gt3A_301 : f32 to vector<16xf32>
          %gt3A_303 = arith.cmpf ogt, %get3A_298, %gt3A_302 : vector<16xf32>
          %add3A_304 = arith.constant 32 : i32
          %add3A_305 = arith.addi %mul3A_271, %add3A_304 : i32
          %get3A_306 = arith.constant 0 : i32
          %get3A_307 = arith.index_cast %get3A_306 : i32 to index
          %get3A_308 = arith.index_cast %shift_right_arithmetic3A_267 : i32 to index
          %get3A_309 = arith.index_cast %add3A_305 : i32 to index
          %get3A_310 = tpu.vector_load %arg6[%get3A_307, %get3A_308, %get3A_309] {strides = array<i32>} : memref<2x32x512xf32, #tpu.memory_space<vmem>>, vector<16xf32>,
          %get3A_311 = arith.constant 0 : i32
          %get3A_312 = arith.index_cast %get3A_311 : i32 to index
          %get3A_313 = arith.index_cast %shift_right_arithmetic3A_267 : i32 to index
          %get3A_314 = arith.index_cast %add3A_305 : i32 to index
          %get3A_315 = tpu.vector_load %arg7[%get3A_312, %get3A_313, %get3A_314] {strides = array<i32>} : memref<2x32x512xf32, #tpu.memory_space<vmem>>, vector<16xf32>,
          %sub3A_316 = arith.subf %get3A_310, %get3A_315 : vector<16xf32>
          %mul3A_317 = arith.mulf %sub3A_316, %sub3A_316 : vector<16xf32>
          %gt3A_318 = arith.constant 0.000000e+00 : f32
          %gt3A_319 = vector.broadcast %gt3A_318 : f32 to vector<16xf32>
          %gt3A_320 = arith.cmpf ogt, %get3A_315, %gt3A_319 : vector<16xf32>
          %add3A_321 = arith.constant 48 : i32
          %add3A_322 = arith.addi %mul3A_271, %add3A_321 : i32
          %get3A_323 = arith.constant 0 : i32
          %get3A_324 = arith.index_cast %get3A_323 : i32 to index
          %get3A_325 = arith.index_cast %shift_right_arithmetic3A_267 : i32 to index
          %get3A_326 = arith.index_cast %add3A_322 : i32 to index
          %get3A_327 = tpu.vector_load %arg6[%get3A_324, %get3A_325, %get3A_326] {strides = array<i32>} : memref<2x32x512xf32, #tpu.memory_space<vmem>>, vector<16xf32>,
          %get3A_328 = arith.constant 0 : i32
          %get3A_329 = arith.index_cast %get3A_328 : i32 to index
          %get3A_330 = arith.index_cast %shift_right_arithmetic3A_267 : i32 to index
          %get3A_331 = arith.index_cast %add3A_322 : i32 to index
          %get3A_332 = tpu.vector_load %arg7[%get3A_329, %get3A_330, %get3A_331] {strides = array<i32>} : memref<2x32x512xf32, #tpu.memory_space<vmem>>, vector<16xf32>,
          %sub3A_333 = arith.subf %get3A_327, %get3A_332 : vector<16xf32>
          %mul3A_334 = arith.mulf %sub3A_333, %sub3A_333 : vector<16xf32>
          %gt3A_335 = arith.constant 0.000000e+00 : f32
          %gt3A_336 = vector.broadcast %gt3A_335 : f32 to vector<16xf32>
          %gt3A_337 = arith.cmpf ogt, %get3A_332, %gt3A_336 : vector<16xf32>
          %add3A_338 = arith.constant 64 : i32
          %add3A_339 = arith.addi %mul3A_271, %add3A_338 : i32
          %get3A_340 = arith.constant 0 : i32
          %get3A_341 = arith.index_cast %get3A_340 : i32 to index
          %get3A_342 = arith.index_cast %shift_right_arithmetic3A_267 : i32 to index
          %get3A_343 = arith.index_cast %add3A_339 : i32 to index
          %get3A_344 = tpu.vector_load %arg6[%get3A_341, %get3A_342, %get3A_343] {strides = array<i32>} : memref<2x32x512xf32, #tpu.memory_space<vmem>>, vector<16xf32>,
          %get3A_345 = arith.constant 0 : i32
          %get3A_346 = arith.index_cast %get3A_345 : i32 to index
          %get3A_347 = arith.index_cast %shift_right_arithmetic3A_267 : i32 to index
          %get3A_348 = arith.index_cast %add3A_339 : i32 to index
          %get3A_349 = tpu.vector_load %arg7[%get3A_346, %get3A_347, %get3A_348] {strides = array<i32>} : memref<2x32x512xf32, #tpu.memory_space<vmem>>, vector<16xf32>,
          %sub3A_350 = arith.subf %get3A_344, %get3A_349 : vector<16xf32>
          %mul3A_351 = arith.mulf %sub3A_350, %sub3A_350 : vector<16xf32>
          %gt3A_352 = arith.constant 0.000000e+00 : f32
          %gt3A_353 = vector.broadcast %gt3A_352 : f32 to vector<16xf32>
          %gt3A_354 = arith.cmpf ogt, %get3A_349, %gt3A_353 : vector<16xf32>
          %add3A_355 = arith.constant 80 : i32
          %add3A_356 = arith.addi %mul3A_271, %add3A_355 : i32
          %get3A_357 = arith.constant 0 : i32
          %get3A_358 = arith.index_cast %get3A_357 : i32 to index
          %get3A_359 = arith.index_cast %shift_right_arithmetic3A_267 : i32 to index
          %get3A_360 = arith.index_cast %add3A_356 : i32 to index
          %get3A_361 = tpu.vector_load %arg6[%get3A_358, %get3A_359, %get3A_360] {strides = array<i32>} : memref<2x32x512xf32, #tpu.memory_space<vmem>>, vector<16xf32>,
          %get3A_362 = arith.constant 0 : i32
          %get3A_363 = arith.index_cast %get3A_362 : i32 to index
          %get3A_364 = arith.index_cast %shift_right_arithmetic3A_267 : i32 to index
          %get3A_365 = arith.index_cast %add3A_356 : i32 to index
          %get3A_366 = tpu.vector_load %arg7[%get3A_363, %get3A_364, %get3A_365] {strides = array<i32>} : memref<2x32x512xf32, #tpu.memory_space<vmem>>, vector<16xf32>,
          %sub3A_367 = arith.subf %get3A_361, %get3A_366 : vector<16xf32>
          %mul3A_368 = arith.mulf %sub3A_367, %sub3A_367 : vector<16xf32>
          %gt3A_369 = arith.constant 0.000000e+00 : f32
          %gt3A_370 = vector.broadcast %gt3A_369 : f32 to vector<16xf32>
          %gt3A_371 = arith.cmpf ogt, %get3A_366, %gt3A_370 : vector<16xf32>
          %add3A_372 = arith.constant 96 : i32
          %add3A_373 = arith.addi %mul3A_271, %add3A_372 : i32
          %get3A_374 = arith.constant 0 : i32
          %get3A_375 = arith.index_cast %get3A_374 : i32 to index
          %get3A_376 = arith.index_cast %shift_right_arithmetic3A_267 : i32 to index
          %get3A_377 = arith.index_cast %add3A_373 : i32 to index
          %get3A_378 = tpu.vector_load %arg6[%get3A_375, %get3A_376, %get3A_377] {strides = array<i32>} : memref<2x32x512xf32, #tpu.memory_space<vmem>>, vector<16xf32>,
          %get3A_379 = arith.constant 0 : i32
          %get3A_380 = arith.index_cast %get3A_379 : i32 to index
          %get3A_381 = arith.index_cast %shift_right_arithmetic3A_267 : i32 to index
          %get3A_382 = arith.index_cast %add3A_373 : i32 to index
          %get3A_383 = tpu.vector_load %arg7[%get3A_380, %get3A_381, %get3A_382] {strides = array<i32>} : memref<2x32x512xf32, #tpu.memory_space<vmem>>, vector<16xf32>,
          %sub3A_384 = arith.subf %get3A_378, %get3A_383 : vector<16xf32>
          %mul3A_385 = arith.mulf %sub3A_384, %sub3A_384 : vector<16xf32>
          %gt3A_386 = arith.constant 0.000000e+00 : f32
          %gt3A_387 = vector.broadcast %gt3A_386 : f32 to vector<16xf32>
          %gt3A_388 = arith.cmpf ogt, %get3A_383, %gt3A_387 : vector<16xf32>
          %add3A_389 = arith.constant 112 : i32
          %add3A_390 = arith.addi %mul3A_271, %add3A_389 : i32
          %get3A_391 = arith.constant 0 : i32
          %get3A_392 = arith.index_cast %get3A_391 : i32 to index
          %get3A_393 = arith.index_cast %shift_right_arithmetic3A_267 : i32 to index
          %get3A_394 = arith.index_cast %add3A_390 : i32 to index
          %get3A_395 = tpu.vector_load %arg6[%get3A_392, %get3A_393, %get3A_394] {strides = array<i32>} : memref<2x32x512xf32, #tpu.memory_space<vmem>>, vector<16xf32>,
          %get3A_396 = arith.constant 0 : i32
          %get3A_397 = arith.index_cast %get3A_396 : i32 to index
          %get3A_398 = arith.index_cast %shift_right_arithmetic3A_267 : i32 to index
          %get3A_399 = arith.index_cast %add3A_390 : i32 to index
          %get3A_400 = tpu.vector_load %arg7[%get3A_397, %get3A_398, %get3A_399] {strides = array<i32>} : memref<2x32x512xf32, #tpu.memory_space<vmem>>, vector<16xf32>,
          %sub3A_401 = arith.subf %get3A_395, %get3A_400 : vector<16xf32>
          %mul3A_402 = arith.mulf %sub3A_401, %sub3A_401 : vector<16xf32>
          %gt3A_403 = arith.constant 0.000000e+00 : f32
          %gt3A_404 = vector.broadcast %gt3A_403 : f32 to vector<16xf32>
          %gt3A_405 = arith.cmpf ogt, %get3A_400, %gt3A_404 : vector<16xf32>
          %add3A_406 = arith.addf %mul3A_284, %mul3A_300 : vector<16xf32>
          %add3A_407 = arith.addf %mul3A_317, %mul3A_334 : vector<16xf32>
          %add3A_408 = arith.addf %mul3A_351, %mul3A_368 : vector<16xf32>
          %add3A_409 = arith.addf %mul3A_385, %mul3A_402 : vector<16xf32>
          %add3A_410 = arith.addf %add3A_406, %add3A_407 : vector<16xf32>
          %add3A_411 = arith.addf %add3A_408, %add3A_409 : vector<16xf32>
          %add3A_412 = arith.addf %add3A_410, %add3A_411 : vector<16xf32>
          %add3A_413 = arith.addf %scan3A_264, %add3A_412 : vector<16xf32>
          %jit3A_414 = arith.constant 0.000000e+00 : f32
          %broadcast_in_dim3A_415 = vector.broadcast %jit3A_414 : f32 to vector<16xf32>
          %select_n3A_416 = arith.select %gt3A_286, %mul3A_284, %broadcast_in_dim3A_415 : vector<16xi1>, vector<16xf32>
          %jit3A_417 = arith.constant 0.000000e+00 : f32
          %broadcast_in_dim3A_418 = vector.broadcast %jit3A_417 : f32 to vector<16xf32>
          %select_n3A_419 = arith.select %gt3A_303, %mul3A_300, %broadcast_in_dim3A_418 : vector<16xi1>, vector<16xf32>
          %jit3A_420 = arith.constant 0.000000e+00 : f32
          %broadcast_in_dim3A_421 = vector.broadcast %jit3A_420 : f32 to vector<16xf32>
          %select_n3A_422 = arith.select %gt3A_320, %mul3A_317, %broadcast_in_dim3A_421 : vector<16xi1>, vector<16xf32>
          %jit3A_423 = arith.constant 0.000000e+00 : f32
          %broadcast_in_dim3A_424 = vector.broadcast %jit3A_423 : f32 to vector<16xf32>
          %select_n3A_425 = arith.select %gt3A_337, %mul3A_334, %broadcast_in_dim3A_424 : vector<16xi1>, vector<16xf32>
          %jit3A_426 = arith.constant 0.000000e+00 : f32
          %broadcast_in_dim3A_427 = vector.broadcast %jit3A_426 : f32 to vector<16xf32>
          %select_n3A_428 = arith.select %gt3A_354, %mul3A_351, %broadcast_in_dim3A_427 : vector<16xi1>, vector<16xf32>
          %jit3A_429 = arith.constant 0.000000e+00 : f32
          %broadcast_in_dim3A_430 = vector.broadcast %jit3A_429 : f32 to vector<16xf32>
          %select_n3A_431 = arith.select %gt3A_371, %mul3A_368, %broadcast_in_dim3A_430 : vector<16xi1>, vector<16xf32>
          %jit3A_432 = arith.constant 0.000000e+00 : f32
          %broadcast_in_dim3A_433 = vector.broadcast %jit3A_432 : f32 to vector<16xf32>
          %select_n3A_434 = arith.select %gt3A_388, %mul3A_385, %broadcast_in_dim3A_433 : vector<16xi1>, vector<16xf32>
          %jit3A_435 = arith.constant 0.000000e+00 : f32
          %broadcast_in_dim3A_436 = vector.broadcast %jit3A_435 : f32 to vector<16xf32>
          %select_n3A_437 = arith.select %gt3A_405, %mul3A_402, %broadcast_in_dim3A_436 : vector<16xi1>, vector<16xf32>
          %add3A_438 = arith.addf %select_n3A_416, %select_n3A_419 : vector<16xf32>
          %add3A_439 = arith.addf %select_n3A_422, %select_n3A_425 : vector<16xf32>
          %add3A_440 = arith.addf %select_n3A_428, %select_n3A_431 : vector<16xf32>
          %add3A_441 = arith.addf %select_n3A_434, %select_n3A_437 : vector<16xf32>
          %add3A_442 = arith.addf %add3A_438, %add3A_439 : vector<16xf32>
          %add3A_443 = arith.addf %add3A_440, %add3A_441 : vector<16xf32>
          %add3A_444 = arith.addf %add3A_442, %add3A_443 : vector<16xf32>
          %add3A_445 = arith.addf %scan3A_265, %add3A_444 : vector<16xf32>
          %all_reduce_population_count3A = tpu.all_reduce %gt3A_286 {dim = 0 : i64, kind = #tpu.reduction_kind<sum>} : vector<16xi1> -> vector<16xi32>
          %all_reduce_population_count3A_446 = tpu.all_reduce %gt3A_303 {dim = 0 : i64, kind = #tpu.reduction_kind<sum>} : vector<16xi1> -> vector<16xi32>
          %all_reduce_population_count3A_447 = tpu.all_reduce %gt3A_320 {dim = 0 : i64, kind = #tpu.reduction_kind<sum>} : vector<16xi1> -> vector<16xi32>
          %all_reduce_population_count3A_448 = tpu.all_reduce %gt3A_337 {dim = 0 : i64, kind = #tpu.reduction_kind<sum>} : vector<16xi1> -> vector<16xi32>
          %all_reduce_population_count3A_449 = tpu.all_reduce %gt3A_354 {dim = 0 : i64, kind = #tpu.reduction_kind<sum>} : vector<16xi1> -> vector<16xi32>
          %all_reduce_population_count3A_450 = tpu.all_reduce %gt3A_371 {dim = 0 : i64, kind = #tpu.reduction_kind<sum>} : vector<16xi1> -> vector<16xi32>
          %all_reduce_population_count3A_451 = tpu.all_reduce %gt3A_388 {dim = 0 : i64, kind = #tpu.reduction_kind<sum>} : vector<16xi1> -> vector<16xi32>
          %all_reduce_population_count3A_452 = tpu.all_reduce %gt3A_405 {dim = 0 : i64, kind = #tpu.reduction_kind<sum>} : vector<16xi1> -> vector<16xi32>
          %add3A_453 = arith.addi %all_reduce_population_count3A, %all_reduce_population_count3A_446 : vector<16xi32>
          %add3A_454 = arith.addi %all_reduce_population_count3A_447, %all_reduce_population_count3A_448 : vector<16xi32>
          %add3A_455 = arith.addi %all_reduce_population_count3A_449, %all_reduce_population_count3A_450 : vector<16xi32>
          %add3A_456 = arith.addi %all_reduce_population_count3A_451, %all_reduce_population_count3A_452 : vector<16xi32>
          %add3A_457 = arith.addi %add3A_453, %add3A_454 : vector<16xi32>
          %add3A_458 = arith.addi %add3A_455, %add3A_456 : vector<16xi32>
          %add3A_459 = arith.addi %add3A_457, %add3A_458 : vector<16xi32>
          %add3A_460 = arith.addi %scan3A_266, %add3A_459 : vector<16xi32>
          scf.yield %add3A_413, %add3A_445, %add3A_460 : vector<16xf32>, vector<16xf32>, vector<16xi32>
        }
        %scan3A_214 = arith.constant 128 : i32
        %lt3A_215 = arith.constant 3 : i32
        %lt3A_216 = arith.cmpi slt, %scan3A_132, %lt3A_215 : i32
        %convert_element_type3A_217 = arith.extui %lt3A_216 : i1 to i32
        %cond3A_218 = arith.constant 0 : i32
        %cond3A_219 = arith.cmpi ne, %convert_element_type3A_217, %cond3A_218 : i32
        scf.if %cond3A_219 {
          %mul3A_263 = arith.constant 2 : i32
          %mul3A_264 = arith.muli %mul3A_263, %scan3A_132 : i32
          %add3A_265 = arith.addi %mul3A_72, %mul3A_264 : i32
          %add3A_266 = arith.constant 2 : i32
          %add3A_267 = arith.addi %add3A_265, %add3A_266 : i32
          %mul3A_268 = arith.constant 32 : i32
          %mul3A_269 = arith.muli %add3A_267, %mul3A_268 : i32
          %dma_start3A_270 = arith.constant 0 : i32
          %dma_start3A_271 = arith.constant 0 : i32
          %dma_start3A_272 = arith.constant 0 : i32
          %dma_start3A_273 = tpu.memref_slice %arg6[%dma_start3A_270, %dma_start3A_271, %dma_start3A_272] : memref<2x32x512xf32, #tpu.memory_space<vmem>> -> memref<1x32x512xf32, #tpu.memory_space<vmem>>
          %dma_start3A_274 = tpu.memref_squeeze %dma_start3A_273 : memref<1x32x512xf32, #tpu.memory_space<vmem>> -> memref<32x512xf32, #tpu.memory_space<vmem>>
          %dma_start3A_275 = arith.constant 0 : i32
          %dma_start3A_276 = tpu.memref_slice %arg2[%select_n3A_54, %select_n3A_70, %mul3A_269, %dma_start3A_275] : memref<16x2x512x512xf32, #tpu.memory_space<hbm>> -> memref<1x1x32x512xf32, #tpu.memory_space<hbm>>
          %dma_start3A_277 = tpu.memref_squeeze %dma_start3A_276 : memref<1x1x32x512xf32, #tpu.memory_space<hbm>> -> memref<32x512xf32, #tpu.memory_space<hbm>>
          %dma_start3A_278 = arith.constant 0 : i32
          %dma_start3A_279 = arith.constant 0 : i32
          %dma_start3A_280 = tpu.memref_slice %arg6[%dma_start3A_270, %dma_start3A_278, %dma_start3A_279] : memref<2x32x512xf32, #tpu.memory_space<vmem>> -> memref<1x32x512xf32, #tpu.memory_space<vmem>>
          %dma_start3A_281 = tpu.memref_squeeze %dma_start3A_280 : memref<1x32x512xf32, #tpu.memory_space<vmem>> -> memref<32x512xf32, #tpu.memory_space<vmem>>
          %dma_start3A_282 = arith.constant 0 : i32
          %dma_start3A_283 = tpu.memref_slice %arg2[%select_n3A_54, %select_n3A_70, %mul3A_269, %dma_start3A_282] : memref<16x2x512x512xf32, #tpu.memory_space<hbm>> -> memref<1x1x32x512xf32, #tpu.memory_space<hbm>>
          %dma_start3A_284 = tpu.memref_squeeze %dma_start3A_283 : memref<1x1x32x512xf32, #tpu.memory_space<hbm>> -> memref<32x512xf32, #tpu.memory_space<hbm>>
          tpu.enqueue_dma source(%dma_start3A_284 : memref<32x512xf32, #tpu.memory_space<hbm>>) target(%dma_start3A_281 : memref<32x512xf32, #tpu.memory_space<vmem>>) target_semaphore(%arg9 : memref<!tpu.dma_semaphore, #tpu.memory_space<semaphore_mem>>)
          %dma_start3A_285 = arith.constant 0 : i32
          %dma_start3A_286 = arith.constant 0 : i32
          %dma_start3A_287 = arith.constant 0 : i32
          %dma_start3A_288 = tpu.memref_slice %arg7[%dma_start3A_285, %dma_start3A_286, %dma_start3A_287] : memref<2x32x512xf32, #tpu.memory_space<vmem>> -> memref<1x32x512xf32, #tpu.memory_space<vmem>>
          %dma_start3A_289 = tpu.memref_squeeze %dma_start3A_288 : memref<1x32x512xf32, #tpu.memory_space<vmem>> -> memref<32x512xf32, #tpu.memory_space<vmem>>
          %dma_start3A_290 = arith.constant 0 : i32
          %dma_start3A_291 = tpu.memref_slice %arg4[%select_n3A_54, %mul3A_269, %dma_start3A_290] : memref<16x512x512xf32, #tpu.memory_space<hbm>> -> memref<1x32x512xf32, #tpu.memory_space<hbm>>
          %dma_start3A_292 = tpu.memref_squeeze %dma_start3A_291 : memref<1x32x512xf32, #tpu.memory_space<hbm>> -> memref<32x512xf32, #tpu.memory_space<hbm>>
          %dma_start3A_293 = arith.constant 0 : i32
          %dma_start3A_294 = arith.constant 0 : i32
          %dma_start3A_295 = tpu.memref_slice %arg7[%dma_start3A_285, %dma_start3A_293, %dma_start3A_294] : memref<2x32x512xf32, #tpu.memory_space<vmem>> -> memref<1x32x512xf32, #tpu.memory_space<vmem>>
          %dma_start3A_296 = tpu.memref_squeeze %dma_start3A_295 : memref<1x32x512xf32, #tpu.memory_space<vmem>> -> memref<32x512xf32, #tpu.memory_space<vmem>>
          %dma_start3A_297 = arith.constant 0 : i32
          %dma_start3A_298 = tpu.memref_slice %arg4[%select_n3A_54, %mul3A_269, %dma_start3A_297] : memref<16x512x512xf32, #tpu.memory_space<hbm>> -> memref<1x32x512xf32, #tpu.memory_space<hbm>>
          %dma_start3A_299 = tpu.memref_squeeze %dma_start3A_298 : memref<1x32x512xf32, #tpu.memory_space<hbm>> -> memref<32x512xf32, #tpu.memory_space<hbm>>
          tpu.enqueue_dma source(%dma_start3A_299 : memref<32x512xf32, #tpu.memory_space<hbm>>) target(%dma_start3A_296 : memref<32x512xf32, #tpu.memory_space<vmem>>) target_semaphore(%arg11 : memref<!tpu.dma_semaphore, #tpu.memory_space<semaphore_mem>>)
        } else {
        }
        %dma_wait3A_220 = arith.constant 0 : i32
        %dma_wait3A_221 = arith.constant 0 : i32
        %dma_wait3A_222 = arith.constant 1 : i32
        %dma_wait3A_223 = arith.constant 0 : i32
        %dma_wait3A_224 = arith.constant 0 : i32
        %dma_wait3A_225 = tpu.memref_slice %arg6[%dma_wait3A_222, %dma_wait3A_223, %dma_wait3A_224] : memref<2x32x512xf32, #tpu.memory_space<vmem>> -> memref<1x32x512xf32, #tpu.memory_space<vmem>>
        %dma_wait3A_226 = tpu.memref_squeeze %dma_wait3A_225 : memref<1x32x512xf32, #tpu.memory_space<vmem>> -> memref<32x512xf32, #tpu.memory_space<vmem>>
        %dma_wait3A_227 = arith.constant 0 : i32
        %dma_wait3A_228 = arith.constant 0 : i32
        %dma_wait3A_229 = tpu.memref_slice %arg2[%dma_wait3A_220, %dma_wait3A_221, %dma_wait3A_227, %dma_wait3A_228] : memref<16x2x512x512xf32, #tpu.memory_space<hbm>> -> memref<1x1x32x512xf32, #tpu.memory_space<hbm>>
        %dma_wait3A_230 = tpu.memref_squeeze %dma_wait3A_229 : memref<1x1x32x512xf32, #tpu.memory_space<hbm>> -> memref<32x512xf32, #tpu.memory_space<hbm>>
        %dma_wait3A_231 = arith.constant 0 : i32
        %dma_wait3A_232 = arith.constant 0 : i32
        %dma_wait3A_233 = tpu.memref_slice %arg6[%dma_wait3A_222, %dma_wait3A_231, %dma_wait3A_232] : memref<2x32x512xf32, #tpu.memory_space<vmem>> -> memref<1x32x512xf32, #tpu.memory_space<vmem>>
        %dma_wait3A_234 = tpu.memref_squeeze %dma_wait3A_233 : memref<1x32x512xf32, #tpu.memory_space<vmem>> -> memref<32x512xf32, #tpu.memory_space<vmem>>
        %dma_wait3A_235 = arith.constant 0 : i32
        %dma_wait3A_236 = arith.constant 0 : i32
        %dma_wait3A_237 = tpu.memref_slice %arg2[%dma_wait3A_220, %dma_wait3A_221, %dma_wait3A_235, %dma_wait3A_236] : memref<16x2x512x512xf32, #tpu.memory_space<hbm>> -> memref<1x1x32x512xf32, #tpu.memory_space<hbm>>
        %dma_wait3A_238 = tpu.memref_squeeze %dma_wait3A_237 : memref<1x1x32x512xf32, #tpu.memory_space<hbm>> -> memref<32x512xf32, #tpu.memory_space<hbm>>
        tpu.wait_dma2 semaphore(%arg10 : memref<!tpu.dma_semaphore, #tpu.memory_space<semaphore_mem>>) src(%dma_wait3A_238 : memref<32x512xf32, #tpu.memory_space<hbm>>) dst(%dma_wait3A_234 : memref<32x512xf32, #tpu.memory_space<vmem>>)
        %dma_wait3A_239 = arith.constant 0 : i32
        %dma_wait3A_240 = arith.constant 1 : i32
        %dma_wait3A_241 = arith.constant 0 : i32
        %dma_wait3A_242 = arith.constant 0 : i32
        %dma_wait3A_243 = tpu.memref_slice %arg7[%dma_wait3A_240, %dma_wait3A_241, %dma_wait3A_242] : memref<2x32x512xf32, #tpu.memory_space<vmem>> -> memref<1x32x512xf32, #tpu.memory_space<vmem>>
        %dma_wait3A_244 = tpu.memref_squeeze %dma_wait3A_243 : memref<1x32x512xf32, #tpu.memory_space<vmem>> -> memref<32x512xf32, #tpu.memory_space<vmem>>
        %dma_wait3A_245 = arith.constant 0 : i32
        %dma_wait3A_246 = arith.constant 0 : i32
        %dma_wait3A_247 = tpu.memref_slice %arg4[%dma_wait3A_239, %dma_wait3A_245, %dma_wait3A_246] : memref<16x512x512xf32, #tpu.memory_space<hbm>> -> memref<1x32x512xf32, #tpu.memory_space<hbm>>
        %dma_wait3A_248 = tpu.memref_squeeze %dma_wait3A_247 : memref<1x32x512xf32, #tpu.memory_space<hbm>> -> memref<32x512xf32, #tpu.memory_space<hbm>>
        %dma_wait3A_249 = arith.constant 0 : i32
        %dma_wait3A_250 = arith.constant 0 : i32
        %dma_wait3A_251 = tpu.memref_slice %arg7[%dma_wait3A_240, %dma_wait3A_249, %dma_wait3A_250] : memref<2x32x512xf32, #tpu.memory_space<vmem>> -> memref<1x32x512xf32, #tpu.memory_space<vmem>>
        %dma_wait3A_252 = tpu.memref_squeeze %dma_wait3A_251 : memref<1x32x512xf32, #tpu.memory_space<vmem>> -> memref<32x512xf32, #tpu.memory_space<vmem>>
        %dma_wait3A_253 = arith.constant 0 : i32
        %dma_wait3A_254 = arith.constant 0 : i32
        %dma_wait3A_255 = tpu.memref_slice %arg4[%dma_wait3A_239, %dma_wait3A_253, %dma_wait3A_254] : memref<16x512x512xf32, #tpu.memory_space<hbm>> -> memref<1x32x512xf32, #tpu.memory_space<hbm>>
        %dma_wait3A_256 = tpu.memref_squeeze %dma_wait3A_255 : memref<1x32x512xf32, #tpu.memory_space<hbm>> -> memref<32x512xf32, #tpu.memory_space<hbm>>
        tpu.wait_dma2 semaphore(%arg12 : memref<!tpu.dma_semaphore, #tpu.memory_space<semaphore_mem>>) src(%dma_wait3A_256 : memref<32x512xf32, #tpu.memory_space<hbm>>) dst(%dma_wait3A_252 : memref<32x512xf32, #tpu.memory_space<vmem>>)
        %scan3A_257 = arith.constant 0 : i32
        %scan3A_258 = arith.constant 128 : i32
        %scan3A_259 = arith.addi %scan3A_257, %scan3A_258 : i32
        %scan3A_260 = arith.constant 1 : i32
        %scan3A_261:3 = scf.for %scan3A_263 = %scan3A_257 to %scan3A_259 step %scan3A_260 iter_args(%scan3A_264 = %scan3A_213#0, %scan3A_265 = %scan3A_213#1, %scan3A_266 = %scan3A_213#2) -> (vector<16xf32>, vector<16xf32>, vector<16xi32>)  : i32 {
          %shift_right_arithmetic3A = arith.constant 2 : i32
          %shift_right_arithmetic3A_267 = arith.shrsi %scan3A_263, %shift_right_arithmetic3A : i32
          %and3A_268 = arith.constant 3 : i32
          %and3A_269 = arith.andi %scan3A_263, %and3A_268 : i32
          %mul3A_270 = arith.constant 128 : i32
          %mul3A_271 = arith.muli %and3A_269, %mul3A_270 : i32
          %add3A_272 = arith.constant 0 : i32
          %add3A_273 = arith.addi %mul3A_271, %add3A_272 : i32
          %get3A = arith.constant 1 : i32
          %get3A_274 = arith.index_cast %get3A : i32 to index
          %get3A_275 = arith.index_cast %shift_right_arithmetic3A_267 : i32 to index
          %get3A_276 = arith.index_cast %add3A_273 : i32 to index
          %get3A_277 = tpu.vector_load %arg6[%get3A_274, %get3A_275, %get3A_276] {strides = array<i32>} : memref<2x32x512xf32, #tpu.memory_space<vmem>>, vector<16xf32>,
          %get3A_278 = arith.constant 1 : i32
          %get3A_279 = arith.index_cast %get3A_278 : i32 to index
          %get3A_280 = arith.index_cast %shift_right_arithmetic3A_267 : i32 to index
          %get3A_281 = arith.index_cast %add3A_273 : i32 to index
          %get3A_282 = tpu.vector_load %arg7[%get3A_279, %get3A_280, %get3A_281] {strides = array<i32>} : memref<2x32x512xf32, #tpu.memory_space<vmem>>, vector<16xf32>,
          %sub3A_283 = arith.subf %get3A_277, %get3A_282 : vector<16xf32>
          %mul3A_284 = arith.mulf %sub3A_283, %sub3A_283 : vector<16xf32>
          %gt3A = arith.constant 0.000000e+00 : f32
          %gt3A_285 = vector.broadcast %gt3A : f32 to vector<16xf32>
          %gt3A_286 = arith.cmpf ogt, %get3A_282, %gt3A_285 : vector<16xf32>
          %add3A_287 = arith.constant 16 : i32
          %add3A_288 = arith.addi %mul3A_271, %add3A_287 : i32
          %get3A_289 = arith.constant 1 : i32
          %get3A_290 = arith.index_cast %get3A_289 : i32 to index
          %get3A_291 = arith.index_cast %shift_right_arithmetic3A_267 : i32 to index
          %get3A_292 = arith.index_cast %add3A_288 : i32 to index
          %get3A_293 = tpu.vector_load %arg6[%get3A_290, %get3A_291, %get3A_292] {strides = array<i32>} : memref<2x32x512xf32, #tpu.memory_space<vmem>>, vector<16xf32>,
          %get3A_294 = arith.constant 1 : i32
          %get3A_295 = arith.index_cast %get3A_294 : i32 to index
          %get3A_296 = arith.index_cast %shift_right_arithmetic3A_267 : i32 to index
          %get3A_297 = arith.index_cast %add3A_288 : i32 to index
          %get3A_298 = tpu.vector_load %arg7[%get3A_295, %get3A_296, %get3A_297] {strides = array<i32>} : memref<2x32x512xf32, #tpu.memory_space<vmem>>, vector<16xf32>,
          %sub3A_299 = arith.subf %get3A_293, %get3A_298 : vector<16xf32>
          %mul3A_300 = arith.mulf %sub3A_299, %sub3A_299 : vector<16xf32>
          %gt3A_301 = arith.constant 0.000000e+00 : f32
          %gt3A_302 = vector.broadcast %gt3A_301 : f32 to vector<16xf32>
          %gt3A_303 = arith.cmpf ogt, %get3A_298, %gt3A_302 : vector<16xf32>
          %add3A_304 = arith.constant 32 : i32
          %add3A_305 = arith.addi %mul3A_271, %add3A_304 : i32
          %get3A_306 = arith.constant 1 : i32
          %get3A_307 = arith.index_cast %get3A_306 : i32 to index
          %get3A_308 = arith.index_cast %shift_right_arithmetic3A_267 : i32 to index
          %get3A_309 = arith.index_cast %add3A_305 : i32 to index
          %get3A_310 = tpu.vector_load %arg6[%get3A_307, %get3A_308, %get3A_309] {strides = array<i32>} : memref<2x32x512xf32, #tpu.memory_space<vmem>>, vector<16xf32>,
          %get3A_311 = arith.constant 1 : i32
          %get3A_312 = arith.index_cast %get3A_311 : i32 to index
          %get3A_313 = arith.index_cast %shift_right_arithmetic3A_267 : i32 to index
          %get3A_314 = arith.index_cast %add3A_305 : i32 to index
          %get3A_315 = tpu.vector_load %arg7[%get3A_312, %get3A_313, %get3A_314] {strides = array<i32>} : memref<2x32x512xf32, #tpu.memory_space<vmem>>, vector<16xf32>,
          %sub3A_316 = arith.subf %get3A_310, %get3A_315 : vector<16xf32>
          %mul3A_317 = arith.mulf %sub3A_316, %sub3A_316 : vector<16xf32>
          %gt3A_318 = arith.constant 0.000000e+00 : f32
          %gt3A_319 = vector.broadcast %gt3A_318 : f32 to vector<16xf32>
          %gt3A_320 = arith.cmpf ogt, %get3A_315, %gt3A_319 : vector<16xf32>
          %add3A_321 = arith.constant 48 : i32
          %add3A_322 = arith.addi %mul3A_271, %add3A_321 : i32
          %get3A_323 = arith.constant 1 : i32
          %get3A_324 = arith.index_cast %get3A_323 : i32 to index
          %get3A_325 = arith.index_cast %shift_right_arithmetic3A_267 : i32 to index
          %get3A_326 = arith.index_cast %add3A_322 : i32 to index
          %get3A_327 = tpu.vector_load %arg6[%get3A_324, %get3A_325, %get3A_326] {strides = array<i32>} : memref<2x32x512xf32, #tpu.memory_space<vmem>>, vector<16xf32>,
          %get3A_328 = arith.constant 1 : i32
          %get3A_329 = arith.index_cast %get3A_328 : i32 to index
          %get3A_330 = arith.index_cast %shift_right_arithmetic3A_267 : i32 to index
          %get3A_331 = arith.index_cast %add3A_322 : i32 to index
          %get3A_332 = tpu.vector_load %arg7[%get3A_329, %get3A_330, %get3A_331] {strides = array<i32>} : memref<2x32x512xf32, #tpu.memory_space<vmem>>, vector<16xf32>,
          %sub3A_333 = arith.subf %get3A_327, %get3A_332 : vector<16xf32>
          %mul3A_334 = arith.mulf %sub3A_333, %sub3A_333 : vector<16xf32>
          %gt3A_335 = arith.constant 0.000000e+00 : f32
          %gt3A_336 = vector.broadcast %gt3A_335 : f32 to vector<16xf32>
          %gt3A_337 = arith.cmpf ogt, %get3A_332, %gt3A_336 : vector<16xf32>
          %add3A_338 = arith.constant 64 : i32
          %add3A_339 = arith.addi %mul3A_271, %add3A_338 : i32
          %get3A_340 = arith.constant 1 : i32
          %get3A_341 = arith.index_cast %get3A_340 : i32 to index
          %get3A_342 = arith.index_cast %shift_right_arithmetic3A_267 : i32 to index
          %get3A_343 = arith.index_cast %add3A_339 : i32 to index
          %get3A_344 = tpu.vector_load %arg6[%get3A_341, %get3A_342, %get3A_343] {strides = array<i32>} : memref<2x32x512xf32, #tpu.memory_space<vmem>>, vector<16xf32>,
          %get3A_345 = arith.constant 1 : i32
          %get3A_346 = arith.index_cast %get3A_345 : i32 to index
          %get3A_347 = arith.index_cast %shift_right_arithmetic3A_267 : i32 to index
          %get3A_348 = arith.index_cast %add3A_339 : i32 to index
          %get3A_349 = tpu.vector_load %arg7[%get3A_346, %get3A_347, %get3A_348] {strides = array<i32>} : memref<2x32x512xf32, #tpu.memory_space<vmem>>, vector<16xf32>,
          %sub3A_350 = arith.subf %get3A_344, %get3A_349 : vector<16xf32>
          %mul3A_351 = arith.mulf %sub3A_350, %sub3A_350 : vector<16xf32>
          %gt3A_352 = arith.constant 0.000000e+00 : f32
          %gt3A_353 = vector.broadcast %gt3A_352 : f32 to vector<16xf32>
          %gt3A_354 = arith.cmpf ogt, %get3A_349, %gt3A_353 : vector<16xf32>
          %add3A_355 = arith.constant 80 : i32
          %add3A_356 = arith.addi %mul3A_271, %add3A_355 : i32
          %get3A_357 = arith.constant 1 : i32
          %get3A_358 = arith.index_cast %get3A_357 : i32 to index
          %get3A_359 = arith.index_cast %shift_right_arithmetic3A_267 : i32 to index
          %get3A_360 = arith.index_cast %add3A_356 : i32 to index
          %get3A_361 = tpu.vector_load %arg6[%get3A_358, %get3A_359, %get3A_360] {strides = array<i32>} : memref<2x32x512xf32, #tpu.memory_space<vmem>>, vector<16xf32>,
          %get3A_362 = arith.constant 1 : i32
          %get3A_363 = arith.index_cast %get3A_362 : i32 to index
          %get3A_364 = arith.index_cast %shift_right_arithmetic3A_267 : i32 to index
          %get3A_365 = arith.index_cast %add3A_356 : i32 to index
          %get3A_366 = tpu.vector_load %arg7[%get3A_363, %get3A_364, %get3A_365] {strides = array<i32>} : memref<2x32x512xf32, #tpu.memory_space<vmem>>, vector<16xf32>,
          %sub3A_367 = arith.subf %get3A_361, %get3A_366 : vector<16xf32>
          %mul3A_368 = arith.mulf %sub3A_367, %sub3A_367 : vector<16xf32>
          %gt3A_369 = arith.constant 0.000000e+00 : f32
          %gt3A_370 = vector.broadcast %gt3A_369 : f32 to vector<16xf32>
          %gt3A_371 = arith.cmpf ogt, %get3A_366, %gt3A_370 : vector<16xf32>
          %add3A_372 = arith.constant 96 : i32
          %add3A_373 = arith.addi %mul3A_271, %add3A_372 : i32
          %get3A_374 = arith.constant 1 : i32
          %get3A_375 = arith.index_cast %get3A_374 : i32 to index
          %get3A_376 = arith.index_cast %shift_right_arithmetic3A_267 : i32 to index
          %get3A_377 = arith.index_cast %add3A_373 : i32 to index
          %get3A_378 = tpu.vector_load %arg6[%get3A_375, %get3A_376, %get3A_377] {strides = array<i32>} : memref<2x32x512xf32, #tpu.memory_space<vmem>>, vector<16xf32>,
          %get3A_379 = arith.constant 1 : i32
          %get3A_380 = arith.index_cast %get3A_379 : i32 to index
          %get3A_381 = arith.index_cast %shift_right_arithmetic3A_267 : i32 to index
          %get3A_382 = arith.index_cast %add3A_373 : i32 to index
          %get3A_383 = tpu.vector_load %arg7[%get3A_380, %get3A_381, %get3A_382] {strides = array<i32>} : memref<2x32x512xf32, #tpu.memory_space<vmem>>, vector<16xf32>,
          %sub3A_384 = arith.subf %get3A_378, %get3A_383 : vector<16xf32>
          %mul3A_385 = arith.mulf %sub3A_384, %sub3A_384 : vector<16xf32>
          %gt3A_386 = arith.constant 0.000000e+00 : f32
          %gt3A_387 = vector.broadcast %gt3A_386 : f32 to vector<16xf32>
          %gt3A_388 = arith.cmpf ogt, %get3A_383, %gt3A_387 : vector<16xf32>
          %add3A_389 = arith.constant 112 : i32
          %add3A_390 = arith.addi %mul3A_271, %add3A_389 : i32
          %get3A_391 = arith.constant 1 : i32
          %get3A_392 = arith.index_cast %get3A_391 : i32 to index
          %get3A_393 = arith.index_cast %shift_right_arithmetic3A_267 : i32 to index
          %get3A_394 = arith.index_cast %add3A_390 : i32 to index
          %get3A_395 = tpu.vector_load %arg6[%get3A_392, %get3A_393, %get3A_394] {strides = array<i32>} : memref<2x32x512xf32, #tpu.memory_space<vmem>>, vector<16xf32>,
          %get3A_396 = arith.constant 1 : i32
          %get3A_397 = arith.index_cast %get3A_396 : i32 to index
          %get3A_398 = arith.index_cast %shift_right_arithmetic3A_267 : i32 to index
          %get3A_399 = arith.index_cast %add3A_390 : i32 to index
          %get3A_400 = tpu.vector_load %arg7[%get3A_397, %get3A_398, %get3A_399] {strides = array<i32>} : memref<2x32x512xf32, #tpu.memory_space<vmem>>, vector<16xf32>,
          %sub3A_401 = arith.subf %get3A_395, %get3A_400 : vector<16xf32>
          %mul3A_402 = arith.mulf %sub3A_401, %sub3A_401 : vector<16xf32>
          %gt3A_403 = arith.constant 0.000000e+00 : f32
          %gt3A_404 = vector.broadcast %gt3A_403 : f32 to vector<16xf32>
          %gt3A_405 = arith.cmpf ogt, %get3A_400, %gt3A_404 : vector<16xf32>
          %add3A_406 = arith.addf %mul3A_284, %mul3A_300 : vector<16xf32>
          %add3A_407 = arith.addf %mul3A_317, %mul3A_334 : vector<16xf32>
          %add3A_408 = arith.addf %mul3A_351, %mul3A_368 : vector<16xf32>
          %add3A_409 = arith.addf %mul3A_385, %mul3A_402 : vector<16xf32>
          %add3A_410 = arith.addf %add3A_406, %add3A_407 : vector<16xf32>
          %add3A_411 = arith.addf %add3A_408, %add3A_409 : vector<16xf32>
          %add3A_412 = arith.addf %add3A_410, %add3A_411 : vector<16xf32>
          %add3A_413 = arith.addf %scan3A_264, %add3A_412 : vector<16xf32>
          %jit3A_414 = arith.constant 0.000000e+00 : f32
          %broadcast_in_dim3A_415 = vector.broadcast %jit3A_414 : f32 to vector<16xf32>
          %select_n3A_416 = arith.select %gt3A_286, %mul3A_284, %broadcast_in_dim3A_415 : vector<16xi1>, vector<16xf32>
          %jit3A_417 = arith.constant 0.000000e+00 : f32
          %broadcast_in_dim3A_418 = vector.broadcast %jit3A_417 : f32 to vector<16xf32>
          %select_n3A_419 = arith.select %gt3A_303, %mul3A_300, %broadcast_in_dim3A_418 : vector<16xi1>, vector<16xf32>
          %jit3A_420 = arith.constant 0.000000e+00 : f32
          %broadcast_in_dim3A_421 = vector.broadcast %jit3A_420 : f32 to vector<16xf32>
          %select_n3A_422 = arith.select %gt3A_320, %mul3A_317, %broadcast_in_dim3A_421 : vector<16xi1>, vector<16xf32>
          %jit3A_423 = arith.constant 0.000000e+00 : f32
          %broadcast_in_dim3A_424 = vector.broadcast %jit3A_423 : f32 to vector<16xf32>
          %select_n3A_425 = arith.select %gt3A_337, %mul3A_334, %broadcast_in_dim3A_424 : vector<16xi1>, vector<16xf32>
          %jit3A_426 = arith.constant 0.000000e+00 : f32
          %broadcast_in_dim3A_427 = vector.broadcast %jit3A_426 : f32 to vector<16xf32>
          %select_n3A_428 = arith.select %gt3A_354, %mul3A_351, %broadcast_in_dim3A_427 : vector<16xi1>, vector<16xf32>
          %jit3A_429 = arith.constant 0.000000e+00 : f32
          %broadcast_in_dim3A_430 = vector.broadcast %jit3A_429 : f32 to vector<16xf32>
          %select_n3A_431 = arith.select %gt3A_371, %mul3A_368, %broadcast_in_dim3A_430 : vector<16xi1>, vector<16xf32>
          %jit3A_432 = arith.constant 0.000000e+00 : f32
          %broadcast_in_dim3A_433 = vector.broadcast %jit3A_432 : f32 to vector<16xf32>
          %select_n3A_434 = arith.select %gt3A_388, %mul3A_385, %broadcast_in_dim3A_433 : vector<16xi1>, vector<16xf32>
          %jit3A_435 = arith.constant 0.000000e+00 : f32
          %broadcast_in_dim3A_436 = vector.broadcast %jit3A_435 : f32 to vector<16xf32>
          %select_n3A_437 = arith.select %gt3A_405, %mul3A_402, %broadcast_in_dim3A_436 : vector<16xi1>, vector<16xf32>
          %add3A_438 = arith.addf %select_n3A_416, %select_n3A_419 : vector<16xf32>
          %add3A_439 = arith.addf %select_n3A_422, %select_n3A_425 : vector<16xf32>
          %add3A_440 = arith.addf %select_n3A_428, %select_n3A_431 : vector<16xf32>
          %add3A_441 = arith.addf %select_n3A_434, %select_n3A_437 : vector<16xf32>
          %add3A_442 = arith.addf %add3A_438, %add3A_439 : vector<16xf32>
          %add3A_443 = arith.addf %add3A_440, %add3A_441 : vector<16xf32>
          %add3A_444 = arith.addf %add3A_442, %add3A_443 : vector<16xf32>
          %add3A_445 = arith.addf %scan3A_265, %add3A_444 : vector<16xf32>
          %all_reduce_population_count3A = tpu.all_reduce %gt3A_286 {dim = 0 : i64, kind = #tpu.reduction_kind<sum>} : vector<16xi1> -> vector<16xi32>
          %all_reduce_population_count3A_446 = tpu.all_reduce %gt3A_303 {dim = 0 : i64, kind = #tpu.reduction_kind<sum>} : vector<16xi1> -> vector<16xi32>
          %all_reduce_population_count3A_447 = tpu.all_reduce %gt3A_320 {dim = 0 : i64, kind = #tpu.reduction_kind<sum>} : vector<16xi1> -> vector<16xi32>
          %all_reduce_population_count3A_448 = tpu.all_reduce %gt3A_337 {dim = 0 : i64, kind = #tpu.reduction_kind<sum>} : vector<16xi1> -> vector<16xi32>
          %all_reduce_population_count3A_449 = tpu.all_reduce %gt3A_354 {dim = 0 : i64, kind = #tpu.reduction_kind<sum>} : vector<16xi1> -> vector<16xi32>
          %all_reduce_population_count3A_450 = tpu.all_reduce %gt3A_371 {dim = 0 : i64, kind = #tpu.reduction_kind<sum>} : vector<16xi1> -> vector<16xi32>
          %all_reduce_population_count3A_451 = tpu.all_reduce %gt3A_388 {dim = 0 : i64, kind = #tpu.reduction_kind<sum>} : vector<16xi1> -> vector<16xi32>
          %all_reduce_population_count3A_452 = tpu.all_reduce %gt3A_405 {dim = 0 : i64, kind = #tpu.reduction_kind<sum>} : vector<16xi1> -> vector<16xi32>
          %add3A_453 = arith.addi %all_reduce_population_count3A, %all_reduce_population_count3A_446 : vector<16xi32>
          %add3A_454 = arith.addi %all_reduce_population_count3A_447, %all_reduce_population_count3A_448 : vector<16xi32>
          %add3A_455 = arith.addi %all_reduce_population_count3A_449, %all_reduce_population_count3A_450 : vector<16xi32>
          %add3A_456 = arith.addi %all_reduce_population_count3A_451, %all_reduce_population_count3A_452 : vector<16xi32>
          %add3A_457 = arith.addi %add3A_453, %add3A_454 : vector<16xi32>
          %add3A_458 = arith.addi %add3A_455, %add3A_456 : vector<16xi32>
          %add3A_459 = arith.addi %add3A_457, %add3A_458 : vector<16xi32>
          %add3A_460 = arith.addi %scan3A_266, %add3A_459 : vector<16xi32>
          scf.yield %add3A_413, %add3A_445, %add3A_460 : vector<16xf32>, vector<16xf32>, vector<16xi32>
        }
        %scan3A_262 = arith.constant 128 : i32
        scf.yield %scan3A_261#0, %scan3A_261#1, %scan3A_261#2 : vector<16xf32>, vector<16xf32>, vector<16xi32>
      }
      %scan3A_119 = arith.constant 4 : i32
      %swap3A = arith.constant 0 : i32
      %swap3A_120 = arith.index_cast %swap3A : i32 to index
      %swap3A_121 = arith.constant 0 : index
      %swap3A_122 = tpu.vector_load %arg8[%swap3A_120, %swap3A_121] {strides = array<i32>} : memref<8x128xf32, #tpu.memory_space<vmem>>, vector<16xf32>,
      tpu.vector_store %arg8[%swap3A_120, %swap3A_121], %scan3A_118#0 {strides = array<i32>} : memref<8x128xf32, #tpu.memory_space<vmem>>, vector<16xf32>,
      %swap3A_123 = arith.constant 1 : i32
      %swap3A_124 = arith.index_cast %swap3A_123 : i32 to index
      %swap3A_125 = arith.constant 0 : index
      %swap3A_126 = tpu.vector_load %arg8[%swap3A_124, %swap3A_125] {strides = array<i32>} : memref<8x128xf32, #tpu.memory_space<vmem>>, vector<16xf32>,
      tpu.vector_store %arg8[%swap3A_124, %swap3A_125], %scan3A_118#1 {strides = array<i32>} : memref<8x128xf32, #tpu.memory_space<vmem>>, vector<16xf32>,
      %convert_element_type3A_127 = arith.sitofp %scan3A_118#2 : vector<16xi32> to vector<16xf32>
      %swap3A_128 = arith.constant 2 : i32
      %swap3A_129 = arith.index_cast %swap3A_128 : i32 to index
      %swap3A_130 = arith.constant 0 : index
      %swap3A_131 = tpu.vector_load %arg8[%swap3A_129, %swap3A_130] {strides = array<i32>} : memref<8x128xf32, #tpu.memory_space<vmem>>, vector<16xf32>,
      tpu.vector_store %arg8[%swap3A_129, %swap3A_130], %convert_element_type3A_127 {strides = array<i32>} : memref<8x128xf32, #tpu.memory_space<vmem>>, vector<16xf32>,
      "tpu.region"() ({
        %run_scoped3A = tpu.sem_alloc : memref<!tpu.dma_semaphore, #tpu.memory_space<semaphore_mem>>
        %dma_start3A_132 = arith.constant 0 : i32
        %dma_start3A_133 = arith.constant 0 : i32
        %dma_start3A_134 = tpu.memref_slice %arg5[%add3A, %dma_start3A_132, %dma_start3A_133] : memref<32x8x128xf32, #tpu.memory_space<hbm>> -> memref<1x8x128xf32, #tpu.memory_space<hbm>>
        %dma_start3A_135 = tpu.memref_squeeze %dma_start3A_134 : memref<1x8x128xf32, #tpu.memory_space<hbm>> -> memref<8x128xf32, #tpu.memory_space<hbm>>
        %dma_start3A_136 = arith.constant 0 : i32
        %dma_start3A_137 = arith.constant 0 : i32
        %dma_start3A_138 = tpu.memref_slice %arg5[%add3A, %dma_start3A_136, %dma_start3A_137] : memref<32x8x128xf32, #tpu.memory_space<hbm>> -> memref<1x8x128xf32, #tpu.memory_space<hbm>>
        %dma_start3A_139 = tpu.memref_squeeze %dma_start3A_138 : memref<1x8x128xf32, #tpu.memory_space<hbm>> -> memref<8x128xf32, #tpu.memory_space<hbm>>
        tpu.enqueue_dma source(%arg8 : memref<8x128xf32, #tpu.memory_space<vmem>>) target(%dma_start3A_139 : memref<8x128xf32, #tpu.memory_space<hbm>>) target_semaphore(%run_scoped3A : memref<!tpu.dma_semaphore, #tpu.memory_space<semaphore_mem>>)
        %dma_wait3A = arith.constant 0 : i32
        %dma_wait3A_140 = arith.constant 0 : i32
        %dma_wait3A_141 = tpu.memref_slice %arg5[%add3A, %dma_wait3A, %dma_wait3A_140] : memref<32x8x128xf32, #tpu.memory_space<hbm>> -> memref<1x8x128xf32, #tpu.memory_space<hbm>>
        %dma_wait3A_142 = tpu.memref_squeeze %dma_wait3A_141 : memref<1x8x128xf32, #tpu.memory_space<hbm>> -> memref<8x128xf32, #tpu.memory_space<hbm>>
        %dma_wait3A_143 = arith.constant 0 : i32
        %dma_wait3A_144 = arith.constant 0 : i32
        %dma_wait3A_145 = tpu.memref_slice %arg5[%add3A, %dma_wait3A_143, %dma_wait3A_144] : memref<32x8x128xf32, #tpu.memory_space<hbm>> -> memref<1x8x128xf32, #tpu.memory_space<hbm>>
        %dma_wait3A_146 = tpu.memref_squeeze %dma_wait3A_145 : memref<1x8x128xf32, #tpu.memory_space<hbm>> -> memref<8x128xf32, #tpu.memory_space<hbm>>
        tpu.wait_dma2 semaphore(%run_scoped3A : memref<!tpu.dma_semaphore, #tpu.memory_space<semaphore_mem>>) src(%arg8 : memref<8x128xf32, #tpu.memory_space<vmem>>) dst(%dma_wait3A_146 : memref<8x128xf32, #tpu.memory_space<hbm>>)
        tpu.yield
      }) : () -> ()
    } else {
    }
    return
  }
}

module attributes {stable_mosaic.version = 14 : i64} {
  func.func @_tc_stats_kernel(%arg0: i32, %arg1: memref<1x2x512x512xf32, #tpu.memory_space<vmem>>, %arg2: memref<1x512x512xf32, #tpu.memory_space<vmem>>, %arg3: memref<1x512x512xf32, #tpu.memory_space<vmem>>, %arg4: memref<1x8x128xf32, #tpu.memory_space<vmem>>) attributes {dimension_semantics = [#tpu.dimension_semantics<arbitrary>], iteration_bounds = array<i64: 8>, scalar_prefetch = 0 : i64, scratch_operands = 0 : i64, tpu.core_type = #tpu.core_type<tc>, window_params = [{transform_indices = @transform_0, window_bounds = array<i64: 1, 2, 512, 512>}, {transform_indices = @transform_1, window_bounds = array<i64: 1, 512, 512>}, {transform_indices = @transform_2, window_bounds = array<i64: 1, 512, 512>}, {transform_indices = @transform_3, window_bounds = array<i64: 1, 8, 128>}]} {
    %get3A = arith.constant 0 : index
    %get3A_0 = arith.constant 0 : index
    %get3A_1 = arith.constant 0 : index
    %get3A_2 = arith.constant 0 : index
    %get3A_3 = vector.load %arg1[%get3A, %get3A_0, %get3A_1, %get3A_2] : memref<1x2x512x512xf32, #tpu.memory_space<vmem>>, vector<1x1x512x512xf32>
    %get3A_4 = vector.shape_cast %get3A_3 : vector<1x1x512x512xf32> to vector<512x512xf32>
    %get3A_5 = arith.constant 0 : index
    %get3A_6 = arith.constant 0 : index
    %get3A_7 = arith.constant 0 : index
    %get3A_8 = vector.load %arg2[%get3A_5, %get3A_6, %get3A_7] : memref<1x512x512xf32, #tpu.memory_space<vmem>>, vector<1x512x512xf32>
    %get3A_9 = vector.shape_cast %get3A_8 : vector<1x512x512xf32> to vector<512x512xf32>
    %get3A_10 = arith.constant 0 : index
    %get3A_11 = arith.constant 1 : index
    %get3A_12 = arith.constant 0 : index
    %get3A_13 = arith.constant 0 : index
    %get3A_14 = vector.load %arg1[%get3A_10, %get3A_11, %get3A_12, %get3A_13] : memref<1x2x512x512xf32, #tpu.memory_space<vmem>>, vector<1x1x512x512xf32>
    %get3A_15 = vector.shape_cast %get3A_14 : vector<1x1x512x512xf32> to vector<512x512xf32>
    %get3A_16 = arith.constant 0 : index
    %get3A_17 = arith.constant 0 : index
    %get3A_18 = arith.constant 0 : index
    %get3A_19 = vector.load %arg3[%get3A_16, %get3A_17, %get3A_18] : memref<1x512x512xf32, #tpu.memory_space<vmem>>, vector<1x512x512xf32>
    %get3A_20 = vector.shape_cast %get3A_19 : vector<1x512x512xf32> to vector<512x512xf32>
    %sub3A = arith.subf %get3A_4, %get3A_9 : vector<512x512xf32>
    %integer_pow3A = arith.mulf %sub3A, %sub3A : vector<512x512xf32>
    %gt3A = arith.constant 0.000000e+00 : f32
    %gt3A_21 = vector.broadcast %gt3A : f32 to vector<512x512xf32>
    %gt3A_22 = arith.cmpf ogt, %get3A_9, %gt3A_21 : vector<512x512xf32>
    %reduce_sum3A = vector.shape_cast %integer_pow3A : vector<512x512xf32> to vector<1x512x512xf32>
    %reduce_sum3A_23 = arith.constant dense<0.000000e+00> : vector<1xf32>
    %reduce_sum3A_24 = vector.multi_reduction <add>, %reduce_sum3A, %reduce_sum3A_23 [1, 2] : vector<1x512x512xf32> to vector<1xf32>
    %reduce_sum3A_25 = vector.shape_cast %reduce_sum3A_24 : vector<1xf32> to vector<1x1x1xf32>
    %reduce_sum3A_26 = vector.extract %reduce_sum3A_25[0, 0, 0] : f32 from vector<1x1x1xf32>
    %broadcast_in_dim3A = vector.broadcast %reduce_sum3A_26 : f32 to vector<1x128xf32>
    %jit3A = arith.constant 0.000000e+00 : f32
    %broadcast_in_dim3A_27 = vector.broadcast %jit3A : f32 to vector<512x512xf32>
    %select_n3A = arith.select %gt3A_22, %integer_pow3A, %broadcast_in_dim3A_27 : vector<512x512xi1>, vector<512x512xf32>
    %reduce_sum3A_28 = vector.shape_cast %select_n3A : vector<512x512xf32> to vector<1x512x512xf32>
    %reduce_sum3A_29 = arith.constant dense<0.000000e+00> : vector<1xf32>
    %reduce_sum3A_30 = vector.multi_reduction <add>, %reduce_sum3A_28, %reduce_sum3A_29 [1, 2] : vector<1x512x512xf32> to vector<1xf32>
    %reduce_sum3A_31 = vector.shape_cast %reduce_sum3A_30 : vector<1xf32> to vector<1x1x1xf32>
    %reduce_sum3A_32 = vector.extract %reduce_sum3A_31[0, 0, 0] : f32 from vector<1x1x1xf32>
    %broadcast_in_dim3A_33 = vector.broadcast %reduce_sum3A_32 : f32 to vector<1x128xf32>
    %convert_element_type3A = arith.extui %gt3A_22 : vector<512x512xi1> to vector<512x512xi32>
    %convert_element_type3A_34 = arith.sitofp %convert_element_type3A : vector<512x512xi32> to vector<512x512xf32>
    %reduce_sum3A_35 = vector.shape_cast %convert_element_type3A_34 : vector<512x512xf32> to vector<1x512x512xf32>
    %reduce_sum3A_36 = arith.constant dense<0.000000e+00> : vector<1xf32>
    %reduce_sum3A_37 = vector.multi_reduction <add>, %reduce_sum3A_35, %reduce_sum3A_36 [1, 2] : vector<1x512x512xf32> to vector<1xf32>
    %reduce_sum3A_38 = vector.shape_cast %reduce_sum3A_37 : vector<1xf32> to vector<1x1x1xf32>
    %reduce_sum3A_39 = vector.extract %reduce_sum3A_38[0, 0, 0] : f32 from vector<1x1x1xf32>
    %broadcast_in_dim3A_40 = vector.broadcast %reduce_sum3A_39 : f32 to vector<1x128xf32>
    %sub3A_41 = arith.subf %get3A_15, %get3A_20 : vector<512x512xf32>
    %integer_pow3A_42 = arith.mulf %sub3A_41, %sub3A_41 : vector<512x512xf32>
    %gt3A_43 = arith.constant 0.000000e+00 : f32
    %gt3A_44 = vector.broadcast %gt3A_43 : f32 to vector<512x512xf32>
    %gt3A_45 = arith.cmpf ogt, %get3A_20, %gt3A_44 : vector<512x512xf32>
    %reduce_sum3A_46 = vector.shape_cast %integer_pow3A_42 : vector<512x512xf32> to vector<1x512x512xf32>
    %reduce_sum3A_47 = arith.constant dense<0.000000e+00> : vector<1xf32>
    %reduce_sum3A_48 = vector.multi_reduction <add>, %reduce_sum3A_46, %reduce_sum3A_47 [1, 2] : vector<1x512x512xf32> to vector<1xf32>
    %reduce_sum3A_49 = vector.shape_cast %reduce_sum3A_48 : vector<1xf32> to vector<1x1x1xf32>
    %reduce_sum3A_50 = vector.extract %reduce_sum3A_49[0, 0, 0] : f32 from vector<1x1x1xf32>
    %broadcast_in_dim3A_51 = vector.broadcast %reduce_sum3A_50 : f32 to vector<1x128xf32>
    %jit3A_52 = arith.constant 0.000000e+00 : f32
    %broadcast_in_dim3A_53 = vector.broadcast %jit3A_52 : f32 to vector<512x512xf32>
    %select_n3A_54 = arith.select %gt3A_45, %integer_pow3A_42, %broadcast_in_dim3A_53 : vector<512x512xi1>, vector<512x512xf32>
    %reduce_sum3A_55 = vector.shape_cast %select_n3A_54 : vector<512x512xf32> to vector<1x512x512xf32>
    %reduce_sum3A_56 = arith.constant dense<0.000000e+00> : vector<1xf32>
    %reduce_sum3A_57 = vector.multi_reduction <add>, %reduce_sum3A_55, %reduce_sum3A_56 [1, 2] : vector<1x512x512xf32> to vector<1xf32>
    %reduce_sum3A_58 = vector.shape_cast %reduce_sum3A_57 : vector<1xf32> to vector<1x1x1xf32>
    %reduce_sum3A_59 = vector.extract %reduce_sum3A_58[0, 0, 0] : f32 from vector<1x1x1xf32>
    %broadcast_in_dim3A_60 = vector.broadcast %reduce_sum3A_59 : f32 to vector<1x128xf32>
    %convert_element_type3A_61 = arith.extui %gt3A_45 : vector<512x512xi1> to vector<512x512xi32>
    %convert_element_type3A_62 = arith.sitofp %convert_element_type3A_61 : vector<512x512xi32> to vector<512x512xf32>
    %reduce_sum3A_63 = vector.shape_cast %convert_element_type3A_62 : vector<512x512xf32> to vector<1x512x512xf32>
    %reduce_sum3A_64 = arith.constant dense<0.000000e+00> : vector<1xf32>
    %reduce_sum3A_65 = vector.multi_reduction <add>, %reduce_sum3A_63, %reduce_sum3A_64 [1, 2] : vector<1x512x512xf32> to vector<1xf32>
    %reduce_sum3A_66 = vector.shape_cast %reduce_sum3A_65 : vector<1xf32> to vector<1x1x1xf32>
    %reduce_sum3A_67 = vector.extract %reduce_sum3A_66[0, 0, 0] : f32 from vector<1x1x1xf32>
    %broadcast_in_dim3A_68 = vector.broadcast %reduce_sum3A_67 : f32 to vector<1x128xf32>
    %broadcast_in_dim3A_69 = arith.constant 0.000000e+00 : f32
    %broadcast_in_dim3A_70 = vector.broadcast %broadcast_in_dim3A_69 : f32 to vector<2x128xf32>
    %concatenate3A = tpu.concatenate %broadcast_in_dim3A, %broadcast_in_dim3A_33, %broadcast_in_dim3A_40, %broadcast_in_dim3A_51, %broadcast_in_dim3A_60, %broadcast_in_dim3A_68, %broadcast_in_dim3A_70 in 0 : vector<1x128xf32>, vector<1x128xf32>, vector<1x128xf32>, vector<1x128xf32>, vector<1x128xf32>, vector<1x128xf32>, vector<2x128xf32> -> vector<8x128xf32>
    %swap3A = arith.constant 0 : index
    %swap3A_71 = arith.constant 0 : index
    %swap3A_72 = arith.constant 0 : index
    %swap3A_73 = vector.load %arg4[%swap3A, %swap3A_71, %swap3A_72] : memref<1x8x128xf32, #tpu.memory_space<vmem>>, vector<1x8x128xf32>
    %swap3A_74 = vector.shape_cast %swap3A_73 : vector<1x8x128xf32> to vector<8x128xf32>
    %swap3A_75 = vector.shape_cast %concatenate3A : vector<8x128xf32> to vector<1x8x128xf32>
    tpu.vector_store %arg4[%swap3A, %swap3A_71, %swap3A_72], %swap3A_75 {strides = array<i32>} : memref<1x8x128xf32, #tpu.memory_space<vmem>>, vector<1x8x128xf32>,
    return
  }
  func.func @transform_0(%arg0: i32) -> (i32, i32, i32, i32) {
    %add3A = arith.constant 8 : i32
    %add3A_0 = arith.addi %arg0, %add3A : i32
    %c0_i32 = arith.constant 0 : i32
    %c0_i32_1 = arith.constant 0 : i32
    %c0_i32_2 = arith.constant 0 : i32
    %c0_i32_3 = arith.constant 0 : i32
    return %add3A_0, %c0_i32, %c0_i32_1, %c0_i32_2 : i32, i32, i32, i32
  }
  func.func @transform_1(%arg0: i32) -> (i32, i32, i32) {
    %add3A = arith.constant 8 : i32
    %add3A_0 = arith.addi %arg0, %add3A : i32
    %c0_i32 = arith.constant 0 : i32
    %c0_i32_1 = arith.constant 0 : i32
    %c0_i32_2 = arith.constant 0 : i32
    return %add3A_0, %c0_i32, %c0_i32_1 : i32, i32, i32
  }
  func.func @transform_2(%arg0: i32) -> (i32, i32, i32) {
    %add3A = arith.constant 8 : i32
    %add3A_0 = arith.addi %arg0, %add3A : i32
    %c0_i32 = arith.constant 0 : i32
    %c0_i32_1 = arith.constant 0 : i32
    %c0_i32_2 = arith.constant 0 : i32
    return %add3A_0, %c0_i32, %c0_i32_1 : i32, i32, i32
  }
  func.func @transform_3(%arg0: i32) -> (i32, i32, i32) {
    %c0_i32 = arith.constant 0 : i32
    %c0_i32_0 = arith.constant 0 : i32
    %c0_i32_1 = arith.constant 0 : i32
    return %arg0, %c0_i32, %c0_i32_0 : i32, i32, i32
  }
}

module attributes {stable_mosaic.version = 14 : i64} {
  func.func @_topk_tc_kernel(%arg0: i32, %arg1: memref<32xi32, #tpu.memory_space<smem>>, %arg2: memref<1x512x512xf32, #tpu.memory_space<vmem>>, %arg3: memref<1x512x512xf32, #tpu.memory_space<vmem>>, %arg4: memref<1x8x128xf32, #tpu.memory_space<vmem>>) attributes {dimension_semantics = [#tpu.dimension_semantics<arbitrary>], iteration_bounds = array<i64: 32>, scalar_prefetch = 1 : i64, scratch_operands = 0 : i64, tpu.core_type = #tpu.core_type<tc>, window_params = [{transform_indices = @transform_0, window_bounds = array<i64: 1, 512, 512>}, {transform_indices = @transform_1, window_bounds = array<i64: 1, 512, 512>}, {transform_indices = @transform_2, window_bounds = array<i64: 1, 8, 128>}]} {
    %get3A = arith.index_cast %arg0 : i32 to index
    %get3A_0 = memref.load %arg1[%get3A] : memref<32xi32, #tpu.memory_space<smem>>
    %get3A_1 = arith.constant 0 : index
    %get3A_2 = arith.constant 0 : index
    %get3A_3 = arith.constant 0 : index
    %get3A_4 = vector.load %arg2[%get3A_1, %get3A_2, %get3A_3] : memref<1x512x512xf32, #tpu.memory_space<vmem>>, vector<1x512x512xf32>
    %get3A_5 = vector.shape_cast %get3A_4 : vector<1x512x512xf32> to vector<512x512xf32>
    %get3A_6 = arith.constant 0 : index
    %get3A_7 = arith.constant 0 : index
    %get3A_8 = arith.constant 0 : index
    %get3A_9 = vector.load %arg3[%get3A_6, %get3A_7, %get3A_8] : memref<1x512x512xf32, #tpu.memory_space<vmem>>, vector<1x512x512xf32>
    %get3A_10 = vector.shape_cast %get3A_9 : vector<1x512x512xf32> to vector<512x512xf32>
    %sub3A = arith.subf %get3A_5, %get3A_10 : vector<512x512xf32>
    %integer_pow3A = arith.mulf %sub3A, %sub3A : vector<512x512xf32>
    %gt3A = arith.constant 0.000000e+00 : f32
    %gt3A_11 = vector.broadcast %gt3A : f32 to vector<512x512xf32>
    %gt3A_12 = arith.cmpf ogt, %get3A_10, %gt3A_11 : vector<512x512xf32>
    %bitcast_convert_type3A = tpu.bitcast %integer_pow3A : vector<512x512xf32> -> vector<512x512xi32>
    %jit3A = arith.constant -1 : i32
    %broadcast_in_dim3A = vector.broadcast %jit3A : i32 to vector<512x512xi32>
    %select_n3A = arith.select %gt3A_12, %broadcast_in_dim3A, %bitcast_convert_type3A : vector<512x512xi1>, vector<512x512xi32>
    %scan3A = arith.constant 0 : i32
    %scan3A_13 = arith.constant 0 : i32
    %scan3A_14 = arith.constant 31 : i32
    %scan3A_15 = arith.addi %scan3A_13, %scan3A_14 : i32
    %scan3A_16 = arith.constant 1 : i32
    %scan3A_17 = scf.for %scan3A_44 = %scan3A_13 to %scan3A_15 step %scan3A_16 iter_args(%scan3A_45 = %scan3A) -> (i32)  : i32 {
      %sub3A_46 = arith.constant 30 : i32
      %sub3A_47 = arith.subi %sub3A_46, %scan3A_44 : i32
      %shift_left3A = arith.constant 1 : i32
      %shift_left3A_48 = arith.shli %shift_left3A, %sub3A_47 : i32
      %or3A = arith.ori %scan3A_45, %shift_left3A_48 : i32
      %ge3A = vector.broadcast %or3A : i32 to vector<512x512xi32>
      %ge3A_49 = arith.cmpi sge, %select_n3A, %ge3A : vector<512x512xi32>
      %convert_element_type3A_50 = arith.extui %ge3A_49 : vector<512x512xi1> to vector<512x512xi32>
      %reduce_sum3A_51 = vector.shape_cast %convert_element_type3A_50 : vector<512x512xi32> to vector<1x512x512xi32>
      %reduce_sum3A_52 = arith.constant dense<0> : vector<1xi32>
      %reduce_sum3A_53 = vector.multi_reduction <add>, %reduce_sum3A_51, %reduce_sum3A_52 [1, 2] : vector<1x512x512xi32> to vector<1xi32>
      %reduce_sum3A_54 = vector.shape_cast %reduce_sum3A_53 : vector<1xi32> to vector<1x1x1xi32>
      %reduce_sum3A_55 = vector.extract %reduce_sum3A_54[0, 0, 0] : i32 from vector<1x1x1xi32>
      %ge3A_56 = arith.cmpi sge, %reduce_sum3A_55, %get3A_0 : i32
      %select_n3A_57 = arith.select %ge3A_56, %or3A, %scan3A_45 : i32
      scf.yield %select_n3A_57 : i32
    }
    %scan3A_18 = arith.constant 31 : i32
    %gt3A_19 = vector.broadcast %scan3A_17 : i32 to vector<512x512xi32>
    %gt3A_20 = arith.cmpi sgt, %select_n3A, %gt3A_19 : vector<512x512xi32>
    %convert_element_type3A = arith.extui %gt3A_20 : vector<512x512xi1> to vector<512x512xi32>
    %reduce_sum3A = vector.shape_cast %convert_element_type3A : vector<512x512xi32> to vector<1x512x512xi32>
    %reduce_sum3A_21 = arith.constant dense<0> : vector<1xi32>
    %reduce_sum3A_22 = vector.multi_reduction <add>, %reduce_sum3A, %reduce_sum3A_21 [1, 2] : vector<1x512x512xi32> to vector<1xi32>
    %reduce_sum3A_23 = vector.shape_cast %reduce_sum3A_22 : vector<1xi32> to vector<1x1x1xi32>
    %reduce_sum3A_24 = vector.extract %reduce_sum3A_23[0, 0, 0] : i32 from vector<1x1x1xi32>
    %gt3A_25 = vector.broadcast %scan3A_17 : i32 to vector<512x512xi32>
    %gt3A_26 = arith.cmpi sgt, %select_n3A, %gt3A_25 : vector<512x512xi32>
    %jit3A_27 = arith.constant 0.000000e+00 : f32
    %broadcast_in_dim3A_28 = vector.broadcast %jit3A_27 : f32 to vector<512x512xf32>
    %select_n3A_29 = arith.select %gt3A_26, %integer_pow3A, %broadcast_in_dim3A_28 : vector<512x512xi1>, vector<512x512xf32>
    %reduce_sum3A_30 = vector.shape_cast %select_n3A_29 : vector<512x512xf32> to vector<1x512x512xf32>
    %reduce_sum3A_31 = arith.constant dense<0.000000e+00> : vector<1xf32>
    %reduce_sum3A_32 = vector.multi_reduction <add>, %reduce_sum3A_30, %reduce_sum3A_31 [1, 2] : vector<1x512x512xf32> to vector<1xf32>
    %reduce_sum3A_33 = vector.shape_cast %reduce_sum3A_32 : vector<1xf32> to vector<1x1x1xf32>
    %reduce_sum3A_34 = vector.extract %reduce_sum3A_33[0, 0, 0] : f32 from vector<1x1x1xf32>
    %bitcast_convert_type3A_35 = arith.bitcast %scan3A_17 : i32 to f32
    %sub3A_36 = arith.subi %get3A_0, %reduce_sum3A_24 : i32
    %convert_element_type3A_37 = arith.sitofp %sub3A_36 : i32 to f32
    %mul3A = arith.mulf %convert_element_type3A_37, %bitcast_convert_type3A_35 : f32
    %add3A = arith.addf %reduce_sum3A_34, %mul3A : f32
    %broadcast_in_dim3A_38 = vector.broadcast %add3A : f32 to vector<8x128xf32>
    %swap3A = arith.constant 0 : index
    %swap3A_39 = arith.constant 0 : index
    %swap3A_40 = arith.constant 0 : index
    %swap3A_41 = vector.load %arg4[%swap3A, %swap3A_39, %swap3A_40] : memref<1x8x128xf32, #tpu.memory_space<vmem>>, vector<1x8x128xf32>
    %swap3A_42 = vector.shape_cast %swap3A_41 : vector<1x8x128xf32> to vector<8x128xf32>
    %swap3A_43 = vector.shape_cast %broadcast_in_dim3A_38 : vector<8x128xf32> to vector<1x8x128xf32>
    tpu.vector_store %arg4[%swap3A, %swap3A_39, %swap3A_40], %swap3A_43 {strides = array<i32>} : memref<1x8x128xf32, #tpu.memory_space<vmem>>, vector<1x8x128xf32>,
    return
  }
  func.func @transform_0(%arg0: i32, %arg1: memref<32xi32, #tpu.memory_space<smem>>) -> (i32, i32, i32) {
    %c0_i32 = arith.constant 0 : i32
    %c0_i32_0 = arith.constant 0 : i32
    %c0_i32_1 = arith.constant 0 : i32
    return %arg0, %c0_i32, %c0_i32_0 : i32, i32, i32
  }
  func.func @transform_1(%arg0: i32, %arg1: memref<32xi32, #tpu.memory_space<smem>>) -> (i32, i32, i32) {
    %c0_i32 = arith.constant 0 : i32
    %c0_i32_0 = arith.constant 0 : i32
    %c0_i32_1 = arith.constant 0 : i32
    return %arg0, %c0_i32, %c0_i32_0 : i32, i32, i32
  }
  func.func @transform_2(%arg0: i32, %arg1: memref<32xi32, #tpu.memory_space<smem>>) -> (i32, i32, i32) {
    %c0_i32 = arith.constant 0 : i32
    %c0_i32_0 = arith.constant 0 : i32
    %c0_i32_1 = arith.constant 0 : i32
    return %arg0, %c0_i32, %c0_i32_0 : i32, i32, i32
  }
}

</mosaic_0001>

<sc_bundles>
// kernel: kernel.4.cloned.1.call-start
scs
__scs_entry_jumppad:
0x0: {  	(pc) =	sbr.rel $0x88, $3  }
0x1: {  	(tag) =	ssettag $0x0;
	lr =	simm.s32 $0x1  }
0x2: {  	[smem:$0x3F9E] =	sst lr;
	_ =	strace $0xD0000000  }
0x3: {  	_ = 	snop  }
0x4: {  	_ = 	snop  }
0x5: {  	_ = 	snop  }
0x6: {  	_ = 	snop  }
0x7: {  	_ = 	snop  }
__scs_overlays_trampoline_lowered:
0x8: {  	[smem:$0x3FAD] =	sst s0  }
0x9: {  	[smem:$0x3FAE] =	sst s1  }
0xa: {  	[smem:$0x3FAF] =	sst s2  }
0xb: {  	[smem:$0x3FB0] =	sst s3  }
0xc: {  	[smem:$0x3FB1] =	sst s4  }
0xd: {  	[smem:$0x3FB2] =	sst s5  }
0xe: {  	[smem:$0x3FB3] =	sst s6  }
0xf: {  	[smem:$0x3FB4] =	sst s7  }
0x10: {  	[smem:$0x3FB5] =	sst s8  }
0x11: {  	[smem:$0x3FB6] =	sst s9;
	s0 =	simm.s32 @!p0 $0x0  }
0x12: {  	s1 =	sld [smem:$0x3F9C];
	s0 =	simm.s32 @p0 $0x1  }
0x13: {  	[smem:$0x3FB7] =	sst s0;
	s0 =	simm.s32 @!p1 $0x0  }
0x14: {  	s2 =	sld [smem:$0x3F9B];
	s0 =	simm.s32 @p1 $0x1  }
0x15: {  	[smem:$0x3FB8] =	sst s0;
	s0 =	simm.s32 @!p2 $0x0  }
0x16: {  	s3 =	sld [smem:$0x3FDB];
	s0 =	simm.s32 @p2 $0x1  }
0x17: {  	s4 =	simm.s32 $0x1BF5;
	[smem:$0x3FBA] =	sst s0  }
0x18: {  	s0 =	sld [smem:$0x3F9D];
	_ =	swait.ge [sflag:s4], $0x0  }
0x19: {  	s7 =	sld [smem:$0x3F9E]  }
0x1a: {  	s8 =	sadd.s32 $0xFFFFE003, lr  }
0x1b: {  	s9 =	sadd.s32 $0xFFFFFEF7, lr;
	s5 =	simm.s32 $0xFFFFFFFF;
	p2 =	slt.u32 s8, $0xFFFFF086  }
0x1c: {  	p1 =	slt.u32 s9, $0xF7A;
	s5 =	simm.s32 @!p2 $0x0  }
0x1d: {  	s5 =	simm.s32 @p1 $0x1;
	p0 =	seq.s32 s7, s2  }
0x1e: {  	s7 =	smul.u32 @!p0 $0xF7A, s2;
	p2 =	seq.s32 @!p0 s5, $0x0  }
0x1f: {  	s9 =	smul.u32 $0xF7A, s1;
	s8 =	simm.s32 @!p0 $0x1BF5;
	p2 =	por !p2, p0  }
0x20: {  	[sflag:s8] =	ssyncset.s32 @!p0 $0xFFFFF086;
	s6 =	sadd.s32 @!p0 s3, s7;
	s7 =	simm.s32 @!p0 $0x108  }
0x21: {  	s3 =	sadd.s32 s3, s9;
	s6 =	sadd.s32 @!p0 $0x88, s6;
	s7 =	simm.s32 @p2 $0x1082  }
0x22: {  	[simem:s7], [sflag:s8] =	dma.local @!p0 [hbm:s6], $0xF7A  }
0x23: {  	s9 =	sor.u32 $0xD0000000, s2;
	s6 =	simm.s32 $0x108;
	_ =	swait.ge @!p0 [sflag:s8], $0x0  }
0x24: {  	s3 =	sadd.s32 $0x88, s3;
	s6 =	simm.s32 @!p1 $0x1082;
	[sflag:s4] =	ssyncset.s32 $0xFFFFF086  }
0x25: {  	[simem:s6], [sflag:s4] =	dma.local [hbm:s3], $0xF7A  }
0x26: {  	[smem:$0x3F9E] =	sst s1;
	(tag) =	ssettag s2;
	_ =	strace s9  }
0x27: {  	s1 =	sld [smem:$0x3FAE]  }
0x28: {  	s2 =	sld [smem:$0x3FAF]  }
0x29: {  	s4 =	sld [smem:$0x3FB1]  }
0x2a: {  	p0 =	seq.s32 s5, $0x0;
	s5 =	sld [smem:$0x3FB2]  }
0x2b: {  	s6 =	sld [smem:$0x3FB3]  }
0x2c: {  	s7 =	sld [smem:$0x3FB4]  }
0x2d: {  	s3 =	simm.s32 $0x108;
	s8 =	sld [smem:$0x3FB5]  }
0x2e: {  	s3 =	simm.s32 @!p0 $0x1082;
	s9 =	sld [smem:$0x3FB6]  }
0x2f: {  	lr =	sadd.s32 s0, s3;
	s0 =	sld [smem:$0x3FAD]  }
0x30: {  	s3 =	sld [smem:$0x3FB0]  }
0x31: {  	[smem:$0x3FB9] =	sst s10  }
0x32: {  	s10 =	sld [smem:$0x3FB7];
	_ =	sdelay $0x3  }
0x33: {  	p0 =	seq.s32 s10, $0x1;
	s10 =	sld [smem:$0x3FB9];
	_ =	sdelay $0x3  }
0x34: {  	[smem:$0x3FB9] =	sst s10  }
0x35: {  	s10 =	sld [smem:$0x3FB8];
	_ =	sdelay $0x3  }
0x36: {  	p1 =	seq.s32 s10, $0x1;
	s10 =	sld [smem:$0x3FB9];
	_ =	sdelay $0x3  }
0x37: {  	[smem:$0x3FB9] =	sst s10  }
0x38: {  	s10 =	sld [smem:$0x3FBA]  }
0x39: {  	_ = 	snop;
	(pc) =	sbr.ind lr, $3  }
0x3a: {  	_ = 	snop  }
0x3b: {  	_ = 	snop  }
0x3c: {  	p2 =	seq.s32 s10, $0x1;
	s10 =	sld [smem:$0x3FB9]  }
0x3d: {  	_ =	shalt  }
0x3e: {  	_ =	shalt  }
0x3f: {  	_ =	shalt  }
0x40: {  	_ =	shalt  }
0x41: {  	_ =	shalt  }
0x42: {  	_ =	shalt  }
0x43: {  	_ =	shalt  }
0x44: {  	_ =	shalt  }
0x45: {  	_ =	shalt  }
0x46: {  	_ =	shalt  }
0x47: {  	_ =	shalt  }
0x48: {  	_ =	shalt  }
0x49: {  	_ =	shalt  }
0x4a: {  	_ =	shalt  }
0x4b: {  	_ =	shalt  }
0x4c: {  	_ =	shalt  }
0x4d: {  	_ =	shalt  }
0x4e: {  	_ =	shalt  }
0x4f: {  	_ =	shalt  }
0x50: {  	_ =	shalt  }
0x51: {  	_ =	shalt  }
0x52: {  	_ =	shalt  }
0x53: {  	_ =	shalt  }
0x54: {  	_ =	shalt  }
0x55: {  	_ =	shalt  }
0x56: {  	_ =	shalt  }
0x57: {  	_ =	shalt  }
0x58: {  	_ =	shalt  }
0x59: {  	_ =	shalt  }
0x5a: {  	_ =	shalt  }
0x5b: {  	_ =	shalt  }
0x5c: {  	_ =	shalt  }
0x5d: {  	_ =	shalt  }
0x5e: {  	_ =	shalt  }
0x5f: {  	_ =	shalt  }
0x60: {  	_ =	shalt  }
0x61: {  	_ =	shalt  }
0x62: {  	_ =	shalt  }
0x63: {  	_ =	shalt  }
0x64: {  	_ =	shalt  }
0x65: {  	_ =	shalt  }
0x66: {  	_ =	shalt  }
0x67: {  	_ =	shalt  }
0x68: {  	_ =	shalt  }
0x69: {  	_ =	shalt  }
0x6a: {  	_ =	shalt  }
0x6b: {  	_ =	shalt  }
0x6c: {  	_ =	shalt  }
0x6d: {  	_ =	shalt  }
0x6e: {  	_ =	shalt  }
0x6f: {  	_ =	shalt  }
0x70: {  	_ =	shalt  }
0x71: {  	_ =	shalt  }
0x72: {  	_ =	shalt  }
0x73: {  	_ =	shalt  }
0x74: {  	_ =	shalt  }
0x75: {  	_ =	shalt  }
0x76: {  	_ =	shalt  }
0x77: {  	_ =	shalt  }
0x78: {  	_ =	shalt  }
0x79: {  	_ =	shalt  }
0x7a: {  	_ =	shalt  }
0x7b: {  	_ =	shalt  }
0x7c: {  	_ =	shalt  }
0x7d: {  	_ =	shalt  }
0x7e: {  	_ =	shalt  }
0x7f: {  	_ =	shalt  }
0x80: {  	_ =	shalt  }
0x81: {  	_ =	shalt  }
0x82: {  	_ =	shalt  }
0x83: {  	_ =	shalt  }
0x84: {  	_ =	shalt  }
0x85: {  	_ =	shalt  }
0x86: {  	_ =	shalt  }
0x87: {  	_ =	shalt  }
.Lfunc_end0:
.L_simem_size_0:
called_computation.1_lowered:
.L_overlay_start_0:
0x88: {  	s2 =	sld [smem:$0x3FD9]  }
0x89: {  	s3 =	sld [smem:$0x3FFE];
	_ =	sdelay $0x1  }
0x8a: {  	s1 =	srdreg.scid  }
0x8b: {  	s0 =	sand.u32 $0x1, s1  }
0x8c: {  	s17 =	sshll.u32 s0, $0xA;
	s2 =	sadd.s32 s3, s2  }
0x8d: {  	s2 =	sadd.s32 s2, s17  }
0x8e: {  	[smem:$0x3FC5] =	sst s2  }
0x8f: {  	_ = 	snop  }
0x90: {  	s2 =	sld [smem:$0x3FC9]  }
0x91: {  	s18 =	sld [smem:$0x3FC8]  }
0x92: {  	s4 =	sld [smem:$0x3FC7];
	(tm) =	ssettm $0x1  }
0x93: {  	s5 =	sld [smem:$0x3FFB];
	_ =	sdelay $0x3  }
0x94: {  	_ =	strace s5  }
0x95: {  	s5 =	sld [smem:$0x3FFC];
	_ =	sdelay $0x3  }
0x96: {  	_ =	strace s5  }
0x97: {  	s5 =	sld [smem:$0x3FFD];
	_ =	sdelay $0x3  }
0x98: {  	_ =	strace s5  }
0x99: {  	_ =	strace $0x8FFFFFFF  }
0x9a: {  	s19 =	sld [smem:$0x3FDB];
	_ =	sdelay $0x1  }
0x9b: {  	s6 =	simm.s32 $_scs_section_size  }
0x9c: {  	s7 =	simm.s32 $_size__tile_overlayer_lowered;
	s8 =	simm.s32 $_tile_overlayer_lowered  }
0x9d: {  	s22 =	simm.s32 $0x1BFF;
	s21 =	sshll.u32 s8, $0x1;
	s5 =	sadd.s32 s6, s19  }
0x9e: {  	s9 =	simm.s32 $0x0;
	s20 =	sshll.u32 s7, $0x1;
	s7 =	sadd.s32 s21, s5  }
0x9f: {  	[timem:s9], [sflag:s22] =	dma.local [hbm:s7], s20  }
0xa0: {  	_ =	swait.ge [sflag:s22], s20  }
0xa1: {  	s6 =	ssub.s32 $0x0, s20;
	[sflag:s22] =	ssyncset.done $0x0  }
0xa2: {  	[sflag:s22] =	ssyncadd.s32 s6;
	_ =	sdelay $0x1  }
0xa3: {  	s23 =	simm.s32 $0x1B8B  }
0xa4: {  	_ =	swait.ge [sflag:s23], $0x1  }
0xa5: {  	[sflag:s23] =	ssyncset.done $0x0  }
0xa6: {  	s25 =	simm.s32 $0x1B8E;
	s24 =	sld [smem:$0x3FFE];
	[sflag:s23] =	ssyncadd.s32 $0xFFFFFFFF  }
0xa7: {  	s26 =	simm.s32 $execute0_lowered;
	[smem:$0x3FD2] =	sst s25  }
0xa8: {  	s7 =	sshll.u32 s26, $0x1;
	_ =	strace $0x80000049;
	[dreg:$0x1] =	wrdreg $0xFFFFFFFF  }
0xa9: {  	s28 =	simm.s32 $_size_execute0_lowered;
	s5 =	sadd.s32 s5, s7;
	[dreg:$0x0] =	wrdreg $0x0  }
0xaa: {  	s7 =	sshll.u32 s28, $0x1;
	[dreg:$0x2] =	wrdreg s5  }
0xab: {  	[dreg:$0x3] =	wrdreg s7  }
0xac: {  	[dreg:$0x4] =	wrdreg $0xC0  }
0xad: {  	_ =	task [dreg:s9], $0x5FFFF  }
0xae: {  	[dreg:$0x1] =	wrdreg $0xFFFFFFFF  }
0xaf: {  	[dreg:$0x0] =	wrdreg $0x60  }
0xb0: {  	[dreg:$0x2] =	wrdreg s2  }
0xb1: {  	[dreg:$0x3] =	wrdreg s18  }
0xb2: {  	[dreg:$0x4] =	wrdreg s4  }
0xb3: {  	[dreg:$0x5] =	wrdreg s24  }
0xb4: {  	[dreg:$0x6] =	wrdreg $0x9  }
0xb5: {  	_ =	task.clear_ibuf [dreg:s9], $0x7FFFF;
	_ =	strace $0x90000049  }
0xb6: {  	s29 =	simm.s32 $0x9;
	_ =	strace $0x8000004B  }
0xb7: {  	_ =	swait.ge [sflag:s29], $0x1  }
0xb8: {  	[sflag:s29] =	ssyncadd.s32 $0xFFFFFFFF  }
0xb9: {  	_ =	strace $0x9000004B  }
0xba: {  	_ =	sfence  }
0xbb: {  	s30 =	sld [smem:$0x0];
	_ =	sdelay $0x2  }
0xbc: {  	s31 =	sshll.u32 s1, $0xD;
	s1 =	sshrl.u32 s1, $0x2  }
0xbd: {  	s3 =	sand.u32 $0x4000, s31;
	s1 =	sadd.s32 s1, s30  }
0xbe: {  	s0 =	sor.u32 s3, s0;
	s1 =	sshll.u32 s1, $0x11  }
0xbf: {  	s0 =	sor.u32 s1, s0  }
0xc0: {  	s0 =	sadd.s32 $0x8F2B, s0  }
0xc1: {  	[sflag:s0] =	ssyncadd.remote.s32 $0x1  }
0xc2: {  	_ =	sfence.sel $0xFFFF  }
0xc3: {  	[dreg:$0x0] =	wrdreg $0xFFFFFFFF;
	(pc) =	sbr.abs _section_cstart, $3  }
0xc4: {  	[dreg:$0x1] =	wrdreg $0xFFFFFFFF  }
0xc5: {  	_ =	task.clear_ibuf [dreg:s9], $0x2FFFF;
	_ =	strace $0x9FFFFFFF  }
0xc6: {  	(tm) =	ssettm $0x7FFFFFFF  }
0xc7: {  	_ =	shalt  }
tec
execute0_lowered:
.L_overlay_start_1:
0x0: {  	(tag) =	ssettag $0x1  }
0x1: {  	s1 =	rddreg [dreg:$0x0]  }
0x2: {  	s2 =	rddreg [dreg:$0x1]  }
0x3: {  	s3 =	rddreg [dreg:$0x2]  }
0x4: {  	s0 =	rddreg [dreg:$0x3];
	s5 =	srdreg.scid;
	s4 =	simm.s32 $0x0  }
0x5: {  	s12 =	stileid.u32;
	s17 =	simm.s32 $0x8000;
	s18 =	simm.s32 $0x4000  }
0x6: {  	s19 =	simm.s32 $0xC000;
	s20 =	simm.s32 $0x1;
	s21 =	simm.s32 $0x3  }
0x7: {  	s22 =	simm.s32 $0x2;
	s23 =	simm.s32 $0x4;
	s24 =	simm.s32 $0x10000  }
0x8: {  	s25 =	simm.s32 $0x5;
	s26 =	simm.s32 $0x0;
	s5 =	sand.u32 $0x1, s5  }
0x9: {  	[smem:$0x7FF] =	sst s4;
	s8 =	sand.u32 $0x7, s12;
	s29 =	sshll.u32 s12, $0xE  }
0xa: {  	s15 =	sshll.u32 s12, $0x8;
	s6 =	ssub.s32 $0x2, s5;
	_ =	strace $0x8000004A  }
0xb: {  	p0 =	seq.s32 s5, $0x1;
	s30 =	sshll.u32 s5, $0x12;
	s16 =	sshll.u32 s5, $0x7  }
0xc: {  	s12 =	sadd.s32 s0, s15;
	p1 =	seq.s32 s5, $0x0;
	s7 =	sshrl.u32 s6, $0x1  }
0xd: {  	s0 =	sadd.s32 s0, s16;
	s9 =	ssub.s32 s6, s7;
	s6 =	sshll.u32 s8, $0x13  }
0xe: {  	s7 =	sand.u32 $0x20000, s29;
	s8 =	sshll.u32 s8, $0x12;
	s15 =	sadd.s32 s15, s0  }
.Ltmp0:
0xf: {  	s10 =	sor.u32 s7, s6;
	s11 =	sor.u32 s7, s8;
	(pc) =	sbr.rel .LBB2_1-.Ltmp0, $4  }
0x10: {  	s10 =	sshrl.u32 s10, $0x3;
	s14 =	sshrl.u32 s11, $0x3;
	s11 =	sor.u32 s30, s6  }
0x11: {  	s16 =	smax.u32 s9, $0x1;
	s10 =	sadd.s32 s1, s10;
	s13 =	sor.u32 s7, s11  }
0x12: {  	s31 =	sadd.s32 s2, s14;
	[dreg:$0x5] =	wrdreg s10;
	s13 =	sshrl.u32 s13, $0x3  }
0x13: {  	s14 =	sadd.s32 s3, s14;
	[dreg:$0x6] =	wrdreg s31;
	s13 =	sadd.s32 s1, s13  }
.LBB2_16:
0x14: {  	s26 =	sadd.s32 $0x1, s26  }
0x15: {  	p2 =	sne.s32 s26, s16  }
.Ltmp1:
0x16: {  	_ = 	snop;
	(pc) =	sbr.rel @!p2 .LBB2_17-.Ltmp1, $1  }
0x17: {  	_ =	sdelay $0x3  }
.LBB2_1:
.Ltmp2:
0x18: {  	(pc) =	sbr.rel @p0 .LBB2_9-.Ltmp2, $1  }
0x19: {  	_ =	sdelay $0x3  }
0x1a: {  	s28 =	simm.s32 $0x0;
	s0 =	rddreg [dreg:$0x5]  }
0x1b: {  	[tilespmem:s28], [sflag:$0x1] =	stream.linear.gather [hbm4b:s0+s28], $0x4000, $0x38;
	[tilespmem:$0x10400] =	vst v63  }
0x1c: {  	s31 =	rddreg [dreg:$0x6];
	s29 =	simm.s32 $0x0  }
0x1d: {  	v1 =	vimm.f32 $0.0e+00;
	v2 =	vimm.s32 $0x0;
	v0 =	vimm.f32 $0.0e+00;
	[tilespmem:s17], [sflag:$0x3] =	stream.linear.gather [hbm4b:s31+s28], $0x4000, $0x38;
	[tilespmem:$0x10400] =	vst v63  }
.LBB2_3:
0x1e: {  	s0 =	sshll.u32 s29, $0xF  }
0x1f: {  	s30 =	sadd.s32 s7, s0  }
0x20: {  	s0 =	sor.u32 $0x4000, s30  }
0x21: {  	s5 =	sor.u32 s6, s0  }
0x22: {  	s0 =	sor.u32 s8, s0;
	s5 =	sshrl.u32 s5, $0x3  }
0x23: {  	s0 =	sshrl.u32 s0, $0x3;
	s5 =	sadd.s32 s1, s5  }
0x24: {  	[tilespmem:s18], [sflag:$0x2] =	stream.linear.gather [hbm4b:s5+s28], $0x4000, $0x38;
	[tilespmem:$0x10400] =	vst v63  }
0x25: {  	s0 =	sadd.s32 s2, s0  }
0x26: {  	[tilespmem:s19], [sflag:$0x4] =	stream.linear.gather [hbm4b:s0+s28], $0x4000, $0x38;
	[tilespmem:$0x10400] =	vst v63  }
0x27: {  	_ =	swait.ge [sflag:s20], $0x4000  }
0x28: {  	[sflag:s20] =	ssyncset.done $0x0  }
0x29: {  	s9 =	simm.s32 $0x0;
	s10 =	sand.u32 $0xC00, s28;
	[sflag:s20] =	ssyncadd.s32 $0xFFFFC000  }
0x2a: {  	s0 =	sand.u32 $0x3000, s9;
	s9 =	simm.s32 $0x0;
	_ =	swait.ge [sflag:s21], $0x4000  }
0x2b: {  	s0 =	sor.u32 s10, s0;
	s10 =	sand.u32 $0x380, s9;
	[sflag:s21] =	ssyncset.done $0x0  }
0x2c: {  	s0 =	sor.u32 s10, s0;
	[sflag:s21] =	ssyncadd.s32 $0xFFFFC000  }
0x2d: {  	v3 =	vld [tilespmem:s0+$0x8000]  }
0x2e: {  	v4 =	vld [tilespmem:s0+$0x8010]  }
0x2f: {  	v5 =	vld [tilespmem:s0+$0x8020]  }
0x30: {  	v6 =	vld [tilespmem:s0+$0x8030]  }
0x31: {  	v7 =	vld [tilespmem:s0+$0x8040]  }
0x32: {  	v8 =	vld [tilespmem:s0+$0x8050]  }
0x33: {  	v12 =	vld [tilespmem:s0+$0x0]  }
0x34: {  	v9 =	vld [tilespmem:s0+$0x8060]  }
0x35: {  	v10 =	vld [tilespmem:s0+$0x8070]  }
0x36: {  	v14 =	vld [tilespmem:s0+$0x10];
	vm7 =	vgt.f32 v3, $0.0e+00  }
0x37: {  	vm6 =	vgt.f32 v4, $0.0e+00;
	vm5 =	vgt.f32 v5, $0.0e+00;
	v11 =	vmpcnt.ones.xlane vm7  }
0x38: {  	vm0 =	vgt.f32 v6, $0.0e+00;
	vm1 =	vgt.f32 v7, $0.0e+00;
	v3 =	vsub.f32 v12, v3;
	v12 =	vld [tilespmem:s0+$0x60]  }
0x39: {  	vm2 =	vgt.f32 v8, $0.0e+00;
	v13 =	vmpcnt.ones.xlane vm6;
	v2 =	vadd.s32 v2, v11;
	v11 =	vld [tilespmem:s0+$0x20]  }
0x3a: {  	vm3 =	vgt.f32 v9, $0.0e+00;
	vm4 =	vgt.f32 v10, $0.0e+00;
	v15 =	vmpcnt.ones.xlane vm5  }
0x3b: {  	v4 =	vsub.f32 v14, v4;
	v16 =	vmpcnt.ones.xlane vm0;
	v2 =	vadd.s32 v13, v2;
	v13 =	vld [tilespmem:s0+$0x30]  }
0x3c: {  	v17 =	vmpcnt.ones.xlane vm1;
	v18 =	vmpcnt.ones.xlane vm2;
	v2 =	vadd.s32 v15, v2;
	v15 =	vld [tilespmem:s0+$0x40]  }
0x3d: {  	v4 =	vmul.f32 v4, v4;
	v9 =	vsub.f32 v12, v9;
	v2 =	vadd.s32 v16, v2;
	v16 =	vld [tilespmem:s0+$0x50]  }
0x3e: {  	v19 =	vmpcnt.ones.xlane vm3;
	v3 =	vmul.f32 v3, v3;
	v5 =	vsub.f32 v11, v5;
	v11 =	vld [tilespmem:s0+$0x70]  }
0x3f: {  	v14 =	vnsel vm6, $0x0, v4;
	v2 =	vadd.s32 v17, v2;
	v9 =	vmul.f32 v9, v9  }
0x40: {  	s31 =	simm.s32 $0x400;
	s5 =	simm.s32 $0x80;
	v17 =	vmpcnt.ones.xlane vm4;
	v2 =	vadd.s32 v18, v2;
	v6 =	vsub.f32 v13, v6  }
0x41: {  	s9 =	sand.u32 $0xC00, s31;
	s10 =	simm.s32 $0x20;
	s0 =	sand.u32 $0x3000, s5;
	v13 =	vnsel vm7, $0x0, v3;
	v3 =	vadd.f32 v4, v3;
	v4 =	vnsel vm3, $0x0, v9  }
0x42: {  	s10 =	sand.u32 $0x380, s10;
	s0 =	sor.u32 s9, s0;
	v2 =	vadd.s32 v19, v2;
	v7 =	vsub.f32 v15, v7;
	v8 =	vsub.f32 v16, v8  }
0x43: {  	v5 =	vmul.f32 v5, v5;
	s0 =	sor.u32 s10, s0;
	v6 =	vmul.f32 v6, v6;
	v10 =	vsub.f32 v11, v10  }
0x44: {  	v13 =	vadd.f32 v14, v13;
	v14 =	vld [tilespmem:s0+$0x8000];
	v7 =	vmul.f32 v7, v7;
	v8 =	vmul.f32 v8, v8  }
0x45: {  	v62 =	vld [tilespmem:s0+$0x8030];
	v12 =	vnsel vm5, $0x0, v5;
	v11 =	vnsel vm0, $0x0, v6;
	v10 =	vmul.f32 v10, v10  }
0x46: {  	v15 =	vnsel vm1, $0x0, v7;
	v11 =	vadd.f32 v11, v12;
	v12 =	vld [tilespmem:s0+$0x8010];
	v16 =	vnsel vm2, $0x0, v8  }
0x47: {  	v5 =	vadd.f32 v6, v5;
	v15 =	vadd.f32 v16, v15;
	v16 =	vld [tilespmem:s0+$0x8020];
	v6 =	vnsel vm4, $0x0, v10  }
0x48: {  	v2 =	vadd.s32 v17, v2;
	v17 =	vld [tilespmem:s0+$0x8040];
	v7 =	vadd.f32 v8, v7;
	v4 =	vadd.f32 v6, v4  }
0x49: {  	v3 =	vadd.f32 v5, v3;
	v5 =	vld [tilespmem:s0+$0x8060];
	vm7 =	vgt.f32 v14, $0.0e+00;
	v8 =	vadd.f32 v10, v9  }
0x4a: {  	vm2 =	vgt.f32 v62, $0.0e+00;
	v9 =	vadd.f32 v11, v13;
	v6 =	vld [tilespmem:s0+$0x8050];
	v10 =	vadd.f32 v4, v15  }
0x4b: {  	v7 =	vadd.f32 v8, v7;
	vm6 =	vgt.f32 v12, $0.0e+00;
	v8 =	vmpcnt.ones.xlane vm7;
	v4 =	vld [tilespmem:s0+$0x8070]  }
0x4c: {  	v11 =	vmpcnt.ones.xlane vm6;
	vm0 =	vgt.f32 v16, $0.0e+00;
	v9 =	vadd.f32 v10, v9;
	v10 =	vld [tilespmem:s0+$0x0]  }
0x4d: {  	vm3 =	vgt.f32 v17, $0.0e+00;
	v2 =	vadd.s32 v2, v8;
	v8 =	vld [tilespmem:s0+$0x10];
	v13 =	vmpcnt.ones.xlane vm0  }
0x4e: {  	v63 =	vmpcnt.ones.xlane vm3;
	v15 =	vmpcnt.ones.xlane vm2;
	v2 =	vadd.s32 v11, v2  }
0x4f: {  	vm5 =	vgt.f32 v5, $0.0e+00;
	v11 =	vld [tilespmem:s0+$0x20];
	vm4 =	vgt.f32 v6, $0.0e+00;
	v2 =	vadd.s32 v13, v2  }
0x50: {  	v13 =	vld [tilespmem:s0+$0x30];
	v20 =	vmpcnt.ones.xlane vm4;
	v2 =	vadd.s32 v15, v2;
	vm1 =	vgt.f32 v4, $0.0e+00  }
0x51: {  	v21 =	vld [tilespmem:s0+$0x40];
	v15 =	vmpcnt.ones.xlane vm5;
	v2 =	vadd.s32 v63, v2;
	v10 =	vsub.f32 v10, v14  }
0x52: {  	v8 =	vsub.f32 v8, v12;
	v12 =	vld [tilespmem:s0+$0x50];
	v14 =	vmpcnt.ones.xlane vm1;
	v2 =	vadd.s32 v20, v2  }
0x53: {  	v15 =	vadd.s32 v15, v2;
	v2 =	vadd.f32 v7, v3;
	v7 =	vmul.f32 v10, v10;
	v10 =	vld [tilespmem:s0+$0x60]  }
0x54: {  	v1 =	vadd.f32 v9, v1;
	v16 =	vsub.f32 v11, v16;
	v11 =	vld [tilespmem:s0+$0x70]  }
0x55: {  	v8 =	vmul.f32 v8, v8;
	v3 =	vadd.s32 v14, v15;
	v15 =	vsub.f32 v13, v62  }
0x56: {  	s5 =	simm.s32 $0x2;
	s0 =	simm.s32 $0x3;
	v9 =	vmul.f32 v16, v16;
	v14 =	vsub.f32 v21, v17;
	v13 =	vnsel vm7, $0x0, v7  }
.LBB2_4:
0x57: {  	p2 =	sne.s32 s0, $0x7F;
	s9 =	sshll.u32 s5, $0x7;
	v15 =	vmul.f32 v15, v15;
	v6 =	vsub.f32 v12, v6;
	v12 =	vnsel vm6, $0x0, v8;
	s31 =	sadd.s32 $0x400, s31  }
0x58: {  	s5 =	sshll.u32 s5, $0x5;
	s10 =	sand.u32 $0xC00, s31;
	s9 =	sand.u32 $0x3000, s9;
	v14 =	vmul.f32 v14, v14;
	v5 =	vsub.f32 v10, v5;
	v10 =	vnsel vm0, $0x0, v9  }
0x59: {  	s9 =	sor.u32 s10, s9;
	s10 =	sand.u32 $0x380, s5;
	v6 =	vmul.f32 v6, v6;
	v4 =	vsub.f32 v11, v4;
	v11 =	vnsel vm2, $0x0, v15;
	s5 =	smov.u32 s0  }
0x5a: {  	v12 =	vadd.f32 v12, v13;
	s9 =	sor.u32 s10, s9;
	v5 =	vmul.f32 v5, v5;
	v16 =	vnsel vm3, $0x0, v14  }
0x5b: {  	v10 =	vadd.f32 v11, v10;
	v13 =	vld [tilespmem:s9+$0x8000];
	v4 =	vmul.f32 v4, v4;
	v17 =	vnsel vm4, $0x0, v6  }
0x5c: {  	v7 =	vadd.f32 v8, v7;
	v11 =	vld [tilespmem:s9+$0x8010];
	v8 =	vnsel vm5, $0x0, v5;
	v16 =	vadd.f32 v17, v16  }
0x5d: {  	v9 =	vadd.f32 v15, v9;
	v14 =	vadd.f32 v6, v14;
	v17 =	vld [tilespmem:s9+$0x8020];
	v6 =	vnsel vm1, $0x0, v4  }
0x5e: {  	v4 =	vadd.f32 v4, v5;
	v15 =	vld [tilespmem:s9+$0x8030];
	v5 =	vadd.f32 v6, v8  }
0x5f: {  	v7 =	vadd.f32 v9, v7;
	v8 =	vadd.f32 v10, v12;
	v18 =	vld [tilespmem:s9+$0x8040]  }
0x60: {  	v9 =	vadd.f32 v4, v14;
	vm7 =	vgt.f32 v13, $0.0e+00;
	v6 =	vld [tilespmem:s9+$0x8050];
	v10 =	vadd.f32 v5, v16  }
0x61: {  	v0 =	vadd.f32 v2, v0;
	vm6 =	vgt.f32 v11, $0.0e+00;
	v5 =	vld [tilespmem:s9+$0x8060];
	v12 =	vmpcnt.ones.xlane vm7  }
0x62: {  	vm0 =	vgt.f32 v17, $0.0e+00;
	v4 =	vld [tilespmem:s9+$0x8070];
	v2 =	vmpcnt.ones.xlane vm6;
	v14 =	vadd.f32 v10, v8  }
0x63: {  	v8 =	vld [tilespmem:s9+$0x0];
	vm2 =	vgt.f32 v15, $0.0e+00;
	v10 =	vmpcnt.ones.xlane vm0;
	v3 =	vadd.s32 v3, v12  }
0x64: {  	v16 =	vld [tilespmem:s9+$0x10];
	vm3 =	vgt.f32 v18, $0.0e+00;
	v12 =	vmpcnt.ones.xlane vm2;
	v2 =	vadd.s32 v2, v3  }
0x65: {  	v3 =	vld [tilespmem:s9+$0x20];
	vm4 =	vgt.f32 v6, $0.0e+00;
	v19 =	vmpcnt.ones.xlane vm3;
	v2 =	vadd.s32 v10, v2  }
0x66: {  	v20 =	vld [tilespmem:s9+$0x30];
	vm5 =	vgt.f32 v5, $0.0e+00;
	v10 =	vmpcnt.ones.xlane vm4;
	v2 =	vadd.s32 v12, v2  }
0x67: {  	v21 =	vld [tilespmem:s9+$0x40];
	vm1 =	vgt.f32 v4, $0.0e+00;
	v22 =	vmpcnt.ones.xlane vm5;
	v2 =	vadd.s32 v19, v2  }
.Ltmp3:
0x68: {  	v8 =	vsub.f32 v8, v13;
	v12 =	vld [tilespmem:s9+$0x50];
	v13 =	vmpcnt.ones.xlane vm1;
	v2 =	vadd.s32 v10, v2;
	(pc) =	sbr.rel @p2 .LBB2_4-.Ltmp3, $4  }
0x69: {  	v16 =	vsub.f32 v16, v11;
	v10 =	vld [tilespmem:s9+$0x60];
	v19 =	vadd.s32 v22, v2;
	v2 =	vadd.f32 v9, v7  }
0x6a: {  	v7 =	vmul.f32 v8, v8;
	v9 =	vsub.f32 v3, v17;
	v11 =	vld [tilespmem:s9+$0x70];
	v3 =	vadd.s32 v13, v19  }
0x6b: {  	v1 =	vadd.f32 v14, v1;
	v8 =	vmul.f32 v16, v16;
	v15 =	vsub.f32 v20, v15  }
0x6c: {  	s0 =	sadd.s32 $0x1, s0;
	v9 =	vmul.f32 v9, v9;
	v14 =	vsub.f32 v21, v18;
	v13 =	vnsel vm7, $0x0, v7  }
0x6d: {  	s0 =	sshll.u32 s5, $0x7;
	s9 =	sadd.s32 $0x400, s31  }
0x6e: {  	s31 =	sshll.u32 s5, $0x5;
	s9 =	sand.u32 $0xC00, s9;
	s0 =	sand.u32 $0x3000, s0  }
0x6f: {  	s5 =	sand.u32 $0x380, s31;
	s0 =	sor.u32 s9, s0  }
0x70: {  	s0 =	sor.u32 s5, s0  }
0x71: {  	v16 =	vld [tilespmem:s0+$0x8000]  }
0x72: {  	v15 =	vmul.f32 v15, v15;
	v17 =	vld [tilespmem:s0+$0x8010]  }
0x73: {  	v6 =	vsub.f32 v12, v6;
	v12 =	vnsel vm6, $0x0, v8;
	v7 =	vadd.f32 v8, v7;
	v18 =	vld [tilespmem:s0+$0x8020]  }
0x74: {  	v0 =	vadd.f32 v2, v0;
	v14 =	vmul.f32 v14, v14;
	v5 =	vsub.f32 v10, v5;
	v19 =	vld [tilespmem:s0+$0x8030]  }
0x75: {  	v10 =	vnsel vm0, $0x0, v9;
	v12 =	vadd.f32 v12, v13;
	v4 =	vsub.f32 v11, v4;
	v20 =	vld [tilespmem:s0+$0x8040]  }
0x76: {  	v6 =	vmul.f32 v6, v6;
	v11 =	vnsel vm2, $0x0, v15;
	v9 =	vadd.f32 v15, v9;
	v21 =	vld [tilespmem:s0+$0x8050]  }
0x77: {  	v5 =	vmul.f32 v5, v5;
	v23 =	vnsel vm3, $0x0, v14;
	v22 =	vld [tilespmem:s0+$0x8060];
	v4 =	vmul.f32 v4, v4  }
0x78: {  	v10 =	vadd.f32 v11, v10;
	v13 =	vld [tilespmem:s0+$0x8070];
	v24 =	vnsel vm4, $0x0, v6;
	v6 =	vadd.f32 v6, v14  }
0x79: {  	v11 =	vld [tilespmem:s0+$0x0];
	v7 =	vadd.f32 v9, v7;
	v14 =	vnsel vm1, $0x0, v4;
	v4 =	vadd.f32 v4, v5  }
0x7a: {  	v50 =	vld [tilespmem:s0+$0x10];
	v8 =	vnsel vm5, $0x0, v5;
	v23 =	vadd.f32 v24, v23;
	v10 =	vadd.f32 v10, v12  }
0x7b: {  	v15 =	vld [tilespmem:s0+$0x20];
	v5 =	vadd.f32 v14, v8;
	v4 =	vadd.f32 v4, v6  }
0x7c: {  	p2 =	seq.s32 s29, $0x3;
	v25 =	vld [tilespmem:s0+$0x50];
	vm2 =	vgt.f32 v16, $0.0e+00;
	vm3 =	vgt.f32 v17, $0.0e+00;
	vm4 =	vgt.f32 v18, $0.0e+00  }
0x7d: {  	s5 =	sadd.s32 @!p2 $0x8000, s30;
	v8 =	vld [tilespmem:s0+$0x30];
	v5 =	vadd.f32 v5, v23;
	vm7 =	vgt.f32 v19, $0.0e+00;
	v9 =	vmpcnt.ones.xlane vm2  }
0x7e: {  	s9 =	sor.u32 @!p2 s6, s5;
	v14 =	vld [tilespmem:s0+$0x40];
	vm6 =	vgt.f32 v20, $0.0e+00;
	v6 =	vsub.f32 v11, v16;
	v12 =	vmpcnt.ones.xlane vm3  }
0x7f: {  	s9 =	sshrl.u32 @!p2 s9, $0x3;
	vm5 =	vgt.f32 v21, $0.0e+00;
	v11 =	vsub.f32 v50, v17;
	v3 =	vadd.s32 v3, v9;
	v9 =	vld [tilespmem:s0+$0x60]  }
0x80: {  	vm1 =	vgt.f32 v22, $0.0e+00;
	v15 =	vsub.f32 v15, v18;
	v2 =	vadd.s32 v12, v3;
	v3 =	vld [tilespmem:s0+$0x70];
	s0 =	sadd.s32 @!p2 s1, s9;
	s9 =	simm.s32 @!p2 $0x0  }
0x81: {  	vm0 =	vgt.f32 v13, $0.0e+00;
	v17 =	vsub.f32 v25, v21;
	v51 =	vmpcnt.ones.xlane vm4;
	[tilespmem:s9], [sflag:$0x1] =	stream.linear.gather @!p2 [hbm4b:s0+s9], $0x4000, $0x38;
	[tilespmem:$0x10400] =	vst v63  }
0x82: {  	v16 =	vmpcnt.ones.xlane vm5;
	v5 =	vadd.f32 v5, v10;
	v10 =	vmpcnt.ones.xlane vm7;
	s0 =	sadd.s32 @!p2 s8, s5  }
0x83: {  	v4 =	vadd.f32 v4, v7;
	v6 =	vmul.f32 v6, v6;
	v7 =	vmul.f32 v11, v11;
	s0 =	sshrl.u32 @!p2 s0, $0x3  }
0x84: {  	v11 =	vmul.f32 v15, v15;
	v8 =	vsub.f32 v8, v19;
	v14 =	vsub.f32 v14, v20;
	s5 =	simm.s32 @!p2 $0x8000;
	s0 =	sadd.s32 @!p2 s2, s0  }
0x85: {  	v0 =	vadd.f32 v4, v0;
	v12 =	vmpcnt.ones.xlane vm6;
	v15 =	vnsel vm2, $0x0, v6;
	[tilespmem:s5], [sflag:$0x3] =	stream.linear.gather @!p2 [hbm4b:s0+s9], $0x4000, $0x38;
	[tilespmem:$0x10400] =	vst v63  }
0x86: {  	v52 =	vnsel vm3, $0x0, v7;
	v53 =	vnsel vm4, $0x0, v11;
	v6 =	vadd.f32 v7, v6;
	_ =	swait.ge [sflag:s22], $0x4000  }
0x87: {  	s10 =	simm.s32 $0x0;
	v8 =	vmul.f32 v8, v8;
	v14 =	vmul.f32 v14, v14;
	v15 =	vadd.f32 v52, v15;
	[sflag:s22] =	ssyncset.done $0x0  }
0x88: {  	v2 =	vadd.s32 v51, v2;
	v9 =	vsub.f32 v9, v22;
	s5 =	simm.s32 $0x0;
	s9 =	simm.s32 $0x0;
	v3 =	vsub.f32 v3, v13;
	[sflag:s22] =	ssyncadd.s32 $0xFFFFC000  }
0x89: {  	v54 =	vnsel vm6, $0x0, v14;
	v13 =	vmul.f32 v17, v17;
	v17 =	vnsel vm7, $0x0, v8;
	s0 =	sand.u32 $0xC00, s5;
	s5 =	sand.u32 $0x3000, s9;
	_ =	swait.ge [sflag:s23], $0x4000  }
0x8a: {  	s31 =	sand.u32 $0x380, s10;
	v8 =	vadd.f32 v8, v11;
	v9 =	vmul.f32 v9, v9;
	s0 =	sor.u32 s0, s5;
	v3 =	vmul.f32 v3, v3;
	[sflag:s23] =	ssyncset.done $0x0  }
0x8b: {  	v17 =	vadd.f32 v17, v53;
	v55 =	vnsel vm5, $0x0, v13;
	s0 =	sor.u32 s31, s0;
	v13 =	vadd.f32 v13, v14;
	[sflag:s23] =	ssyncadd.s32 $0xFFFFC000  }
0x8c: {  	v7 =	vnsel vm1, $0x0, v9;
	v18 =	vadd.f32 v55, v54;
	v56 =	vnsel vm0, $0x0, v3;
	v57 =	vld [tilespmem:s0+$0xC000]  }
0x8d: {  	v2 =	vadd.s32 v10, v2;
	v3 =	vadd.f32 v3, v9;
	v7 =	vadd.f32 v56, v7;
	v10 =	vld [tilespmem:s0+$0xC010]  }
0x8e: {  	v2 =	vadd.s32 v12, v2;
	v6 =	vadd.f32 v8, v6;
	v12 =	vadd.f32 v17, v15;
	v9 =	vld [tilespmem:s0+$0xC020]  }
0x8f: {  	v14 =	vld [tilespmem:s0+$0xC030];
	v3 =	vadd.f32 v3, v13;
	v7 =	vadd.f32 v7, v18  }
0x90: {  	v1 =	vadd.f32 v5, v1;
	v2 =	vadd.s32 v16, v2;
	v11 =	vmpcnt.ones.xlane vm1;
	v8 =	vld [tilespmem:s0+$0xC040]  }
0x91: {  	v15 =	vmpcnt.ones.xlane vm0;
	v4 =	vld [tilespmem:s0+$0xC060];
	v3 =	vadd.f32 v3, v6;
	v5 =	vadd.f32 v7, v12  }
0x92: {  	v2 =	vadd.s32 v11, v2;
	v6 =	vld [tilespmem:s0+$0x4000]  }
0x93: {  	v2 =	vadd.s32 v15, v2;
	v7 =	vld [tilespmem:s0+$0xC050];
	v0 =	vadd.f32 v3, v0;
	v1 =	vadd.f32 v5, v1  }
0x94: {  	v12 =	vld [tilespmem:s0+$0x4010];
	vm7 =	vgt.f32 v57, $0.0e+00;
	vm6 =	vgt.f32 v10, $0.0e+00;
	vm5 =	vgt.f32 v9, $0.0e+00  }
0x95: {  	vm0 =	vgt.f32 v14, $0.0e+00;
	vm1 =	vgt.f32 v8, $0.0e+00;
	v3 =	vmpcnt.ones.xlane vm7  }
0x96: {  	v5 =	vld [tilespmem:s0+$0xC070];
	vm3 =	vgt.f32 v4, $0.0e+00;
	v11 =	vmpcnt.ones.xlane vm6;
	v13 =	vmpcnt.ones.xlane vm5  }
0x97: {  	v15 =	vmpcnt.ones.xlane vm0;
	v16 =	vmpcnt.ones.xlane vm1;
	v2 =	vadd.s32 v2, v3;
	v3 =	vld [tilespmem:s0+$0x4020]  }
0x98: {  	v58 =	vmpcnt.ones.xlane vm3;
	v6 =	vsub.f32 v6, v57;
	v2 =	vadd.s32 v11, v2;
	v11 =	vld [tilespmem:s0+$0x4030]  }
0x99: {  	vm2 =	vgt.f32 v7, $0.0e+00;
	v10 =	vsub.f32 v12, v10;
	v2 =	vadd.s32 v13, v2;
	v13 =	vld [tilespmem:s0+$0x4040]  }
0x9a: {  	v17 =	vmpcnt.ones.xlane vm2;
	v6 =	vmul.f32 v6, v6;
	v2 =	vadd.s32 v15, v2;
	v15 =	vld [tilespmem:s0+$0x4050]  }
0x9b: {  	vm4 =	vgt.f32 v5, $0.0e+00;
	v10 =	vmul.f32 v10, v10;
	v2 =	vadd.s32 v16, v2;
	v16 =	vld [tilespmem:s0+$0x4060]  }
0x9c: {  	v59 =	vmpcnt.ones.xlane vm4;
	v12 =	vnsel vm7, $0x0, v6;
	v3 =	vsub.f32 v3, v9;
	v9 =	vld [tilespmem:s0+$0x4070]  }
0x9d: {  	s30 =	simm.s32 $0x400;
	s5 =	simm.s32 $0x80;
	v6 =	vadd.f32 v10, v6;
	v2 =	vadd.s32 v17, v2;
	v11 =	vsub.f32 v11, v14  }
0x9e: {  	s10 =	simm.s32 $0x20;
	s9 =	sand.u32 $0xC00, s30;
	s0 =	sand.u32 $0x3000, s5;
	v3 =	vmul.f32 v3, v3;
	v8 =	vsub.f32 v13, v8;
	v13 =	vnsel vm6, $0x0, v10  }
0x9f: {  	s31 =	sand.u32 $0x380, s10;
	s0 =	sor.u32 s9, s0;
	v11 =	vmul.f32 v11, v11;
	v7 =	vsub.f32 v15, v7;
	v12 =	vadd.f32 v13, v12  }
0xa0: {  	s0 =	sor.u32 s31, s0;
	v8 =	vmul.f32 v8, v8;
	v4 =	vsub.f32 v16, v4;
	v14 =	vnsel vm5, $0x0, v3  }
0xa1: {  	v13 =	vld [tilespmem:s0+$0xC000];
	v7 =	vmul.f32 v7, v7;
	v5 =	vsub.f32 v9, v5;
	v9 =	vnsel vm0, $0x0, v11  }
0xa2: {  	v17 =	vld [tilespmem:s0+$0xC030];
	v3 =	vadd.f32 v11, v3;
	v4 =	vmul.f32 v4, v4;
	v15 =	vnsel vm1, $0x0, v8  }
0xa3: {  	v9 =	vadd.f32 v9, v14;
	v14 =	vld [tilespmem:s0+$0xC010];
	v5 =	vmul.f32 v5, v5;
	v16 =	vnsel vm2, $0x0, v7  }
0xa4: {  	v2 =	vadd.s32 v58, v2;
	v7 =	vadd.f32 v7, v8;
	v15 =	vadd.f32 v16, v15;
	v16 =	vld [tilespmem:s0+$0xC020]  }
0xa5: {  	v3 =	vadd.f32 v3, v6;
	v10 =	vnsel vm3, $0x0, v4;
	v11 =	vnsel vm4, $0x0, v5  }
0xa6: {  	v2 =	vadd.s32 v59, v2;
	v60 =	vld [tilespmem:s0+$0xC040];
	v9 =	vadd.f32 v9, v12;
	v8 =	vadd.f32 v11, v10  }
0xa7: {  	v6 =	vld [tilespmem:s0+$0xC050];
	vm7 =	vgt.f32 v13, $0.0e+00;
	vm2 =	vgt.f32 v17, $0.0e+00;
	v4 =	vadd.f32 v5, v4  }
0xa8: {  	v5 =	vld [tilespmem:s0+$0xC060];
	v10 =	vmpcnt.ones.xlane vm7;
	vm6 =	vgt.f32 v14, $0.0e+00;
	v8 =	vadd.f32 v8, v15  }
0xa9: {  	v7 =	vadd.f32 v4, v7;
	v4 =	vld [tilespmem:s0+$0xC070];
	v11 =	vmpcnt.ones.xlane vm6;
	vm0 =	vgt.f32 v16, $0.0e+00  }
0xaa: {  	v2 =	vadd.s32 v2, v10;
	v9 =	vadd.f32 v8, v9;
	v8 =	vld [tilespmem:s0+$0x4000];
	v12 =	vmpcnt.ones.xlane vm0  }
0xab: {  	vm3 =	vgt.f32 v60, $0.0e+00;
	v10 =	vld [tilespmem:s0+$0x4010];
	v15 =	vmpcnt.ones.xlane vm2;
	v2 =	vadd.s32 v11, v2  }
0xac: {  	v61 =	vmpcnt.ones.xlane vm3;
	vm4 =	vgt.f32 v6, $0.0e+00;
	v11 =	vld [tilespmem:s0+$0x4020];
	v2 =	vadd.s32 v12, v2  }
0xad: {  	v62 =	vld [tilespmem:s0+$0x4030];
	v3 =	vadd.f32 v7, v3;
	v12 =	vmpcnt.ones.xlane vm4;
	v2 =	vadd.s32 v15, v2  }
0xae: {  	v63 =	vld [tilespmem:s0+$0x4040];
	vm5 =	vgt.f32 v5, $0.0e+00;
	vm1 =	vgt.f32 v4, $0.0e+00;
	v2 =	vadd.s32 v61, v2  }
0xaf: {  	v15 =	vmpcnt.ones.xlane vm5;
	v8 =	vsub.f32 v8, v13;
	v2 =	vadd.s32 v12, v2;
	v12 =	vld [tilespmem:s0+$0x4050]  }
0xb0: {  	v1 =	vadd.f32 v9, v1;
	v14 =	vsub.f32 v10, v14;
	v10 =	vld [tilespmem:s0+$0x4060];
	v13 =	vmpcnt.ones.xlane vm1  }
0xb1: {  	v16 =	vsub.f32 v11, v16;
	v11 =	vld [tilespmem:s0+$0x4070];
	v2 =	vadd.s32 v15, v2;
	v7 =	vmul.f32 v8, v8  }
0xb2: {  	v15 =	vsub.f32 v62, v17;
	v2 =	vadd.s32 v13, v2;
	v8 =	vmul.f32 v14, v14  }
0xb3: {  	s5 =	simm.s32 $0x2;
	s0 =	simm.s32 $0x3;
	v9 =	vmul.f32 v16, v16;
	v14 =	vsub.f32 v63, v60;
	v13 =	vnsel vm7, $0x0, v7  }
.LBB2_6:
0xb4: {  	p2 =	sne.s32 s0, $0x7F;
	s9 =	sshll.u32 s5, $0x7;
	v15 =	vmul.f32 v15, v15;
	v6 =	vsub.f32 v12, v6;
	v12 =	vnsel vm6, $0x0, v8;
	s30 =	sadd.s32 $0x400, s30  }
0xb5: {  	s5 =	sshll.u32 s5, $0x5;
	s10 =	sand.u32 $0xC00, s30;
	s9 =	sand.u32 $0x3000, s9;
	v14 =	vmul.f32 v14, v14;
	v5 =	vsub.f32 v10, v5;
	v10 =	vnsel vm0, $0x0, v9  }
0xb6: {  	s9 =	sor.u32 s10, s9;
	s10 =	sand.u32 $0x380, s5;
	v6 =	vmul.f32 v6, v6;
	v4 =	vsub.f32 v11, v4;
	v11 =	vnsel vm2, $0x0, v15;
	s5 =	smov.u32 s0  }
0xb7: {  	v12 =	vadd.f32 v12, v13;
	s9 =	sor.u32 s10, s9;
	v5 =	vmul.f32 v5, v5;
	v16 =	vnsel vm3, $0x0, v14  }
0xb8: {  	v10 =	vadd.f32 v11, v10;
	v13 =	vld [tilespmem:s9+$0xC000];
	v4 =	vmul.f32 v4, v4;
	v17 =	vnsel vm4, $0x0, v6  }
0xb9: {  	v7 =	vadd.f32 v8, v7;
	v11 =	vld [tilespmem:s9+$0xC010];
	v8 =	vnsel vm5, $0x0, v5;
	v16 =	vadd.f32 v17, v16  }
0xba: {  	v9 =	vadd.f32 v15, v9;
	v14 =	vadd.f32 v6, v14;
	v17 =	vld [tilespmem:s9+$0xC020];
	v6 =	vnsel vm1, $0x0, v4  }
0xbb: {  	v4 =	vadd.f32 v4, v5;
	v15 =	vld [tilespmem:s9+$0xC030];
	v5 =	vadd.f32 v6, v8  }
0xbc: {  	v7 =	vadd.f32 v9, v7;
	v8 =	vadd.f32 v10, v12;
	v18 =	vld [tilespmem:s9+$0xC040]  }
0xbd: {  	v9 =	vadd.f32 v4, v14;
	vm7 =	vgt.f32 v13, $0.0e+00;
	v6 =	vld [tilespmem:s9+$0xC050];
	v10 =	vadd.f32 v5, v16  }
0xbe: {  	v0 =	vadd.f32 v3, v0;
	vm6 =	vgt.f32 v11, $0.0e+00;
	v5 =	vld [tilespmem:s9+$0xC060];
	v12 =	vmpcnt.ones.xlane vm7  }
0xbf: {  	vm0 =	vgt.f32 v17, $0.0e+00;
	v4 =	vld [tilespmem:s9+$0xC070];
	v3 =	vmpcnt.ones.xlane vm6;
	v14 =	vadd.f32 v10, v8  }
0xc0: {  	v8 =	vld [tilespmem:s9+$0x4000];
	vm2 =	vgt.f32 v15, $0.0e+00;
	v10 =	vmpcnt.ones.xlane vm0;
	v2 =	vadd.s32 v2, v12  }
0xc1: {  	v16 =	vld [tilespmem:s9+$0x4010];
	vm3 =	vgt.f32 v18, $0.0e+00;
	v12 =	vmpcnt.ones.xlane vm2;
	v2 =	vadd.s32 v3, v2  }
0xc2: {  	v19 =	vld [tilespmem:s9+$0x4020];
	vm4 =	vgt.f32 v6, $0.0e+00;
	v3 =	vmpcnt.ones.xlane vm3;
	v2 =	vadd.s32 v10, v2  }
0xc3: {  	v20 =	vld [tilespmem:s9+$0x4030];
	vm5 =	vgt.f32 v5, $0.0e+00;
	v10 =	vmpcnt.ones.xlane vm4;
	v2 =	vadd.s32 v12, v2  }
0xc4: {  	v21 =	vld [tilespmem:s9+$0x4040];
	vm1 =	vgt.f32 v4, $0.0e+00;
	v22 =	vmpcnt.ones.xlane vm5;
	v2 =	vadd.s32 v3, v2  }
.Ltmp4:
0xc5: {  	v8 =	vsub.f32 v8, v13;
	v12 =	vld [tilespmem:s9+$0x4050];
	v13 =	vmpcnt.ones.xlane vm1;
	v2 =	vadd.s32 v10, v2;
	(pc) =	sbr.rel @p2 .LBB2_6-.Ltmp4, $4  }
0xc6: {  	v3 =	vadd.f32 v9, v7;
	v16 =	vsub.f32 v16, v11;
	v10 =	vld [tilespmem:s9+$0x4060];
	v2 =	vadd.s32 v22, v2  }
0xc7: {  	v7 =	vmul.f32 v8, v8;
	v9 =	vsub.f32 v19, v17;
	v11 =	vld [tilespmem:s9+$0x4070];
	v2 =	vadd.s32 v13, v2  }
0xc8: {  	v1 =	vadd.f32 v14, v1;
	v8 =	vmul.f32 v16, v16;
	v15 =	vsub.f32 v20, v15  }
0xc9: {  	s0 =	sadd.s32 $0x1, s0;
	v9 =	vmul.f32 v9, v9;
	v14 =	vsub.f32 v21, v18;
	v13 =	vnsel vm7, $0x0, v7  }
0xca: {  	s0 =	sshll.u32 s5, $0x7;
	s9 =	sadd.s32 $0x400, s30  }
0xcb: {  	s31 =	sshll.u32 s5, $0x5;
	s9 =	sand.u32 $0xC00, s9;
	s0 =	sand.u32 $0x3000, s0  }
0xcc: {  	s5 =	sand.u32 $0x380, s31;
	s0 =	sor.u32 s9, s0  }
0xcd: {  	s0 =	sor.u32 s5, s0  }
0xce: {  	v16 =	vld [tilespmem:s0+$0xC000]  }
0xcf: {  	v17 =	vld [tilespmem:s0+$0xC010]  }
0xd0: {  	v15 =	vmul.f32 v15, v15;
	v6 =	vsub.f32 v12, v6;
	v26 =	vld [tilespmem:s0+$0xC020]  }
0xd1: {  	v23 =	vnsel vm6, $0x0, v8;
	v7 =	vadd.f32 v8, v7;
	v0 =	vadd.f32 v3, v0;
	v27 =	vld [tilespmem:s0+$0xC030]  }
0xd2: {  	v14 =	vmul.f32 v14, v14;
	v5 =	vsub.f32 v10, v5;
	v24 =	vnsel vm0, $0x0, v9;
	v29 =	vld [tilespmem:s0+$0xC040]  }
0xd3: {  	v12 =	vadd.f32 v23, v13;
	v6 =	vmul.f32 v6, v6;
	v4 =	vsub.f32 v11, v4;
	v32 =	vld [tilespmem:s0+$0xC050]  }
0xd4: {  	v25 =	vnsel vm2, $0x0, v15;
	v30 =	vadd.f32 v15, v9;
	v5 =	vmul.f32 v5, v5;
	v34 =	vld [tilespmem:s0+$0xC060]  }
0xd5: {  	v18 =	vnsel vm3, $0x0, v14;
	v10 =	vadd.f32 v25, v24;
	v4 =	vmul.f32 v4, v4;
	v36 =	vld [tilespmem:s0+$0xC070]  }
0xd6: {  	v19 =	vnsel vm4, $0x0, v6;
	v6 =	vadd.f32 v6, v14;
	v7 =	vadd.f32 v30, v7;
	v37 =	vld [tilespmem:s0+$0x4000]  }
0xd7: {  	v3 =	vld [tilespmem:s0+$0x4010];
	v28 =	vnsel vm5, $0x0, v5;
	v31 =	vnsel vm1, $0x0, v4;
	v4 =	vadd.f32 v4, v5  }
0xd8: {  	v40 =	vld [tilespmem:s0+$0x4020];
	v18 =	vadd.f32 v19, v18;
	v33 =	vadd.f32 v31, v28  }
0xd9: {  	v42 =	vld [tilespmem:s0+$0x4030];
	v35 =	vadd.f32 v10, v12;
	v4 =	vadd.f32 v4, v6  }
0xda: {  	v43 =	vld [tilespmem:s0+$0x4040];
	vm9 =	vgt.f32 v16, $0.0e+00;
	v5 =	vadd.f32 v33, v18;
	vm10 =	vgt.f32 v17, $0.0e+00  }
0xdb: {  	v44 =	vld [tilespmem:s0+$0x4050];
	vm11 =	vgt.f32 v26, $0.0e+00;
	vm12 =	vgt.f32 v27, $0.0e+00;
	vm13 =	vgt.f32 v29, $0.0e+00  }
0xdc: {  	v46 =	vld [tilespmem:s0+$0x4060];
	vm7 =	vgt.f32 v32, $0.0e+00;
	v6 =	vsub.f32 v37, v16;
	vm14 =	vgt.f32 v34, $0.0e+00  }
0xdd: {  	v47 =	vld [tilespmem:s0+$0x4070];
	v3 =	vsub.f32 v3, v17;
	vm15 =	vgt.f32 v36, $0.0e+00;
	v9 =	vsub.f32 v40, v26  }
0xde: {  	v48 =	vsub.f32 v42, v27;
	v38 =	vmpcnt.ones.xlane vm9;
	v39 =	vmpcnt.ones.xlane vm10  }
0xdf: {  	v49 =	vsub.f32 v43, v29;
	v41 =	vmpcnt.ones.xlane vm11;
	v20 =	vmpcnt.ones.xlane vm12  }
0xe0: {  	v51 =	vsub.f32 v44, v32;
	v21 =	vmpcnt.ones.xlane vm13;
	v45 =	vmpcnt.ones.xlane vm7  }
0xe1: {  	v8 =	vsub.f32 v46, v34;
	v60 =	vmpcnt.ones.xlane vm14;
	v62 =	vmpcnt.ones.xlane vm15  }
0xe2: {  	v10 =	vsub.f32 v47, v36;
	v6 =	vmul.f32 v6, v6;
	v3 =	vmul.f32 v3, v3  }
0xe3: {  	v4 =	vadd.f32 v4, v7;
	v9 =	vmul.f32 v9, v9;
	v7 =	vmul.f32 v48, v48  }
0xe4: {  	v11 =	vmul.f32 v49, v49;
	v14 =	vmul.f32 v51, v51  }
0xe5: {  	v5 =	vadd.f32 v5, v35;
	v8 =	vmul.f32 v8, v8;
	v10 =	vmul.f32 v10, v10  }
0xe6: {  	v2 =	vadd.s32 v2, v38;
	v50 =	vnsel vm9, $0x0, v6;
	v52 =	vnsel vm10, $0x0, v3  }
0xe7: {  	v53 =	vnsel vm11, $0x0, v9;
	v54 =	vnsel vm12, $0x0, v7;
	v55 =	vnsel vm13, $0x0, v11  }
0xe8: {  	v56 =	vnsel vm7, $0x0, v14;
	v3 =	vadd.f32 v3, v6;
	v7 =	vadd.f32 v7, v9  }
0xe9: {  	v57 =	vnsel vm14, $0x0, v8;
	v58 =	vadd.f32 v14, v11;
	v8 =	vadd.f32 v10, v8  }
0xea: {  	v59 =	vnsel vm15, $0x0, v10;
	v12 =	vadd.f32 v52, v50;
	v13 =	vadd.f32 v54, v53  }
0xeb: {  	s29 =	sadd.s32 $0x1, s29;
	v2 =	vadd.s32 v39, v2;
	v15 =	vadd.f32 v56, v55;
	v6 =	vadd.f32 v59, v57  }
0xec: {  	p2 =	sne.s32 s29, $0x4;
	v2 =	vadd.s32 v41, v2;
	v3 =	vadd.f32 v7, v3;
	v8 =	vadd.f32 v8, v58  }
.Ltmp5:
0xed: {  	v2 =	vadd.s32 v20, v2;
	v61 =	vadd.f32 v13, v12;
	v6 =	vadd.f32 v6, v15;
	(pc) =	sbr.rel @p2 .LBB2_3-.Ltmp5, $4  }
0xee: {  	v0 =	vadd.f32 v4, v0;
	v1 =	vadd.f32 v5, v1;
	v2 =	vadd.s32 v21, v2  }
0xef: {  	v2 =	vadd.s32 v45, v2;
	v3 =	vadd.f32 v8, v3;
	v63 =	vadd.f32 v6, v61  }
0xf0: {  	v2 =	vadd.s32 v60, v2  }
0xf1: {  	v2 =	vadd.s32 v62, v2;
	v0 =	vadd.f32 v3, v0;
	v1 =	vadd.f32 v63, v1  }
0xf2: {  	_ = 	snop  }
0xf3: {  	v63 =	vcvt.s32.f32 v2;
	[tilespmem:$0x10000] =	vst v0  }
0xf4: {  	[tilespmem:$0x10080] =	vst v1  }
.Ltmp6:
0xf5: {  	[tilespmem:$0x10100] =	vst v63;
	(pc) =	sbr.rel @p1 .LBB2_16-.Ltmp6, $4  }
0xf6: {  	[hbm4b:s12+s4] =	stream.linear.scatter [tilespmem:s24], [sflag:$0x5], $0x400, $0x38;
	[tilespmem:$0x10400] =	vst v63  }
0xf7: {  	_ =	swait.ge [sflag:s25], $0x400  }
0xf8: {  	[sflag:s25] =	ssyncset.done $0x0  }
0xf9: {  	[sflag:s25] =	ssyncadd.s32 $0xFFFFFC00  }
.LBB2_9:
0xfa: {  	s28 =	simm.s32 $0x0  }
0xfb: {  	[tilespmem:s28], [sflag:$0x1] =	stream.linear.gather [hbm4b:s13+s28], $0x4000, $0x38;
	[tilespmem:$0x10400] =	vst v63  }
0xfc: {  	s29 =	simm.s32 $0x0  }
0xfd: {  	v1 =	vimm.f32 $0.0e+00;
	v2 =	vimm.s32 $0x0;
	v0 =	vimm.f32 $0.0e+00;
	[tilespmem:s17], [sflag:$0x3] =	stream.linear.gather [hbm4b:s14+s28], $0x4000, $0x38;
	[tilespmem:$0x10400] =	vst v63  }
.LBB2_10:
0xfe: {  	s0 =	sshll.u32 s29, $0xF  }
0xff: {  	s30 =	sadd.s32 s7, s0  }
0x100: {  	s0 =	sor.u32 $0x4000, s30  }
0x101: {  	s5 =	sor.u32 s11, s0  }
0x102: {  	s0 =	sor.u32 s8, s0;
	s5 =	sshrl.u32 s5, $0x3  }
0x103: {  	s0 =	sshrl.u32 s0, $0x3;
	s5 =	sadd.s32 s1, s5  }
0x104: {  	[tilespmem:s18], [sflag:$0x2] =	stream.linear.gather [hbm4b:s5+s28], $0x4000, $0x38;
	[tilespmem:$0x10400] =	vst v63  }
0x105: {  	s0 =	sadd.s32 s3, s0  }
0x106: {  	[tilespmem:s19], [sflag:$0x4] =	stream.linear.gather [hbm4b:s0+s28], $0x4000, $0x38;
	[tilespmem:$0x10400] =	vst v63  }
0x107: {  	_ =	swait.ge [sflag:s20], $0x4000  }
0x108: {  	[sflag:s20] =	ssyncset.done $0x0  }
0x109: {  	s9 =	simm.s32 $0x0;
	s10 =	sand.u32 $0xC00, s28;
	[sflag:s20] =	ssyncadd.s32 $0xFFFFC000  }
0x10a: {  	s0 =	sand.u32 $0x3000, s9;
	s9 =	simm.s32 $0x0;
	_ =	swait.ge [sflag:s21], $0x4000  }
0x10b: {  	s0 =	sor.u32 s10, s0;
	s10 =	sand.u32 $0x380, s9;
	[sflag:s21] =	ssyncset.done $0x0  }
0x10c: {  	s0 =	sor.u32 s10, s0;
	[sflag:s21] =	ssyncadd.s32 $0xFFFFC000  }
0x10d: {  	v3 =	vld [tilespmem:s0+$0x8000]  }
0x10e: {  	v4 =	vld [tilespmem:s0+$0x8010]  }
0x10f: {  	v5 =	vld [tilespmem:s0+$0x8020]  }
0x110: {  	v6 =	vld [tilespmem:s0+$0x8030]  }
0x111: {  	v7 =	vld [tilespmem:s0+$0x8040]  }
0x112: {  	v8 =	vld [tilespmem:s0+$0x8050]  }
0x113: {  	v12 =	vld [tilespmem:s0+$0x0]  }
0x114: {  	v9 =	vld [tilespmem:s0+$0x8060]  }
0x115: {  	v10 =	vld [tilespmem:s0+$0x8070]  }
0x116: {  	v14 =	vld [tilespmem:s0+$0x10];
	vm7 =	vgt.f32 v3, $0.0e+00  }
0x117: {  	vm6 =	vgt.f32 v4, $0.0e+00;
	vm5 =	vgt.f32 v5, $0.0e+00;
	v11 =	vmpcnt.ones.xlane vm7  }
0x118: {  	vm0 =	vgt.f32 v6, $0.0e+00;
	vm1 =	vgt.f32 v7, $0.0e+00;
	v3 =	vsub.f32 v12, v3;
	v12 =	vld [tilespmem:s0+$0x60]  }
0x119: {  	vm2 =	vgt.f32 v8, $0.0e+00;
	v13 =	vmpcnt.ones.xlane vm6;
	v2 =	vadd.s32 v2, v11;
	v11 =	vld [tilespmem:s0+$0x20]  }
0x11a: {  	vm3 =	vgt.f32 v9, $0.0e+00;
	vm4 =	vgt.f32 v10, $0.0e+00;
	v15 =	vmpcnt.ones.xlane vm5  }
0x11b: {  	v4 =	vsub.f32 v14, v4;
	v16 =	vmpcnt.ones.xlane vm0;
	v2 =	vadd.s32 v13, v2;
	v13 =	vld [tilespmem:s0+$0x30]  }
0x11c: {  	v17 =	vmpcnt.ones.xlane vm1;
	v18 =	vmpcnt.ones.xlane vm2;
	v2 =	vadd.s32 v15, v2;
	v15 =	vld [tilespmem:s0+$0x40]  }
0x11d: {  	v4 =	vmul.f32 v4, v4;
	v9 =	vsub.f32 v12, v9;
	v2 =	vadd.s32 v16, v2;
	v16 =	vld [tilespmem:s0+$0x50]  }
0x11e: {  	v19 =	vmpcnt.ones.xlane vm3;
	v3 =	vmul.f32 v3, v3;
	v5 =	vsub.f32 v11, v5;
	v11 =	vld [tilespmem:s0+$0x70]  }
0x11f: {  	v14 =	vnsel vm6, $0x0, v4;
	v2 =	vadd.s32 v17, v2;
	v9 =	vmul.f32 v9, v9  }
0x120: {  	s31 =	simm.s32 $0x400;
	s5 =	simm.s32 $0x80;
	v17 =	vmpcnt.ones.xlane vm4;
	v2 =	vadd.s32 v18, v2;
	v6 =	vsub.f32 v13, v6  }
0x121: {  	s9 =	sand.u32 $0xC00, s31;
	s10 =	simm.s32 $0x20;
	s0 =	sand.u32 $0x3000, s5;
	v13 =	vnsel vm7, $0x0, v3;
	v3 =	vadd.f32 v4, v3;
	v4 =	vnsel vm3, $0x0, v9  }
0x122: {  	s10 =	sand.u32 $0x380, s10;
	s0 =	sor.u32 s9, s0;
	v2 =	vadd.s32 v19, v2;
	v7 =	vsub.f32 v15, v7;
	v8 =	vsub.f32 v16, v8  }
0x123: {  	v5 =	vmul.f32 v5, v5;
	s0 =	sor.u32 s10, s0;
	v6 =	vmul.f32 v6, v6;
	v10 =	vsub.f32 v11, v10  }
0x124: {  	v13 =	vadd.f32 v14, v13;
	v14 =	vld [tilespmem:s0+$0x8000];
	v7 =	vmul.f32 v7, v7;
	v8 =	vmul.f32 v8, v8  }
0x125: {  	v62 =	vld [tilespmem:s0+$0x8030];
	v12 =	vnsel vm5, $0x0, v5;
	v11 =	vnsel vm0, $0x0, v6;
	v10 =	vmul.f32 v10, v10  }
0x126: {  	v15 =	vnsel vm1, $0x0, v7;
	v11 =	vadd.f32 v11, v12;
	v12 =	vld [tilespmem:s0+$0x8010];
	v16 =	vnsel vm2, $0x0, v8  }
0x127: {  	v5 =	vadd.f32 v6, v5;
	v15 =	vadd.f32 v16, v15;
	v16 =	vld [tilespmem:s0+$0x8020];
	v6 =	vnsel vm4, $0x0, v10  }
0x128: {  	v2 =	vadd.s32 v17, v2;
	v17 =	vld [tilespmem:s0+$0x8040];
	v7 =	vadd.f32 v8, v7;
	v4 =	vadd.f32 v6, v4  }
0x129: {  	v3 =	vadd.f32 v5, v3;
	v5 =	vld [tilespmem:s0+$0x8060];
	vm7 =	vgt.f32 v14, $0.0e+00;
	v8 =	vadd.f32 v10, v9  }
0x12a: {  	vm2 =	vgt.f32 v62, $0.0e+00;
	v9 =	vadd.f32 v11, v13;
	v6 =	vld [tilespmem:s0+$0x8050];
	v10 =	vadd.f32 v4, v15  }
0x12b: {  	v7 =	vadd.f32 v8, v7;
	vm6 =	vgt.f32 v12, $0.0e+00;
	v8 =	vmpcnt.ones.xlane vm7;
	v4 =	vld [tilespmem:s0+$0x8070]  }
0x12c: {  	v11 =	vmpcnt.ones.xlane vm6;
	vm0 =	vgt.f32 v16, $0.0e+00;
	v9 =	vadd.f32 v10, v9;
	v10 =	vld [tilespmem:s0+$0x0]  }
0x12d: {  	vm3 =	vgt.f32 v17, $0.0e+00;
	v2 =	vadd.s32 v2, v8;
	v8 =	vld [tilespmem:s0+$0x10];
	v13 =	vmpcnt.ones.xlane vm0  }
0x12e: {  	v63 =	vmpcnt.ones.xlane vm3;
	v15 =	vmpcnt.ones.xlane vm2;
	v2 =	vadd.s32 v11, v2  }
0x12f: {  	vm5 =	vgt.f32 v5, $0.0e+00;
	v11 =	vld [tilespmem:s0+$0x20];
	vm4 =	vgt.f32 v6, $0.0e+00;
	v2 =	vadd.s32 v13, v2  }
0x130: {  	v13 =	vld [tilespmem:s0+$0x30];
	v20 =	vmpcnt.ones.xlane vm4;
	v2 =	vadd.s32 v15, v2;
	vm1 =	vgt.f32 v4, $0.0e+00  }
0x131: {  	v21 =	vld [tilespmem:s0+$0x40];
	v15 =	vmpcnt.ones.xlane vm5;
	v2 =	vadd.s32 v63, v2;
	v10 =	vsub.f32 v10, v14  }
0x132: {  	v8 =	vsub.f32 v8, v12;
	v12 =	vld [tilespmem:s0+$0x50];
	v14 =	vmpcnt.ones.xlane vm1;
	v2 =	vadd.s32 v20, v2  }
0x133: {  	v15 =	vadd.s32 v15, v2;
	v2 =	vadd.f32 v7, v3;
	v7 =	vmul.f32 v10, v10;
	v10 =	vld [tilespmem:s0+$0x60]  }
0x134: {  	v1 =	vadd.f32 v9, v1;
	v16 =	vsub.f32 v11, v16;
	v11 =	vld [tilespmem:s0+$0x70]  }
0x135: {  	v8 =	vmul.f32 v8, v8;
	v3 =	vadd.s32 v14, v15;
	v15 =	vsub.f32 v13, v62  }
0x136: {  	s5 =	simm.s32 $0x2;
	s0 =	simm.s32 $0x3;
	v9 =	vmul.f32 v16, v16;
	v14 =	vsub.f32 v21, v17;
	v13 =	vnsel vm7, $0x0, v7  }
.LBB2_11:
0x137: {  	p2 =	sne.s32 s0, $0x7F;
	s9 =	sshll.u32 s5, $0x7;
	v15 =	vmul.f32 v15, v15;
	v6 =	vsub.f32 v12, v6;
	v12 =	vnsel vm6, $0x0, v8;
	s31 =	sadd.s32 $0x400, s31  }
0x138: {  	s5 =	sshll.u32 s5, $0x5;
	s10 =	sand.u32 $0xC00, s31;
	s9 =	sand.u32 $0x3000, s9;
	v14 =	vmul.f32 v14, v14;
	v5 =	vsub.f32 v10, v5;
	v10 =	vnsel vm0, $0x0, v9  }
0x139: {  	s9 =	sor.u32 s10, s9;
	s10 =	sand.u32 $0x380, s5;
	v6 =	vmul.f32 v6, v6;
	v4 =	vsub.f32 v11, v4;
	v11 =	vnsel vm2, $0x0, v15;
	s5 =	smov.u32 s0  }
0x13a: {  	v12 =	vadd.f32 v12, v13;
	s9 =	sor.u32 s10, s9;
	v5 =	vmul.f32 v5, v5;
	v16 =	vnsel vm3, $0x0, v14  }
0x13b: {  	v10 =	vadd.f32 v11, v10;
	v13 =	vld [tilespmem:s9+$0x8000];
	v4 =	vmul.f32 v4, v4;
	v17 =	vnsel vm4, $0x0, v6  }
0x13c: {  	v7 =	vadd.f32 v8, v7;
	v11 =	vld [tilespmem:s9+$0x8010];
	v8 =	vnsel vm5, $0x0, v5;
	v16 =	vadd.f32 v17, v16  }
0x13d: {  	v9 =	vadd.f32 v15, v9;
	v14 =	vadd.f32 v6, v14;
	v17 =	vld [tilespmem:s9+$0x8020];
	v6 =	vnsel vm1, $0x0, v4  }
0x13e: {  	v4 =	vadd.f32 v4, v5;
	v15 =	vld [tilespmem:s9+$0x8030];
	v5 =	vadd.f32 v6, v8  }
0x13f: {  	v7 =	vadd.f32 v9, v7;
	v8 =	vadd.f32 v10, v12;
	v18 =	vld [tilespmem:s9+$0x8040]  }
0x140: {  	v9 =	vadd.f32 v4, v14;
	vm7 =	vgt.f32 v13, $0.0e+00;
	v6 =	vld [tilespmem:s9+$0x8050];
	v10 =	vadd.f32 v5, v16  }
0x141: {  	v0 =	vadd.f32 v2, v0;
	vm6 =	vgt.f32 v11, $0.0e+00;
	v5 =	vld [tilespmem:s9+$0x8060];
	v12 =	vmpcnt.ones.xlane vm7  }
0x142: {  	vm0 =	vgt.f32 v17, $0.0e+00;
	v4 =	vld [tilespmem:s9+$0x8070];
	v2 =	vmpcnt.ones.xlane vm6;
	v14 =	vadd.f32 v10, v8  }
0x143: {  	v8 =	vld [tilespmem:s9+$0x0];
	vm2 =	vgt.f32 v15, $0.0e+00;
	v10 =	vmpcnt.ones.xlane vm0;
	v3 =	vadd.s32 v3, v12  }
0x144: {  	v16 =	vld [tilespmem:s9+$0x10];
	vm3 =	vgt.f32 v18, $0.0e+00;
	v12 =	vmpcnt.ones.xlane vm2;
	v2 =	vadd.s32 v2, v3  }
0x145: {  	v3 =	vld [tilespmem:s9+$0x20];
	vm4 =	vgt.f32 v6, $0.0e+00;
	v19 =	vmpcnt.ones.xlane vm3;
	v2 =	vadd.s32 v10, v2  }
0x146: {  	v20 =	vld [tilespmem:s9+$0x30];
	vm5 =	vgt.f32 v5, $0.0e+00;
	v10 =	vmpcnt.ones.xlane vm4;
	v2 =	vadd.s32 v12, v2  }
0x147: {  	v21 =	vld [tilespmem:s9+$0x40];
	vm1 =	vgt.f32 v4, $0.0e+00;
	v22 =	vmpcnt.ones.xlane vm5;
	v2 =	vadd.s32 v19, v2  }
.Ltmp7:
0x148: {  	v8 =	vsub.f32 v8, v13;
	v12 =	vld [tilespmem:s9+$0x50];
	v13 =	vmpcnt.ones.xlane vm1;
	v2 =	vadd.s32 v10, v2;
	(pc) =	sbr.rel @p2 .LBB2_11-.Ltmp7, $4  }
0x149: {  	v16 =	vsub.f32 v16, v11;
	v10 =	vld [tilespmem:s9+$0x60];
	v19 =	vadd.s32 v22, v2;
	v2 =	vadd.f32 v9, v7  }
0x14a: {  	v7 =	vmul.f32 v8, v8;
	v9 =	vsub.f32 v3, v17;
	v11 =	vld [tilespmem:s9+$0x70];
	v3 =	vadd.s32 v13, v19  }
0x14b: {  	v1 =	vadd.f32 v14, v1;
	v8 =	vmul.f32 v16, v16;
	v15 =	vsub.f32 v20, v15  }
0x14c: {  	s0 =	sadd.s32 $0x1, s0;
	v9 =	vmul.f32 v9, v9;
	v14 =	vsub.f32 v21, v18;
	v13 =	vnsel vm7, $0x0, v7  }
0x14d: {  	s0 =	sshll.u32 s5, $0x7;
	s9 =	sadd.s32 $0x400, s31  }
0x14e: {  	s31 =	sshll.u32 s5, $0x5;
	s9 =	sand.u32 $0xC00, s9;
	s0 =	sand.u32 $0x3000, s0  }
0x14f: {  	s5 =	sand.u32 $0x380, s31;
	s0 =	sor.u32 s9, s0  }
0x150: {  	s0 =	sor.u32 s5, s0  }
0x151: {  	v16 =	vld [tilespmem:s0+$0x8000]  }
0x152: {  	v15 =	vmul.f32 v15, v15;
	v17 =	vld [tilespmem:s0+$0x8010]  }
0x153: {  	v6 =	vsub.f32 v12, v6;
	v12 =	vnsel vm6, $0x0, v8;
	v7 =	vadd.f32 v8, v7;
	v18 =	vld [tilespmem:s0+$0x8020]  }
0x154: {  	v0 =	vadd.f32 v2, v0;
	v14 =	vmul.f32 v14, v14;
	v5 =	vsub.f32 v10, v5;
	v19 =	vld [tilespmem:s0+$0x8030]  }
0x155: {  	v10 =	vnsel vm0, $0x0, v9;
	v12 =	vadd.f32 v12, v13;
	v4 =	vsub.f32 v11, v4;
	v20 =	vld [tilespmem:s0+$0x8040]  }
0x156: {  	v6 =	vmul.f32 v6, v6;
	v11 =	vnsel vm2, $0x0, v15;
	v9 =	vadd.f32 v15, v9;
	v21 =	vld [tilespmem:s0+$0x8050]  }
0x157: {  	v5 =	vmul.f32 v5, v5;
	v23 =	vnsel vm3, $0x0, v14;
	v22 =	vld [tilespmem:s0+$0x8060];
	v4 =	vmul.f32 v4, v4  }
0x158: {  	v10 =	vadd.f32 v11, v10;
	v13 =	vld [tilespmem:s0+$0x8070];
	v24 =	vnsel vm4, $0x0, v6;
	v6 =	vadd.f32 v6, v14  }
0x159: {  	v11 =	vld [tilespmem:s0+$0x0];
	v7 =	vadd.f32 v9, v7;
	v14 =	vnsel vm1, $0x0, v4;
	v4 =	vadd.f32 v4, v5  }
0x15a: {  	v50 =	vld [tilespmem:s0+$0x10];
	v8 =	vnsel vm5, $0x0, v5;
	v23 =	vadd.f32 v24, v23;
	v10 =	vadd.f32 v10, v12  }
0x15b: {  	v15 =	vld [tilespmem:s0+$0x20];
	v5 =	vadd.f32 v14, v8;
	v4 =	vadd.f32 v4, v6  }
0x15c: {  	p2 =	seq.s32 s29, $0x3;
	v25 =	vld [tilespmem:s0+$0x50];
	vm2 =	vgt.f32 v16, $0.0e+00;
	vm3 =	vgt.f32 v17, $0.0e+00;
	vm4 =	vgt.f32 v18, $0.0e+00  }
0x15d: {  	s5 =	sadd.s32 @!p2 $0x8000, s30;
	v8 =	vld [tilespmem:s0+$0x30];
	v5 =	vadd.f32 v5, v23;
	vm7 =	vgt.f32 v19, $0.0e+00;
	v9 =	vmpcnt.ones.xlane vm2  }
0x15e: {  	s9 =	sadd.s32 @!p2 s11, s5;
	v14 =	vld [tilespmem:s0+$0x40];
	vm6 =	vgt.f32 v20, $0.0e+00;
	v6 =	vsub.f32 v11, v16;
	v12 =	vmpcnt.ones.xlane vm3  }
0x15f: {  	s9 =	sshrl.u32 @!p2 s9, $0x3;
	vm5 =	vgt.f32 v21, $0.0e+00;
	v11 =	vsub.f32 v50, v17;
	v3 =	vadd.s32 v3, v9;
	v9 =	vld [tilespmem:s0+$0x60]  }
0x160: {  	vm1 =	vgt.f32 v22, $0.0e+00;
	v15 =	vsub.f32 v15, v18;
	v2 =	vadd.s32 v12, v3;
	v3 =	vld [tilespmem:s0+$0x70];
	s0 =	sadd.s32 @!p2 s1, s9;
	s9 =	simm.s32 @!p2 $0x0  }
0x161: {  	vm0 =	vgt.f32 v13, $0.0e+00;
	v17 =	vsub.f32 v25, v21;
	v51 =	vmpcnt.ones.xlane vm4;
	[tilespmem:s9], [sflag:$0x1] =	stream.linear.gather @!p2 [hbm4b:s0+s9], $0x4000, $0x38;
	[tilespmem:$0x10400] =	vst v63  }
0x162: {  	v16 =	vmpcnt.ones.xlane vm5;
	v5 =	vadd.f32 v5, v10;
	v10 =	vmpcnt.ones.xlane vm7;
	s0 =	sadd.s32 @!p2 s8, s5  }
0x163: {  	v4 =	vadd.f32 v4, v7;
	v6 =	vmul.f32 v6, v6;
	v7 =	vmul.f32 v11, v11;
	s0 =	sshrl.u32 @!p2 s0, $0x3  }
0x164: {  	v11 =	vmul.f32 v15, v15;
	v8 =	vsub.f32 v8, v19;
	v14 =	vsub.f32 v14, v20;
	s5 =	simm.s32 @!p2 $0x8000;
	s0 =	sadd.s32 @!p2 s3, s0  }
0x165: {  	v0 =	vadd.f32 v4, v0;
	v12 =	vmpcnt.ones.xlane vm6;
	v15 =	vnsel vm2, $0x0, v6;
	[tilespmem:s5], [sflag:$0x3] =	stream.linear.gather @!p2 [hbm4b:s0+s9], $0x4000, $0x38;
	[tilespmem:$0x10400] =	vst v63  }
0x166: {  	v52 =	vnsel vm3, $0x0, v7;
	v53 =	vnsel vm4, $0x0, v11;
	v6 =	vadd.f32 v7, v6;
	_ =	swait.ge [sflag:s22], $0x4000  }
0x167: {  	s10 =	simm.s32 $0x0;
	v8 =	vmul.f32 v8, v8;
	v14 =	vmul.f32 v14, v14;
	v15 =	vadd.f32 v52, v15;
	[sflag:s22] =	ssyncset.done $0x0  }
0x168: {  	v2 =	vadd.s32 v51, v2;
	v9 =	vsub.f32 v9, v22;
	s5 =	simm.s32 $0x0;
	s9 =	simm.s32 $0x0;
	v3 =	vsub.f32 v3, v13;
	[sflag:s22] =	ssyncadd.s32 $0xFFFFC000  }
0x169: {  	v54 =	vnsel vm6, $0x0, v14;
	v13 =	vmul.f32 v17, v17;
	v17 =	vnsel vm7, $0x0, v8;
	s0 =	sand.u32 $0xC00, s5;
	s5 =	sand.u32 $0x3000, s9;
	_ =	swait.ge [sflag:s23], $0x4000  }
0x16a: {  	s31 =	sand.u32 $0x380, s10;
	v8 =	vadd.f32 v8, v11;
	v9 =	vmul.f32 v9, v9;
	s0 =	sor.u32 s0, s5;
	v3 =	vmul.f32 v3, v3;
	[sflag:s23] =	ssyncset.done $0x0  }
0x16b: {  	v17 =	vadd.f32 v17, v53;
	v55 =	vnsel vm5, $0x0, v13;
	s0 =	sor.u32 s31, s0;
	v13 =	vadd.f32 v13, v14;
	[sflag:s23] =	ssyncadd.s32 $0xFFFFC000  }
0x16c: {  	v7 =	vnsel vm1, $0x0, v9;
	v18 =	vadd.f32 v55, v54;
	v56 =	vnsel vm0, $0x0, v3;
	v57 =	vld [tilespmem:s0+$0xC000]  }
0x16d: {  	v2 =	vadd.s32 v10, v2;
	v3 =	vadd.f32 v3, v9;
	v7 =	vadd.f32 v56, v7;
	v10 =	vld [tilespmem:s0+$0xC010]  }
0x16e: {  	v2 =	vadd.s32 v12, v2;
	v6 =	vadd.f32 v8, v6;
	v12 =	vadd.f32 v17, v15;
	v9 =	vld [tilespmem:s0+$0xC020]  }
0x16f: {  	v14 =	vld [tilespmem:s0+$0xC030];
	v3 =	vadd.f32 v3, v13;
	v7 =	vadd.f32 v7, v18  }
0x170: {  	v1 =	vadd.f32 v5, v1;
	v2 =	vadd.s32 v16, v2;
	v11 =	vmpcnt.ones.xlane vm1;
	v8 =	vld [tilespmem:s0+$0xC040]  }
0x171: {  	v15 =	vmpcnt.ones.xlane vm0;
	v4 =	vld [tilespmem:s0+$0xC060];
	v3 =	vadd.f32 v3, v6;
	v5 =	vadd.f32 v7, v12  }
0x172: {  	v2 =	vadd.s32 v11, v2;
	v6 =	vld [tilespmem:s0+$0x4000]  }
0x173: {  	v2 =	vadd.s32 v15, v2;
	v7 =	vld [tilespmem:s0+$0xC050];
	v0 =	vadd.f32 v3, v0;
	v1 =	vadd.f32 v5, v1  }
0x174: {  	v12 =	vld [tilespmem:s0+$0x4010];
	vm7 =	vgt.f32 v57, $0.0e+00;
	vm6 =	vgt.f32 v10, $0.0e+00;
	vm5 =	vgt.f32 v9, $0.0e+00  }
0x175: {  	vm0 =	vgt.f32 v14, $0.0e+00;
	vm1 =	vgt.f32 v8, $0.0e+00;
	v3 =	vmpcnt.ones.xlane vm7  }
0x176: {  	v5 =	vld [tilespmem:s0+$0xC070];
	vm3 =	vgt.f32 v4, $0.0e+00;
	v11 =	vmpcnt.ones.xlane vm6;
	v13 =	vmpcnt.ones.xlane vm5  }
0x177: {  	v15 =	vmpcnt.ones.xlane vm0;
	v16 =	vmpcnt.ones.xlane vm1;
	v2 =	vadd.s32 v2, v3;
	v3 =	vld [tilespmem:s0+$0x4020]  }
0x178: {  	v58 =	vmpcnt.ones.xlane vm3;
	v6 =	vsub.f32 v6, v57;
	v2 =	vadd.s32 v11, v2;
	v11 =	vld [tilespmem:s0+$0x4030]  }
0x179: {  	vm2 =	vgt.f32 v7, $0.0e+00;
	v10 =	vsub.f32 v12, v10;
	v2 =	vadd.s32 v13, v2;
	v13 =	vld [tilespmem:s0+$0x4040]  }
0x17a: {  	v17 =	vmpcnt.ones.xlane vm2;
	v6 =	vmul.f32 v6, v6;
	v2 =	vadd.s32 v15, v2;
	v15 =	vld [tilespmem:s0+$0x4050]  }
0x17b: {  	vm4 =	vgt.f32 v5, $0.0e+00;
	v10 =	vmul.f32 v10, v10;
	v2 =	vadd.s32 v16, v2;
	v16 =	vld [tilespmem:s0+$0x4060]  }
0x17c: {  	v59 =	vmpcnt.ones.xlane vm4;
	v12 =	vnsel vm7, $0x0, v6;
	v3 =	vsub.f32 v3, v9;
	v9 =	vld [tilespmem:s0+$0x4070]  }
0x17d: {  	s30 =	simm.s32 $0x400;
	s5 =	simm.s32 $0x80;
	v6 =	vadd.f32 v10, v6;
	v2 =	vadd.s32 v17, v2;
	v11 =	vsub.f32 v11, v14  }
0x17e: {  	s10 =	simm.s32 $0x20;
	s9 =	sand.u32 $0xC00, s30;
	s0 =	sand.u32 $0x3000, s5;
	v3 =	vmul.f32 v3, v3;
	v8 =	vsub.f32 v13, v8;
	v13 =	vnsel vm6, $0x0, v10  }
0x17f: {  	s31 =	sand.u32 $0x380, s10;
	s0 =	sor.u32 s9, s0;
	v11 =	vmul.f32 v11, v11;
	v7 =	vsub.f32 v15, v7;
	v12 =	vadd.f32 v13, v12  }
0x180: {  	s0 =	sor.u32 s31, s0;
	v8 =	vmul.f32 v8, v8;
	v4 =	vsub.f32 v16, v4;
	v14 =	vnsel vm5, $0x0, v3  }
0x181: {  	v13 =	vld [tilespmem:s0+$0xC000];
	v7 =	vmul.f32 v7, v7;
	v5 =	vsub.f32 v9, v5;
	v9 =	vnsel vm0, $0x0, v11  }
0x182: {  	v17 =	vld [tilespmem:s0+$0xC030];
	v3 =	vadd.f32 v11, v3;
	v4 =	vmul.f32 v4, v4;
	v15 =	vnsel vm1, $0x0, v8  }
0x183: {  	v9 =	vadd.f32 v9, v14;
	v14 =	vld [tilespmem:s0+$0xC010];
	v5 =	vmul.f32 v5, v5;
	v16 =	vnsel vm2, $0x0, v7  }
0x184: {  	v2 =	vadd.s32 v58, v2;
	v7 =	vadd.f32 v7, v8;
	v15 =	vadd.f32 v16, v15;
	v16 =	vld [tilespmem:s0+$0xC020]  }
0x185: {  	v3 =	vadd.f32 v3, v6;
	v10 =	vnsel vm3, $0x0, v4;
	v11 =	vnsel vm4, $0x0, v5  }
0x186: {  	v2 =	vadd.s32 v59, v2;
	v60 =	vld [tilespmem:s0+$0xC040];
	v9 =	vadd.f32 v9, v12;
	v8 =	vadd.f32 v11, v10  }
0x187: {  	v6 =	vld [tilespmem:s0+$0xC050];
	vm7 =	vgt.f32 v13, $0.0e+00;
	vm2 =	vgt.f32 v17, $0.0e+00;
	v4 =	vadd.f32 v5, v4  }
0x188: {  	v5 =	vld [tilespmem:s0+$0xC060];
	v10 =	vmpcnt.ones.xlane vm7;
	vm6 =	vgt.f32 v14, $0.0e+00;
	v8 =	vadd.f32 v8, v15  }
0x189: {  	v7 =	vadd.f32 v4, v7;
	v4 =	vld [tilespmem:s0+$0xC070];
	v11 =	vmpcnt.ones.xlane vm6;
	vm0 =	vgt.f32 v16, $0.0e+00  }
0x18a: {  	v2 =	vadd.s32 v2, v10;
	v9 =	vadd.f32 v8, v9;
	v8 =	vld [tilespmem:s0+$0x4000];
	v12 =	vmpcnt.ones.xlane vm0  }
0x18b: {  	vm3 =	vgt.f32 v60, $0.0e+00;
	v10 =	vld [tilespmem:s0+$0x4010];
	v15 =	vmpcnt.ones.xlane vm2;
	v2 =	vadd.s32 v11, v2  }
0x18c: {  	v61 =	vmpcnt.ones.xlane vm3;
	vm4 =	vgt.f32 v6, $0.0e+00;
	v11 =	vld [tilespmem:s0+$0x4020];
	v2 =	vadd.s32 v12, v2  }
0x18d: {  	v62 =	vld [tilespmem:s0+$0x4030];
	v3 =	vadd.f32 v7, v3;
	v12 =	vmpcnt.ones.xlane vm4;
	v2 =	vadd.s32 v15, v2  }
0x18e: {  	v63 =	vld [tilespmem:s0+$0x4040];
	vm5 =	vgt.f32 v5, $0.0e+00;
	vm1 =	vgt.f32 v4, $0.0e+00;
	v2 =	vadd.s32 v61, v2  }
0x18f: {  	v15 =	vmpcnt.ones.xlane vm5;
	v8 =	vsub.f32 v8, v13;
	v2 =	vadd.s32 v12, v2;
	v12 =	vld [tilespmem:s0+$0x4050]  }
0x190: {  	v1 =	vadd.f32 v9, v1;
	v14 =	vsub.f32 v10, v14;
	v10 =	vld [tilespmem:s0+$0x4060];
	v13 =	vmpcnt.ones.xlane vm1  }
0x191: {  	v16 =	vsub.f32 v11, v16;
	v11 =	vld [tilespmem:s0+$0x4070];
	v2 =	vadd.s32 v15, v2;
	v7 =	vmul.f32 v8, v8  }
0x192: {  	v15 =	vsub.f32 v62, v17;
	v2 =	vadd.s32 v13, v2;
	v8 =	vmul.f32 v14, v14  }
0x193: {  	s5 =	simm.s32 $0x2;
	s0 =	simm.s32 $0x3;
	v9 =	vmul.f32 v16, v16;
	v14 =	vsub.f32 v63, v60;
	v13 =	vnsel vm7, $0x0, v7  }
.LBB2_13:
0x194: {  	p2 =	sne.s32 s0, $0x7F;
	s9 =	sshll.u32 s5, $0x7;
	v15 =	vmul.f32 v15, v15;
	v6 =	vsub.f32 v12, v6;
	v12 =	vnsel vm6, $0x0, v8;
	s30 =	sadd.s32 $0x400, s30  }
0x195: {  	s5 =	sshll.u32 s5, $0x5;
	s10 =	sand.u32 $0xC00, s30;
	s9 =	sand.u32 $0x3000, s9;
	v14 =	vmul.f32 v14, v14;
	v5 =	vsub.f32 v10, v5;
	v10 =	vnsel vm0, $0x0, v9  }
0x196: {  	s9 =	sor.u32 s10, s9;
	s10 =	sand.u32 $0x380, s5;
	v6 =	vmul.f32 v6, v6;
	v4 =	vsub.f32 v11, v4;
	v11 =	vnsel vm2, $0x0, v15;
	s5 =	smov.u32 s0  }
0x197: {  	v12 =	vadd.f32 v12, v13;
	s9 =	sor.u32 s10, s9;
	v5 =	vmul.f32 v5, v5;
	v16 =	vnsel vm3, $0x0, v14  }
0x198: {  	v10 =	vadd.f32 v11, v10;
	v13 =	vld [tilespmem:s9+$0xC000];
	v4 =	vmul.f32 v4, v4;
	v17 =	vnsel vm4, $0x0, v6  }
0x199: {  	v7 =	vadd.f32 v8, v7;
	v11 =	vld [tilespmem:s9+$0xC010];
	v8 =	vnsel vm5, $0x0, v5;
	v16 =	vadd.f32 v17, v16  }
0x19a: {  	v9 =	vadd.f32 v15, v9;
	v14 =	vadd.f32 v6, v14;
	v17 =	vld [tilespmem:s9+$0xC020];
	v6 =	vnsel vm1, $0x0, v4  }
0x19b: {  	v4 =	vadd.f32 v4, v5;
	v15 =	vld [tilespmem:s9+$0xC030];
	v5 =	vadd.f32 v6, v8  }
0x19c: {  	v7 =	vadd.f32 v9, v7;
	v8 =	vadd.f32 v10, v12;
	v18 =	vld [tilespmem:s9+$0xC040]  }
0x19d: {  	v9 =	vadd.f32 v4, v14;
	vm7 =	vgt.f32 v13, $0.0e+00;
	v6 =	vld [tilespmem:s9+$0xC050];
	v10 =	vadd.f32 v5, v16  }
0x19e: {  	v0 =	vadd.f32 v3, v0;
	vm6 =	vgt.f32 v11, $0.0e+00;
	v5 =	vld [tilespmem:s9+$0xC060];
	v12 =	vmpcnt.ones.xlane vm7  }
0x19f: {  	vm0 =	vgt.f32 v17, $0.0e+00;
	v4 =	vld [tilespmem:s9+$0xC070];
	v3 =	vmpcnt.ones.xlane vm6;
	v14 =	vadd.f32 v10, v8  }
0x1a0: {  	v8 =	vld [tilespmem:s9+$0x4000];
	vm2 =	vgt.f32 v15, $0.0e+00;
	v10 =	vmpcnt.ones.xlane vm0;
	v2 =	vadd.s32 v2, v12  }
0x1a1: {  	v16 =	vld [tilespmem:s9+$0x4010];
	vm3 =	vgt.f32 v18, $0.0e+00;
	v12 =	vmpcnt.ones.xlane vm2;
	v2 =	vadd.s32 v3, v2  }
0x1a2: {  	v19 =	vld [tilespmem:s9+$0x4020];
	vm4 =	vgt.f32 v6, $0.0e+00;
	v3 =	vmpcnt.ones.xlane vm3;
	v2 =	vadd.s32 v10, v2  }
0x1a3: {  	v20 =	vld [tilespmem:s9+$0x4030];
	vm5 =	vgt.f32 v5, $0.0e+00;
	v10 =	vmpcnt.ones.xlane vm4;
	v2 =	vadd.s32 v12, v2  }
0x1a4: {  	v21 =	vld [tilespmem:s9+$0x4040];
	vm1 =	vgt.f32 v4, $0.0e+00;
	v22 =	vmpcnt.ones.xlane vm5;
	v2 =	vadd.s32 v3, v2  }
.Ltmp8:
0x1a5: {  	v8 =	vsub.f32 v8, v13;
	v12 =	vld [tilespmem:s9+$0x4050];
	v13 =	vmpcnt.ones.xlane vm1;
	v2 =	vadd.s32 v10, v2;
	(pc) =	sbr.rel @p2 .LBB2_13-.Ltmp8, $4  }
0x1a6: {  	v3 =	vadd.f32 v9, v7;
	v16 =	vsub.f32 v16, v11;
	v10 =	vld [tilespmem:s9+$0x4060];
	v2 =	vadd.s32 v22, v2  }
0x1a7: {  	v7 =	vmul.f32 v8, v8;
	v9 =	vsub.f32 v19, v17;
	v11 =	vld [tilespmem:s9+$0x4070];
	v2 =	vadd.s32 v13, v2  }
0x1a8: {  	v1 =	vadd.f32 v14, v1;
	v8 =	vmul.f32 v16, v16;
	v15 =	vsub.f32 v20, v15  }
0x1a9: {  	s0 =	sadd.s32 $0x1, s0;
	v9 =	vmul.f32 v9, v9;
	v14 =	vsub.f32 v21, v18;
	v13 =	vnsel vm7, $0x0, v7  }
0x1aa: {  	s0 =	sshll.u32 s5, $0x7;
	s9 =	sadd.s32 $0x400, s30  }
0x1ab: {  	s31 =	sshll.u32 s5, $0x5;
	s9 =	sand.u32 $0xC00, s9;
	s0 =	sand.u32 $0x3000, s0  }
0x1ac: {  	s5 =	sand.u32 $0x380, s31;
	s0 =	sor.u32 s9, s0  }
0x1ad: {  	s0 =	sor.u32 s5, s0  }
0x1ae: {  	v16 =	vld [tilespmem:s0+$0xC000]  }
0x1af: {  	v17 =	vld [tilespmem:s0+$0xC010]  }
0x1b0: {  	v15 =	vmul.f32 v15, v15;
	v6 =	vsub.f32 v12, v6;
	v26 =	vld [tilespmem:s0+$0xC020]  }
0x1b1: {  	v23 =	vnsel vm6, $0x0, v8;
	v7 =	vadd.f32 v8, v7;
	v0 =	vadd.f32 v3, v0;
	v27 =	vld [tilespmem:s0+$0xC030]  }
0x1b2: {  	v14 =	vmul.f32 v14, v14;
	v5 =	vsub.f32 v10, v5;
	v24 =	vnsel vm0, $0x0, v9;
	v29 =	vld [tilespmem:s0+$0xC040]  }
0x1b3: {  	v12 =	vadd.f32 v23, v13;
	v6 =	vmul.f32 v6, v6;
	v4 =	vsub.f32 v11, v4;
	v32 =	vld [tilespmem:s0+$0xC050]  }
0x1b4: {  	v25 =	vnsel vm2, $0x0, v15;
	v30 =	vadd.f32 v15, v9;
	v5 =	vmul.f32 v5, v5;
	v34 =	vld [tilespmem:s0+$0xC060]  }
0x1b5: {  	v18 =	vnsel vm3, $0x0, v14;
	v10 =	vadd.f32 v25, v24;
	v4 =	vmul.f32 v4, v4;
	v36 =	vld [tilespmem:s0+$0xC070]  }
0x1b6: {  	v19 =	vnsel vm4, $0x0, v6;
	v6 =	vadd.f32 v6, v14;
	v7 =	vadd.f32 v30, v7;
	v37 =	vld [tilespmem:s0+$0x4000]  }
0x1b7: {  	v3 =	vld [tilespmem:s0+$0x4010];
	v28 =	vnsel vm5, $0x0, v5;
	v31 =	vnsel vm1, $0x0, v4;
	v4 =	vadd.f32 v4, v5  }
0x1b8: {  	v40 =	vld [tilespmem:s0+$0x4020];
	v18 =	vadd.f32 v19, v18;
	v33 =	vadd.f32 v31, v28  }
0x1b9: {  	v42 =	vld [tilespmem:s0+$0x4030];
	v35 =	vadd.f32 v10, v12;
	v4 =	vadd.f32 v4, v6  }
0x1ba: {  	v43 =	vld [tilespmem:s0+$0x4040];
	vm9 =	vgt.f32 v16, $0.0e+00;
	v5 =	vadd.f32 v33, v18;
	vm10 =	vgt.f32 v17, $0.0e+00  }
0x1bb: {  	v44 =	vld [tilespmem:s0+$0x4050];
	vm11 =	vgt.f32 v26, $0.0e+00;
	vm12 =	vgt.f32 v27, $0.0e+00;
	vm13 =	vgt.f32 v29, $0.0e+00  }
0x1bc: {  	v46 =	vld [tilespmem:s0+$0x4060];
	vm7 =	vgt.f32 v32, $0.0e+00;
	v6 =	vsub.f32 v37, v16;
	vm14 =	vgt.f32 v34, $0.0e+00  }
0x1bd: {  	v47 =	vld [tilespmem:s0+$0x4070];
	v3 =	vsub.f32 v3, v17;
	vm15 =	vgt.f32 v36, $0.0e+00;
	v9 =	vsub.f32 v40, v26  }
0x1be: {  	v48 =	vsub.f32 v42, v27;
	v38 =	vmpcnt.ones.xlane vm9;
	v39 =	vmpcnt.ones.xlane vm10  }
0x1bf: {  	v49 =	vsub.f32 v43, v29;
	v41 =	vmpcnt.ones.xlane vm11;
	v20 =	vmpcnt.ones.xlane vm12  }
0x1c0: {  	v51 =	vsub.f32 v44, v32;
	v21 =	vmpcnt.ones.xlane vm13;
	v45 =	vmpcnt.ones.xlane vm7  }
0x1c1: {  	v8 =	vsub.f32 v46, v34;
	v60 =	vmpcnt.ones.xlane vm14;
	v62 =	vmpcnt.ones.xlane vm15  }
0x1c2: {  	v10 =	vsub.f32 v47, v36;
	v6 =	vmul.f32 v6, v6;
	v3 =	vmul.f32 v3, v3  }
0x1c3: {  	v4 =	vadd.f32 v4, v7;
	v9 =	vmul.f32 v9, v9;
	v7 =	vmul.f32 v48, v48  }
0x1c4: {  	v11 =	vmul.f32 v49, v49;
	v14 =	vmul.f32 v51, v51  }
0x1c5: {  	v5 =	vadd.f32 v5, v35;
	v8 =	vmul.f32 v8, v8;
	v10 =	vmul.f32 v10, v10  }
0x1c6: {  	v2 =	vadd.s32 v2, v38;
	v50 =	vnsel vm9, $0x0, v6;
	v52 =	vnsel vm10, $0x0, v3  }
0x1c7: {  	v53 =	vnsel vm11, $0x0, v9;
	v54 =	vnsel vm12, $0x0, v7;
	v55 =	vnsel vm13, $0x0, v11  }
0x1c8: {  	v56 =	vnsel vm7, $0x0, v14;
	v3 =	vadd.f32 v3, v6;
	v7 =	vadd.f32 v7, v9  }
0x1c9: {  	v57 =	vnsel vm14, $0x0, v8;
	v58 =	vadd.f32 v14, v11;
	v8 =	vadd.f32 v10, v8  }
0x1ca: {  	v59 =	vnsel vm15, $0x0, v10;
	v12 =	vadd.f32 v52, v50;
	v13 =	vadd.f32 v54, v53  }
0x1cb: {  	s29 =	sadd.s32 $0x1, s29;
	v2 =	vadd.s32 v39, v2;
	v15 =	vadd.f32 v56, v55;
	v6 =	vadd.f32 v59, v57  }
0x1cc: {  	p2 =	sne.s32 s29, $0x4;
	v2 =	vadd.s32 v41, v2;
	v3 =	vadd.f32 v7, v3;
	v8 =	vadd.f32 v8, v58  }
.Ltmp9:
0x1cd: {  	v2 =	vadd.s32 v20, v2;
	v61 =	vadd.f32 v13, v12;
	v6 =	vadd.f32 v6, v15;
	(pc) =	sbr.rel @p2 .LBB2_10-.Ltmp9, $4  }
0x1ce: {  	v0 =	vadd.f32 v4, v0;
	v1 =	vadd.f32 v5, v1;
	v2 =	vadd.s32 v21, v2  }
0x1cf: {  	v2 =	vadd.s32 v45, v2;
	v3 =	vadd.f32 v8, v3;
	v63 =	vadd.f32 v6, v61  }
0x1d0: {  	v2 =	vadd.s32 v60, v2  }
0x1d1: {  	v2 =	vadd.s32 v62, v2;
	v0 =	vadd.f32 v3, v0;
	v1 =	vadd.f32 v63, v1  }
0x1d2: {  	_ = 	snop  }
0x1d3: {  	v63 =	vcvt.s32.f32 v2;
	[tilespmem:$0x10000] =	vst v0  }
0x1d4: {  	[tilespmem:$0x10080] =	vst v1  }
.Ltmp10:
0x1d5: {  	[tilespmem:$0x10100] =	vst v63;
	(pc) =	sbr.rel .LBB2_16-.Ltmp10, $4  }
0x1d6: {  	[hbm4b:s15+s4] =	stream.linear.scatter [tilespmem:s24], [sflag:$0x5], $0x400, $0x38;
	[tilespmem:$0x10400] =	vst v63  }
0x1d7: {  	_ =	swait.ge [sflag:s25], $0x400  }
0x1d8: {  	[sflag:s25] =	ssyncset.done $0x0  }
0x1d9: {  	[sflag:s25] =	ssyncadd.s32 $0xFFFFFC00  }
.LBB2_17:
0x1da: {  	_ =	sfence.sel $0x180000  }
0x1db: {  	[bflag:$0x0] =	sbarrier.arrive $0xFFFF  }
0x1dc: {  	_ =	strace $0x9000004A  }
0x1dd: {  	s0 =	stileid.u32;
	[bflag:$0x2] =	sbarrier.arrive $0xFFFF  }
0x1de: {  	p0 =	sne.s32 s0, $0x0;
	s0 =	rddreg [dreg:$0x4]  }
0x1df: {  	s0 =	sadd.s32 @!p0 $0x100000, s0  }
0x1e0: {  	[sflag:s0] =	ssyncadd.tile.s32 @!p0 $0x1;
	_ =	shalt  }
.Lfunc_end2:
_tile_overlayer_lowered:
.L_overlay_start_2:
0x1e1: {  	(tag) =	ssettag $0x2  }
0x1e2: {  	s0 =	rddreg [dreg:$0x0];
	s2 =	stileid.u32  }
0x1e3: {  	s1 =	rddreg [dreg:$0x1];
	p0 =	sne.s32 s2, $0x0  }
0x1e4: {  	s3 =	rddreg [dreg:$0x2];
	[bflag:$0x3] =	sbarrier.arrive $0xFFFF;
	s2 =	simm.s32 @!p0 $0x1C05  }
0x1e5: {  	[timem:s3], [sflag:s2] =	dma.local @!p0 [hbm:s0], s1  }
0x1e6: {  	s0 =	simm.s32 @!p0 $0x5  }
0x1e7: {  	_ =	swait.ge @!p0 [sflag:s0], s1  }
0x1e8: {  	s1 =	ssub.s32 @!p0 $0x0, s1;
	[sflag:s0] =	ssyncset.done @!p0 $0x0  }
0x1e9: {  	[sflag:s0] =	ssyncadd.s32 @!p0 s1  }
0x1ea: {  	[bflag:$0x3] =	sbarrier.arrive $0xFFFF  }
0x1eb: {  	_ =	shalt  }

// kernel: sparse-core-data-format-call.cloned.1.call-start
scs
called_computation_lowered:
.L_overlay_start_0:
0x0: {  	s1 =	sld [smem:$0x3FD9]  }
0x1: {  	s2 =	sld [smem:$0x3FFE];
	_ =	sdelay $0x1  }
0x2: {  	s3 =	srdreg.scid  }
0x3: {  	s0 =	sand.u32 $0x1, s3  }
0x4: {  	s17 =	sshll.u32 s0, $0xA;
	s1 =	sadd.s32 s2, s1  }
0x5: {  	s1 =	sadd.s32 s1, s17  }
0x6: {  	[smem:$0x3FC5] =	sst s1  }
0x7: {  	_ = 	snop  }
0x8: {  	(tm) =	ssettm $0x1  }
0x9: {  	s18 =	sld [smem:$0x3FFB];
	_ =	sdelay $0x3  }
0xa: {  	_ =	strace s18  }
0xb: {  	s1 =	sld [smem:$0x3FFC];
	_ =	sdelay $0x3  }
0xc: {  	_ =	strace s1  }
0xd: {  	s1 =	sld [smem:$0x3FFD];
	_ =	sdelay $0x3  }
0xe: {  	_ =	strace s1  }
0xf: {  	_ =	strace $0x8FFFFFFF  }
0x10: {  	s19 =	sld [smem:$0x3FDB];
	_ =	sdelay $0x1  }
0x11: {  	s20 =	simm.s32 $_scs_section_size  }
0x12: {  	s4 =	simm.s32 $_size__tile_overlayer_lowered;
	s5 =	simm.s32 $_tile_overlayer_lowered  }
0x13: {  	s23 =	simm.s32 $0x1BFF;
	s22 =	sshll.u32 s5, $0x1;
	s1 =	sadd.s32 s20, s19  }
0x14: {  	s6 =	simm.s32 $0x0;
	s21 =	sshll.u32 s4, $0x1;
	s4 =	sadd.s32 s22, s1  }
0x15: {  	[timem:s6], [sflag:s23] =	dma.local [hbm:s4], s21  }
0x16: {  	_ =	swait.ge [sflag:s23], s21  }
0x17: {  	s2 =	ssub.s32 $0x0, s21;
	[sflag:s23] =	ssyncset.done $0x0  }
0x18: {  	[sflag:s23] =	ssyncadd.s32 s2;
	_ =	sdelay $0x1  }
0x19: {  	s24 =	simm.s32 $0x1B8B  }
0x1a: {  	_ =	swait.ge [sflag:s24], $0x1  }
0x1b: {  	[sflag:s24] =	ssyncset.done $0x0  }
0x1c: {  	s26 =	simm.s32 $0x1B8E;
	s25 =	sld [smem:$0x3FFE];
	[sflag:s24] =	ssyncadd.s32 $0xFFFFFFFF  }
0x1d: {  	s27 =	simm.s32 $execute0_lowered;
	[smem:$0x3FD2] =	sst s26  }
0x1e: {  	s4 =	sshll.u32 s27, $0x1;
	_ =	strace $0x80000046;
	[dreg:$0x1] =	wrdreg $0xFFFFFFFF  }
0x1f: {  	s28 =	simm.s32 $_size_execute0_lowered;
	s1 =	sadd.s32 s1, s4;
	[dreg:$0x0] =	wrdreg $0x0  }
0x20: {  	s4 =	sshll.u32 s28, $0x1;
	[dreg:$0x2] =	wrdreg s1  }
0x21: {  	[dreg:$0x3] =	wrdreg s4  }
0x22: {  	[dreg:$0x4] =	wrdreg $0xC0  }
0x23: {  	_ =	task [dreg:s6], $0x5FFFF  }
0x24: {  	[dreg:$0x1] =	wrdreg $0xFFFFFFFF  }
0x25: {  	[dreg:$0x0] =	wrdreg $0x60  }
0x26: {  	[dreg:$0x2] =	wrdreg s25  }
0x27: {  	[dreg:$0x3] =	wrdreg $0x9  }
0x28: {  	_ =	task.clear_ibuf [dreg:s6], $0x4FFFF;
	_ =	strace $0x90000046  }
0x29: {  	s29 =	simm.s32 $0x9;
	_ =	strace $0x80000048  }
0x2a: {  	_ =	swait.ge [sflag:s29], $0x1  }
0x2b: {  	[sflag:s29] =	ssyncadd.s32 $0xFFFFFFFF  }
0x2c: {  	_ =	strace $0x90000048  }
0x2d: {  	_ =	sfence  }
0x2e: {  	s30 =	sld [smem:$0x0];
	_ =	sdelay $0x2  }
0x2f: {  	s31 =	sshll.u32 s3, $0xD;
	s3 =	sshrl.u32 s3, $0x2  }
0x30: {  	s2 =	sand.u32 $0x4000, s31;
	s1 =	sadd.s32 s3, s30  }
0x31: {  	s0 =	sor.u32 s2, s0;
	s1 =	sshll.u32 s1, $0x11  }
0x32: {  	s0 =	sor.u32 s1, s0  }
0x33: {  	s0 =	sadd.s32 $0x8F2B, s0  }
0x34: {  	[sflag:s0] =	ssyncadd.remote.s32 $0x1  }
0x35: {  	_ =	sfence.sel $0xFFFF  }
0x36: {  	[dreg:$0x0] =	wrdreg $0xFFFFFFFF;
	(pc) =	sbr.abs _section_cstart, $3  }
0x37: {  	[dreg:$0x1] =	wrdreg $0xFFFFFFFF  }
0x38: {  	_ =	task.clear_ibuf [dreg:s6], $0x2FFFF;
	_ =	strace $0x9FFFFFFF  }
0x39: {  	(tm) =	ssettm $0x7FFFFFFF  }
tec
execute0_lowered:
.L_overlay_start_1:
0x0: {  	(tag) =	ssettag $0x1  }
0x1: {  	s0 =	rddreg [dreg:$0x0];
	_ =	strace $0x80000047  }
0x2: {  	s3 =	stileid.u32;
	s1 =	srdreg.scid;
	s30 =	simm.s32 $0x1  }
0x3: {  	s31 =	simm.s32 $0x2;
	s15 =	simm.s32 $0x0;
	s14 =	simm.s32 $0x0  }
0x4: {  	s16 =	simm.s32 $0x0;
	s10 =	simm.s32 $0x0;
	s13 =	simm.s32 $0x0  }
0x5: {  	s5 =	sadd.s32 $0x200, s0;
	s6 =	sand.u32 $0x1, s3;
	s0 =	sadd.s32 $0x100200, s0  }
0x6: {  	s28 =	sshll.u32 s1, $0x4;
	[dreg:$0x4] =	wrdreg s0;
	s29 =	ssub.s32 $0x2, s6  }
0x7: {  	s0 =	sand.u32 $0x10, s28;
	[dreg:$0x2] =	wrdreg s5;
	s2 =	sshrl.u32 s29, $0x1  }
.Ltmp0:
0x8: {  	s1 =	sand.u32 $0x1, s29;
	s0 =	sor.u32 s3, s0;
	(pc) =	sbr.rel .LBB1_1-.Ltmp0, $4  }
0x9: {  	[dreg:$0x3] =	wrdreg s6;
	s1 =	sadd.s32 s1, s2;
	s8 =	sshrl.u32 s0, $0x1  }
0xa: {  	[sflag:s30] =	ssyncpa.u1 $0x0;
	s7 =	sshll.u32 s1, $0x4;
	[dreg:$0x6] =	wrdreg s8  }
0xb: {  	[sflag:s31] =	ssyncpa.u1 $0x0;
	s9 =	sor.u32 $0x1, s7;
	[dreg:$0x5] =	wrdreg s7  }
0xc: {  	s12 =	smov.u32 s6;
	s11 =	smov.u32 s8;
	[dreg:$0x7] =	wrdreg s9  }
.LBB1_4:
0xd: {  	_ =	sdelay $0x3  }
0xe: {  	[tilespmem:v0+s27+$0x0 ss:$0x1] =	vst.idx.msk $0xffff, v7  }
0xf: {  	s20 =	sor.u32 s1, s0;
	v30 =	vld.idx.msk [tilespmem:v1+s21+$0x0 ss:$0x1], $0xffff;
	[tilespmem:v0+s26+$0x0 ss:$0x1] =	vst.idx.msk $0xffff, v6  }
0x10: {  	[tilespmem:v0+s25+$0x0 ss:$0x1] =	vst.idx.msk $0xffff, v4;
	v31 =	vld.idx.msk [tilespmem:v1+s19+$0x0 ss:$0x1], $0xffff;
	s25 =	sor.u32 $0x410, s20  }
0x11: {  	[tilespmem:v0+s23+$0x0 ss:$0x1] =	vst.idx.msk $0xffff, v3;
	s31 =	sor.u32 $0x420, s20;
	v32 =	vld.idx.msk [tilespmem:v1+s25+$0x0 ss:$0x1], $0xffff  }
0x12: {  	[tilespmem:v0+s24+$0x0 ss:$0x1] =	vst.idx.msk $0xffff, v2;
	s6 =	sor.u32 $0x430, s20;
	v44 =	vld.idx.msk [tilespmem:v1+s31+$0x0 ss:$0x1], $0xffff  }
0x13: {  	[tilespmem:v0+s22+$0x0 ss:$0x1] =	vst.idx.msk $0xffff, v5;
	s7 =	sor.u32 $0x440, s20;
	v45 =	vld.idx.msk [tilespmem:v1+s6+$0x0 ss:$0x1], $0xffff  }
0x14: {  	s8 =	sor.u32 $0x450, s20;
	v46 =	vld.idx.msk [tilespmem:v1+s7+$0x0 ss:$0x1], $0xffff;
	[tilespmem:v0+s21+$0x0 ss:$0x1] =	vst.idx.msk $0xffff, v30  }
0x15: {  	s9 =	sor.u32 $0x460, s20;
	v47 =	vld.idx.msk [tilespmem:v1+s8+$0x0 ss:$0x1], $0xffff;
	[tilespmem:v0+s19+$0x0 ss:$0x1] =	vst.idx.msk $0xffff, v31  }
0x16: {  	s10 =	sor.u32 $0x470, s20;
	v48 =	vld.idx.msk [tilespmem:v1+s9+$0x0 ss:$0x1], $0xffff;
	[tilespmem:v0+s25+$0x0 ss:$0x1] =	vst.idx.msk $0xffff, v32  }
0x17: {  	s11 =	sor.u32 $0x810, s20;
	v49 =	vld.idx.msk [tilespmem:v1+s10+$0x0 ss:$0x1], $0xffff;
	[tilespmem:v0+s31+$0x0 ss:$0x1] =	vst.idx.msk $0xffff, v44  }
0x18: {  	s12 =	sor.u32 $0x820, s20;
	v50 =	vld.idx.msk [tilespmem:v1+s11+$0x0 ss:$0x1], $0xffff;
	[tilespmem:v0+s6+$0x0 ss:$0x1] =	vst.idx.msk $0xffff, v45  }
0x19: {  	s13 =	sor.u32 $0x830, s20;
	v51 =	vld.idx.msk [tilespmem:v1+s12+$0x0 ss:$0x1], $0xffff;
	[tilespmem:v0+s7+$0x0 ss:$0x1] =	vst.idx.msk $0xffff, v46  }
0x1a: {  	s14 =	sor.u32 $0x840, s20;
	v52 =	vld.idx.msk [tilespmem:v1+s13+$0x0 ss:$0x1], $0xffff;
	[tilespmem:v0+s8+$0x0 ss:$0x1] =	vst.idx.msk $0xffff, v47  }
0x1b: {  	s15 =	sor.u32 $0x850, s20;
	v53 =	vld.idx.msk [tilespmem:v1+s14+$0x0 ss:$0x1], $0xffff;
	[tilespmem:v0+s9+$0x0 ss:$0x1] =	vst.idx.msk $0xffff, v48  }
0x1c: {  	s16 =	sor.u32 $0x860, s20;
	v54 =	vld.idx.msk [tilespmem:v1+s15+$0x0 ss:$0x1], $0xffff;
	[tilespmem:v0+s10+$0x0 ss:$0x1] =	vst.idx.msk $0xffff, v49  }
0x1d: {  	s18 =	sand.u32 $0x180, s18;
	s1 =	sand.u32 $0x3200, s20;
	s17 =	sor.u32 $0x870, s20;
	v55 =	vld.idx.msk [tilespmem:v1+s16+$0x0 ss:$0x1], $0xffff;
	[tilespmem:v0+s11+$0x0 ss:$0x1] =	vst.idx.msk $0xffff, v50  }
0x1e: {  	s0 =	sor.u32 s18, s1;
	v56 =	vld.idx.msk [tilespmem:v1+s17+$0x0 ss:$0x1], $0xffff;
	[tilespmem:v0+s12+$0x0 ss:$0x1] =	vst.idx.msk $0xffff, v51  }
0x1f: {  	s18 =	sor.u32 $0xC10, s20;
	v37 =	vld.idx.msk [tilespmem:v1+s0+$0x0 ss:$0x1], $0xffff;
	[tilespmem:v0+s13+$0x0 ss:$0x1] =	vst.idx.msk $0xffff, v52  }
0x20: {  	s2 =	sor.u32 $0xC00, s0;
	v57 =	vld.idx.msk [tilespmem:v1+s18+$0x0 ss:$0x1], $0xffff;
	[tilespmem:v0+s14+$0x0 ss:$0x1] =	vst.idx.msk $0xffff, v53  }
0x21: {  	s3 =	sor.u32 $0x10, s0;
	v33 =	vld.idx.msk [tilespmem:v1+s2+$0x0 ss:$0x1], $0xffff;
	[tilespmem:v0+s15+$0x0 ss:$0x1] =	vst.idx.msk $0xffff, v54  }
0x22: {  	s4 =	sor.u32 $0x20, s0;
	v34 =	vld.idx.msk [tilespmem:v1+s3+$0x0 ss:$0x1], $0xffff;
	[tilespmem:v0+s16+$0x0 ss:$0x1] =	vst.idx.msk $0xffff, v55  }
0x23: {  	s5 =	sor.u32 $0x30, s0;
	v35 =	vld.idx.msk [tilespmem:v1+s4+$0x0 ss:$0x1], $0xffff;
	[tilespmem:v0+s17+$0x0 ss:$0x1] =	vst.idx.msk $0xffff, v56  }
0x24: {  	s26 =	sor.u32 $0x40, s0;
	v36 =	vld.idx.msk [tilespmem:v1+s5+$0x0 ss:$0x1], $0xffff;
	[tilespmem:v0+s0+$0x0 ss:$0x1] =	vst.idx.msk $0xffff, v37  }
0x25: {  	s27 =	sor.u32 $0x50, s0;
	v38 =	vld.idx.msk [tilespmem:v1+s26+$0x0 ss:$0x1], $0xffff;
	[tilespmem:v0+s18+$0x0 ss:$0x1] =	vst.idx.msk $0xffff, v57  }
0x26: {  	s28 =	sor.u32 $0x60, s0;
	v39 =	vld.idx.msk [tilespmem:v1+s27+$0x0 ss:$0x1], $0xffff;
	[tilespmem:v0+s2+$0x0 ss:$0x1] =	vst.idx.msk $0xffff, v33  }
0x27: {  	s29 =	sor.u32 $0x70, s0;
	v40 =	vld.idx.msk [tilespmem:v1+s28+$0x0 ss:$0x1], $0xffff;
	[tilespmem:v0+s3+$0x0 ss:$0x1] =	vst.idx.msk $0xffff, v34  }
0x28: {  	s30 =	sor.u32 $0x400, s0;
	v41 =	vld.idx.msk [tilespmem:v1+s29+$0x0 ss:$0x1], $0xffff;
	[tilespmem:v0+s4+$0x0 ss:$0x1] =	vst.idx.msk $0xffff, v35  }
0x29: {  	v42 =	vld.idx.msk [tilespmem:v1+s30+$0x0 ss:$0x1], $0xffff;
	s19 =	sor.u32 $0xC20, s20;
	[tilespmem:v0+s5+$0x0 ss:$0x1] =	vst.idx.msk $0xffff, v36  }
0x2a: {  	s21 =	sor.u32 $0xC30, s20;
	v58 =	vld.idx.msk [tilespmem:v1+s19+$0x0 ss:$0x1], $0xffff;
	[tilespmem:v0+s26+$0x0 ss:$0x1] =	vst.idx.msk $0xffff, v38  }
0x2b: {  	v59 =	vld.idx.msk [tilespmem:v1+s21+$0x0 ss:$0x1], $0xffff;
	s0 =	sor.u32 $0x800, s0;
	[tilespmem:v0+s27+$0x0 ss:$0x1] =	vst.idx.msk $0xffff, v39  }
0x2c: {  	s22 =	sor.u32 $0xC40, s20;
	v43 =	vld.idx.msk [tilespmem:v1+s0+$0x0 ss:$0x1], $0xffff;
	[tilespmem:v0+s28+$0x0 ss:$0x1] =	vst.idx.msk $0xffff, v40  }
0x2d: {  	s23 =	sor.u32 $0xC50, s20;
	v60 =	vld.idx.msk [tilespmem:v1+s22+$0x0 ss:$0x1], $0xffff;
	[tilespmem:v0+s29+$0x0 ss:$0x1] =	vst.idx.msk $0xffff, v41  }
0x2e: {  	v61 =	vld.idx.msk [tilespmem:v1+s23+$0x0 ss:$0x1], $0xffff;
	[tilespmem:v0+s30+$0x0 ss:$0x1] =	vst.idx.msk $0xffff, v42  }
0x2f: {  	s24 =	sor.u32 $0xC60, s20;
	[tilespmem:v0+s19+$0x0 ss:$0x1] =	vst.idx.msk $0xffff, v58  }
0x30: {  	v62 =	vld.idx.msk [tilespmem:v1+s24+$0x0 ss:$0x1], $0xffff;
	s25 =	sor.u32 $0xC70, s20;
	[tilespmem:v0+s21+$0x0 ss:$0x1] =	vst.idx.msk $0xffff, v59  }
0x31: {  	v63 =	vld.idx.msk [tilespmem:v1+s25+$0x0 ss:$0x1], $0xffff;
	[tilespmem:v0+s0+$0x0 ss:$0x1] =	vst.idx.msk $0xffff, v43  }
0x32: {  	s4 =	rddreg [dreg:$0xd];
	[tilespmem:v0+s22+$0x0 ss:$0x1] =	vst.idx.msk $0xffff, v60  }
0x33: {  	s5 =	rddreg [dreg:$0xe];
	[tilespmem:v0+s23+$0x0 ss:$0x1] =	vst.idx.msk $0xffff, v61  }
0x34: {  	s28 =	rddreg [dreg:$0xc]  }
0x35: {  	s26 =	sshll.u32 s4, $0x9;
	s29 =	rddreg [dreg:$0x4];
	[tilespmem:v0+s24+$0x0 ss:$0x1] =	vst.idx.msk $0xffff, v62  }
0x36: {  	s4 =	sshll.u32 s4, $0x7;
	s3 =	sand.u32 $0x3F000, s26;
	[tilespmem:v0+s25+$0x0 ss:$0x1] =	vst.idx.msk $0xffff, v63  }
0x37: {  	s5 =	sshll.u32 s5, $0xF;
	s4 =	sand.u32 $0x380, s4;
	s2 =	rddreg [dreg:$0xf]  }
0x38: {  	s27 =	sor.u32 s4, s3;
	s4 =	sadd.s32 s29, s5;
	s5 =	rddreg [dreg:$0x2]  }
0x39: {  	s6 =	rddreg [dreg:$0x3]  }
0x3a: {  	s7 =	rddreg [dreg:$0x5]  }
0x3b: {  	s8 =	rddreg [dreg:$0x6]  }
0x3c: {  	s9 =	rddreg [dreg:$0x7]  }
0x3d: {  	s10 =	rddreg [dreg:$0x8]  }
0x3e: {  	s3 =	sshll.u32 s28, $0x10;
	s11 =	rddreg [dreg:$0x9]  }
0x3f: {  	s12 =	rddreg [dreg:$0xa];
	s30 =	sadd.s32 s3, s4;
	s0 =	sshrl.u32 s27, $0x3  }
0x40: {  	s31 =	simm.s32 $0x0;
	s13 =	rddreg [dreg:$0xb];
	s0 =	sadd.s32 s0, s30  }
0x41: {  	[hbm4b:s0+s31] =	stream.linear.scatter [tilespmem:s2], [sflag:$0x2], $0x4000, $0x38;
	[tilespmem:$0x10000] =	vst v63  }
.LBB1_5:
0x42: {  	s0 =	sadd.s32 $0x20, s10  }
0x43: {  	s1 =	sadd.s32 $0x10, s11;
	s2 =	smov.u32 s11;
	p1 =	sgt.s32 s0, $0x1FF  }
0x44: {  	s2 =	smov.u32 @p1 s1  }
0x45: {  	s3 =	sadd.s32 $0x2, s12;
	s4 =	smov.u32 s12;
	p2 =	sgt.s32 s2, $0xF  }
0x46: {  	s4 =	smov.u32 @p2 s3  }
0x47: {  	s0 =	simm.s32 @p1 $0x0;
	p1 =	sgt.s32 s4, $0x1  }
0x48: {  	p0 =	slt.u32 s13, $0x2;
	s4 =	smov.u32 @p1 s6;
	p1 =	sne.s32 s13, s9  }
.Ltmp1:
0x49: {  	s1 =	simm.s32 @!p0 $0x2;
	(pc) =	sbr.rel @!p1 .LBB1_6-.Ltmp1, $4  }
0x4a: {  	s15 =	smov.u32 s10;
	_ =	swait.ge @!p0 [sflag:s1], $0x4000  }
0x4b: {  	s14 =	smov.u32 s11;
	s16 =	smov.u32 s12;
	[sflag:s1] =	ssyncset.done @!p0 $0x0  }
0x4c: {  	s10 =	smov.u32 s0;
	s2 =	smov.u32 @p2 s8;
	[sflag:s1] =	ssyncadd.s32 @!p0 $0xFFFFC000  }
0x4d: {  	s11 =	smov.u32 s2;
	s13 =	sadd.s32 $0x1, s13;
	s12 =	smov.u32 s4  }
.LBB1_1:
0x4e: {  	p0 =	sge.u32 s13, s7;
	s31 =	sadd.s32 $0xFFFFFFFF, s13  }
0x4f: {  	s0 =	sxor.u32 @!p0 $0xFFFFFFFF, s13;
	s1 =	sshll.u32 @!p0 s10, $0x9;
	s2 =	sshll.u32 @!p0 s10, $0x7  }
0x50: {  	s3 =	sshll.u32 @!p0 s12, $0x13;
	s1 =	sand.u32 @!p0 $0x3F000, s1;
	s2 =	sand.u32 @!p0 $0x380, s2  }
0x51: {  	s4 =	sshll.u32 @!p0 s11, $0xF;
	s1 =	sor.u32 @!p0 s2, s1;
	s2 =	sadd.s32 @!p0 s5, s3  }
0x52: {  	s0 =	sshll.u32 @!p0 s0, $0xE;
	s1 =	sshrl.u32 @!p0 s1, $0x3;
	s2 =	sadd.s32 @!p0 s4, s2  }
0x53: {  	s0 =	sand.u32 @!p0 $0x4000, s0;
	s1 =	sadd.s32 @!p0 s1, s2;
	s2 =	simm.s32 @!p0 $0x0  }
0x54: {  	[tilespmem:s0], [sflag:$0x1] =	stream.linear.gather @!p0 [hbm4b:s1+s2], $0x4000, $0x38;
	[tilespmem:$0x10000] =	vst v63  }
0x55: {  	p0 =	sge.u32 s31, s7  }
.Ltmp2:
0x56: {  	_ = 	snop;
	(pc) =	sbr.rel @p0 .LBB1_5-.Ltmp2, $1  }
0x57: {  	_ =	sdelay $0x3  }
0x58: {  	[dreg:$0xe] =	wrdreg s16  }
0x59: {  	[dreg:$0xd] =	wrdreg s15  }
0x5a: {  	[dreg:$0xc] =	wrdreg s14  }
0x5b: {  	[dreg:$0xa] =	wrdreg s12  }
0x5c: {  	[dreg:$0x9] =	wrdreg s11;
	s0 =	sshll.u32 s13, $0xE  }
0x5d: {  	[dreg:$0x8] =	wrdreg s10;
	s0 =	sand.u32 $0x4000, s0  }
0x5e: {  	[dreg:$0xb] =	wrdreg s13;
	s4 =	simm.s32 $0x1;
	v1 =	vmov s0  }
0x5f: {  	s1 =	simm.s32 $0x0;
	_ =	swait.ge [sflag:s4], $0x4000  }
0x60: {  	s2 =	sand.u32 $0x3000, s1;
	s3 =	sand.u32 $0x380, s1;
	s1 =	sand.u32 $0x180, s1  }
0x61: {  	[sflag:s4] =	ssyncset.done $0x0;
	s18 =	sor.u32 s3, s2;
	s10 =	sor.u32 $0x8000, s0  }
0x62: {  	[sflag:s4] =	ssyncadd.s32 $0xFFFFC000;
	s2 =	sand.u32 $0x3200, s18;
	s3 =	sor.u32 $0x410, s18  }
0x63: {  	s11 =	sor.u32 s1, s2;
	v2 =	vld.idx.msk [tilespmem:v1+s3+$0x0 ss:$0x1], $0xffff;
	[dreg:$0xf] =	wrdreg s10  }
0x64: {  	v0 =	vmov s10;
	s1 =	sor.u32 $0xC00, s11;
	v3 =	vld.idx.msk [tilespmem:v1+s11+$0x0 ss:$0x1], $0xffff  }
0x65: {  	s2 =	sor.u32 $0x10, s11;
	v4 =	vld.idx.msk [tilespmem:v1+s1+$0x0 ss:$0x1], $0xffff  }
0x66: {  	s12 =	sor.u32 $0x20, s11;
	v5 =	vld.idx.msk [tilespmem:v1+s2+$0x0 ss:$0x1], $0xffff  }
0x67: {  	s5 =	sor.u32 $0x30, s11;
	v6 =	vld.idx.msk [tilespmem:v1+s12+$0x0 ss:$0x1], $0xffff  }
0x68: {  	s7 =	sor.u32 $0x40, s11;
	v7 =	vld.idx.msk [tilespmem:v1+s5+$0x0 ss:$0x1], $0xffff  }
0x69: {  	s28 =	sor.u32 $0x840, s18;
	v8 =	vld.idx.msk [tilespmem:v1+s7+$0x0 ss:$0x1], $0xffff;
	[tilespmem:v0+s3+$0x0 ss:$0x1] =	vst.idx.msk $0xffff, v2  }
0x6a: {  	s8 =	sor.u32 $0x50, s11;
	v9 =	vld.idx.msk [tilespmem:v1+s28+$0x0 ss:$0x1], $0xffff;
	[tilespmem:v0+s11+$0x0 ss:$0x1] =	vst.idx.msk $0xffff, v3  }
0x6b: {  	s13 =	sor.u32 $0x60, s11;
	v2 =	vld.idx.msk [tilespmem:v1+s8+$0x0 ss:$0x1], $0xffff;
	[tilespmem:v0+s1+$0x0 ss:$0x1] =	vst.idx.msk $0xffff, v4  }
0x6c: {  	s9 =	sor.u32 $0x70, s11;
	v3 =	vld.idx.msk [tilespmem:v1+s13+$0x0 ss:$0x1], $0xffff;
	[tilespmem:v0+s2+$0x0 ss:$0x1] =	vst.idx.msk $0xffff, v5  }
0x6d: {  	s14 =	sor.u32 $0x400, s11;
	v4 =	vld.idx.msk [tilespmem:v1+s9+$0x0 ss:$0x1], $0xffff;
	[tilespmem:v0+s12+$0x0 ss:$0x1] =	vst.idx.msk $0xffff, v6  }
0x6e: {  	s0 =	sor.u32 $0x800, s11;
	v5 =	vld.idx.msk [tilespmem:v1+s14+$0x0 ss:$0x1], $0xffff;
	[tilespmem:v0+s5+$0x0 ss:$0x1] =	vst.idx.msk $0xffff, v7  }
0x6f: {  	s15 =	sor.u32 $0x420, s18;
	v6 =	vld.idx.msk [tilespmem:v1+s0+$0x0 ss:$0x1], $0xffff;
	[tilespmem:v0+s7+$0x0 ss:$0x1] =	vst.idx.msk $0xffff, v8  }
0x70: {  	s21 =	sor.u32 $0x470, s18;
	v7 =	vld.idx.msk [tilespmem:v1+s15+$0x0 ss:$0x1], $0xffff;
	[tilespmem:v0+s28+$0x0 ss:$0x1] =	vst.idx.msk $0xffff, v9  }
0x71: {  	s16 =	sor.u32 $0x430, s18;
	v8 =	vld.idx.msk [tilespmem:v1+s21+$0x0 ss:$0x1], $0xffff;
	[tilespmem:v0+s8+$0x0 ss:$0x1] =	vst.idx.msk $0xffff, v2  }
0x72: {  	s17 =	sor.u32 $0x440, s18;
	v2 =	vld.idx.msk [tilespmem:v1+s16+$0x0 ss:$0x1], $0xffff;
	[tilespmem:v0+s13+$0x0 ss:$0x1] =	vst.idx.msk $0xffff, v3  }
0x73: {  	s19 =	sor.u32 $0x450, s18;
	v3 =	vld.idx.msk [tilespmem:v1+s17+$0x0 ss:$0x1], $0xffff;
	[tilespmem:v0+s9+$0x0 ss:$0x1] =	vst.idx.msk $0xffff, v4  }
0x74: {  	s20 =	sor.u32 $0x460, s18;
	v4 =	vld.idx.msk [tilespmem:v1+s19+$0x0 ss:$0x1], $0xffff;
	[tilespmem:v0+s14+$0x0 ss:$0x1] =	vst.idx.msk $0xffff, v5  }
0x75: {  	s22 =	sor.u32 $0x810, s18;
	v5 =	vld.idx.msk [tilespmem:v1+s20+$0x0 ss:$0x1], $0xffff;
	[tilespmem:v0+s0+$0x0 ss:$0x1] =	vst.idx.msk $0xffff, v6  }
0x76: {  	s30 =	sor.u32 $0x860, s18;
	[tilespmem:v0+s15+$0x0 ss:$0x1] =	vst.idx.msk $0xffff, v7;
	v6 =	vld.idx.msk [tilespmem:v1+s22+$0x0 ss:$0x1], $0xffff  }
0x77: {  	s23 =	sor.u32 $0x820, s18;
	[tilespmem:v0+s21+$0x0 ss:$0x1] =	vst.idx.msk $0xffff, v8;
	v8 =	vld.idx.msk [tilespmem:v1+s30+$0x0 ss:$0x1], $0xffff  }
0x78: {  	s24 =	sor.u32 $0x830, s18;
	[tilespmem:v0+s16+$0x0 ss:$0x1] =	vst.idx.msk $0xffff, v2;
	v2 =	vld.idx.msk [tilespmem:v1+s23+$0x0 ss:$0x1], $0xffff  }
0x79: {  	s29 =	sor.u32 $0x850, s18;
	[tilespmem:v0+s17+$0x0 ss:$0x1] =	vst.idx.msk $0xffff, v3;
	v3 =	vld.idx.msk [tilespmem:v1+s24+$0x0 ss:$0x1], $0xffff  }
0x7a: {  	s27 =	sor.u32 $0x870, s18;
	[tilespmem:v0+s20+$0x0 ss:$0x1] =	vst.idx.msk $0xffff, v5;
	v5 =	vld.idx.msk [tilespmem:v1+s29+$0x0 ss:$0x1], $0xffff  }
0x7b: {  	s26 =	sor.u32 $0xC10, s18;
	v7 =	vld.idx.msk [tilespmem:v1+s27+$0x0 ss:$0x1], $0xffff;
	[tilespmem:v0+s19+$0x0 ss:$0x1] =	vst.idx.msk $0xffff, v4  }
0x7c: {  	s25 =	sor.u32 $0xC20, s18;
	[tilespmem:v0+s22+$0x0 ss:$0x1] =	vst.idx.msk $0xffff, v6;
	v6 =	vld.idx.msk [tilespmem:v1+s26+$0x0 ss:$0x1], $0xffff  }
0x7d: {  	v4 =	vld.idx.msk [tilespmem:v1+s25+$0x0 ss:$0x1], $0xffff;
	[tilespmem:v0+s23+$0x0 ss:$0x1] =	vst.idx.msk $0xffff, v2;
	s23 =	sor.u32 $0xC30, s18  }
0x7e: {  	s31 =	simm.s32 $0x200;
	s21 =	sor.u32 $0xC60, s18;
	s22 =	sor.u32 $0xC50, s18;
	[tilespmem:v0+s24+$0x0 ss:$0x1] =	vst.idx.msk $0xffff, v3;
	v3 =	vld.idx.msk [tilespmem:v1+s23+$0x0 ss:$0x1], $0xffff  }
0x7f: {  	s19 =	sor.u32 $0xC70, s18;
	s24 =	sor.u32 $0xC40, s18;
	[tilespmem:v0+s29+$0x0 ss:$0x1] =	vst.idx.msk $0xffff, v5;
	s18 =	simm.s32 $0x80;
	v5 =	vld.idx.msk [tilespmem:v1+s22+$0x0 ss:$0x1], $0xffff  }
0x80: {  	s0 =	sand.u32 $0x3000, s31;
	[tilespmem:v0+s30+$0x0 ss:$0x1] =	vst.idx.msk $0xffff, v8;
	s20 =	simm.s32 $0x400;
	v2 =	vld.idx.msk [tilespmem:v1+s24+$0x0 ss:$0x1], $0xffff;
	s1 =	sand.u32 $0x380, s18  }
.LBB1_3:
0x81: {  	p0 =	sne.s32 s20, $0x3E00;
	s31 =	sor.u32 s1, s0;
	[tilespmem:v0+s27+$0x0 ss:$0x1] =	vst.idx.msk $0xffff, v7;
	v7 =	vld.idx.msk [tilespmem:v1+s21+$0x0 ss:$0x1], $0xffff  }
0x82: {  	s0 =	sand.u32 $0x180, s18;
	s1 =	sand.u32 $0x3200, s31;
	s4 =	sor.u32 $0x410, s31;
	[tilespmem:v0+s26+$0x0 ss:$0x1] =	vst.idx.msk $0xffff, v6;
	v6 =	vld.idx.msk [tilespmem:v1+s19+$0x0 ss:$0x1], $0xffff  }
0x83: {  	s29 =	sor.u32 $0x420, s31;
	s28 =	sor.u32 $0x430, s31;
	s1 =	sor.u32 s0, s1;
	v8 =	vld.idx.msk [tilespmem:v1+s4+$0x0 ss:$0x1], $0xffff;
	[tilespmem:v0+s25+$0x0 ss:$0x1] =	vst.idx.msk $0xffff, v4  }
0x84: {  	v4 =	vld.idx.msk [tilespmem:v1+s1+$0x0 ss:$0x1], $0xffff;
	s17 =	sor.u32 $0x10, s1;
	s6 =	sor.u32 $0x20, s1;
	s25 =	sor.u32 $0xC00, s1;
	[tilespmem:v0+s23+$0x0 ss:$0x1] =	vst.idx.msk $0xffff, v3  }
0x85: {  	s14 =	sor.u32 $0x30, s1;
	s16 =	sor.u32 $0x40, s1;
	s15 =	sor.u32 $0x50, s1;
	v3 =	vld.idx.msk [tilespmem:v1+s25+$0x0 ss:$0x1], $0xffff;
	[tilespmem:v0+s24+$0x0 ss:$0x1] =	vst.idx.msk $0xffff, v2  }
0x86: {  	s10 =	sor.u32 $0x60, s1;
	s11 =	sor.u32 $0x70, s1;
	s12 =	sor.u32 $0x400, s1;
	v2 =	vld.idx.msk [tilespmem:v1+s17+$0x0 ss:$0x1], $0xffff;
	[tilespmem:v0+s22+$0x0 ss:$0x1] =	vst.idx.msk $0xffff, v5  }
0x87: {  	s7 =	sor.u32 $0x440, s31;
	s5 =	sor.u32 $0x450, s31;
	s13 =	sor.u32 $0x800, s1;
	v5 =	vld.idx.msk [tilespmem:v1+s6+$0x0 ss:$0x1], $0xffff;
	[tilespmem:v0+s21+$0x0 ss:$0x1] =	vst.idx.msk $0xffff, v7  }
0x88: {  	s3 =	sor.u32 $0x460, s31;
	s2 =	sor.u32 $0x470, s31;
	s9 =	sor.u32 $0x810, s31;
	v7 =	vld.idx.msk [tilespmem:v1+s14+$0x0 ss:$0x1], $0xffff;
	[tilespmem:v0+s19+$0x0 ss:$0x1] =	vst.idx.msk $0xffff, v6  }
0x89: {  	s8 =	sor.u32 $0x820, s31;
	s0 =	sor.u32 $0x840, s31;
	v6 =	vld.idx.msk [tilespmem:v1+s16+$0x0 ss:$0x1], $0xffff;
	[tilespmem:v0+s4+$0x0 ss:$0x1] =	vst.idx.msk $0xffff, v8;
	s4 =	sor.u32 $0x830, s31  }
0x8a: {  	s30 =	sor.u32 $0x860, s31;
	s27 =	sor.u32 $0x870, s31;
	[tilespmem:v0+s1+$0x0 ss:$0x1] =	vst.idx.msk $0xffff, v4;
	v4 =	vld.idx.msk [tilespmem:v1+s15+$0x0 ss:$0x1], $0xffff;
	s1 =	sor.u32 $0x850, s31  }
0x8b: {  	s26 =	sor.u32 $0xC10, s31;
	s23 =	sor.u32 $0xC30, s31;
	v8 =	vld.idx.msk [tilespmem:v1+s10+$0x0 ss:$0x1], $0xffff;
	[tilespmem:v0+s25+$0x0 ss:$0x1] =	vst.idx.msk $0xffff, v3;
	s25 =	sor.u32 $0xC20, s31  }
0x8c: {  	s24 =	sor.u32 $0xC40, s31;
	s22 =	sor.u32 $0xC50, s31;
	s21 =	sor.u32 $0xC60, s31;
	[tilespmem:v0+s17+$0x0 ss:$0x1] =	vst.idx.msk $0xffff, v2;
	v2 =	vld.idx.msk [tilespmem:v1+s11+$0x0 ss:$0x1], $0xffff  }
0x8d: {  	s19 =	sor.u32 $0xC70, s31;
	[tilespmem:v0+s6+$0x0 ss:$0x1] =	vst.idx.msk $0xffff, v5;
	v3 =	vld.idx.msk [tilespmem:v1+s12+$0x0 ss:$0x1], $0xffff  }
0x8e: {  	[tilespmem:v0+s14+$0x0 ss:$0x1] =	vst.idx.msk $0xffff, v7;
	v5 =	vld.idx.msk [tilespmem:v1+s13+$0x0 ss:$0x1], $0xffff  }
0x8f: {  	[tilespmem:v0+s16+$0x0 ss:$0x1] =	vst.idx.msk $0xffff, v6;
	v6 =	vld.idx.msk [tilespmem:v1+s29+$0x0 ss:$0x1], $0xffff  }
0x90: {  	[tilespmem:v0+s15+$0x0 ss:$0x1] =	vst.idx.msk $0xffff, v4;
	v4 =	vld.idx.msk [tilespmem:v1+s28+$0x0 ss:$0x1], $0xffff  }
0x91: {  	[tilespmem:v0+s10+$0x0 ss:$0x1] =	vst.idx.msk $0xffff, v8;
	v7 =	vld.idx.msk [tilespmem:v1+s7+$0x0 ss:$0x1], $0xffff  }
0x92: {  	[tilespmem:v0+s11+$0x0 ss:$0x1] =	vst.idx.msk $0xffff, v2;
	v2 =	vld.idx.msk [tilespmem:v1+s5+$0x0 ss:$0x1], $0xffff  }
0x93: {  	[tilespmem:v0+s12+$0x0 ss:$0x1] =	vst.idx.msk $0xffff, v3;
	v3 =	vld.idx.msk [tilespmem:v1+s3+$0x0 ss:$0x1], $0xffff  }
0x94: {  	v8 =	vld.idx.msk [tilespmem:v1+s2+$0x0 ss:$0x1], $0xffff;
	[tilespmem:v0+s13+$0x0 ss:$0x1] =	vst.idx.msk $0xffff, v5  }
0x95: {  	[tilespmem:v0+s29+$0x0 ss:$0x1] =	vst.idx.msk $0xffff, v6;
	v5 =	vld.idx.msk [tilespmem:v1+s9+$0x0 ss:$0x1], $0xffff  }
0x96: {  	[tilespmem:v0+s28+$0x0 ss:$0x1] =	vst.idx.msk $0xffff, v4;
	v4 =	vld.idx.msk [tilespmem:v1+s8+$0x0 ss:$0x1], $0xffff  }
0x97: {  	[tilespmem:v0+s7+$0x0 ss:$0x1] =	vst.idx.msk $0xffff, v7;
	v9 =	vld.idx.msk [tilespmem:v1+s4+$0x0 ss:$0x1], $0xffff  }
0x98: {  	[tilespmem:v0+s5+$0x0 ss:$0x1] =	vst.idx.msk $0xffff, v2;
	v2 =	vld.idx.msk [tilespmem:v1+s0+$0x0 ss:$0x1], $0xffff  }
0x99: {  	[tilespmem:v0+s3+$0x0 ss:$0x1] =	vst.idx.msk $0xffff, v3;
	v10 =	vld.idx.msk [tilespmem:v1+s1+$0x0 ss:$0x1], $0xffff  }
0x9a: {  	[tilespmem:v0+s2+$0x0 ss:$0x1] =	vst.idx.msk $0xffff, v8;
	v8 =	vld.idx.msk [tilespmem:v1+s30+$0x0 ss:$0x1], $0xffff  }
0x9b: {  	[tilespmem:v0+s9+$0x0 ss:$0x1] =	vst.idx.msk $0xffff, v5;
	v7 =	vld.idx.msk [tilespmem:v1+s27+$0x0 ss:$0x1], $0xffff  }
.Ltmp3:
0x9c: {  	[tilespmem:v0+s8+$0x0 ss:$0x1] =	vst.idx.msk $0xffff, v4;
	v6 =	vld.idx.msk [tilespmem:v1+s26+$0x0 ss:$0x1], $0xffff;
	(pc) =	sbr.rel @p0 .LBB1_3-.Ltmp3, $4  }
0x9d: {  	[tilespmem:v0+s4+$0x0 ss:$0x1] =	vst.idx.msk $0xffff, v9;
	v4 =	vld.idx.msk [tilespmem:v1+s25+$0x0 ss:$0x1], $0xffff  }
0x9e: {  	[tilespmem:v0+s0+$0x0 ss:$0x1] =	vst.idx.msk $0xffff, v2;
	v3 =	vld.idx.msk [tilespmem:v1+s23+$0x0 ss:$0x1], $0xffff  }
0x9f: {  	s18 =	sadd.s32 $0x80, s18;
	[tilespmem:v0+s1+$0x0 ss:$0x1] =	vst.idx.msk $0xffff, v10;
	v2 =	vld.idx.msk [tilespmem:v1+s24+$0x0 ss:$0x1], $0xffff  }
0xa0: {  	s0 =	sand.u32 $0x3000, s20;
	s20 =	sadd.s32 $0x200, s20;
	s1 =	sand.u32 $0x380, s18;
	[tilespmem:v0+s30+$0x0 ss:$0x1] =	vst.idx.msk $0xffff, v8;
	v5 =	vld.idx.msk [tilespmem:v1+s22+$0x0 ss:$0x1], $0xffff  }
.Ltmp4:
0xa1: {  	_ = 	snop;
	(pc) =	sbr.rel .LBB1_4-.Ltmp4, $1  }
0xa2: {  	_ =	sdelay $0x3  }
.LBB1_6:
0xa3: {  	_ =	sfence.sel $0x180000  }
0xa4: {  	s0 =	simm.s32 $0x1;
	[bflag:$0x0] =	sbarrier.arrive $0xFFFF  }
0xa5: {  	s30 =	simm.s32 $0x2;
	[sflag:s0] =	ssyncpa.u1 $0x1  }
0xa6: {  	[sflag:s30] =	ssyncpa.u1 $0x1  }
0xa7: {  	_ =	strace $0x90000047  }
0xa8: {  	s31 =	stileid.u32;
	[bflag:$0x2] =	sbarrier.arrive $0xFFFF  }
0xa9: {  	p0 =	sne.s32 s31, $0x0;
	s0 =	rddreg [dreg:$0x1]  }
0xaa: {  	s0 =	sadd.s32 @!p0 $0x100000, s0  }
0xab: {  	[sflag:s0] =	ssyncadd.tile.s32 @!p0 $0x1;
	_ =	shalt  }
.Lfunc_end1:
_tile_overlayer_lowered:
.L_overlay_start_2:
0xac: {  	(tag) =	ssettag $0x2  }
0xad: {  	s0 =	rddreg [dreg:$0x0];
	s2 =	stileid.u32  }
0xae: {  	s1 =	rddreg [dreg:$0x1];
	p0 =	sne.s32 s2, $0x0  }
0xaf: {  	s3 =	rddreg [dreg:$0x2];
	[bflag:$0x3] =	sbarrier.arrive $0xFFFF;
	s2 =	simm.s32 @!p0 $0x1C01  }
0xb0: {  	[timem:s3], [sflag:s2] =	dma.local @!p0 [hbm:s0], s1  }
0xb1: {  	s0 =	simm.s32 @!p0 $0x1  }
0xb2: {  	_ =	swait.ge @!p0 [sflag:s0], s1  }
0xb3: {  	s1 =	ssub.s32 @!p0 $0x0, s1;
	[sflag:s0] =	ssyncset.done @!p0 $0x0  }
0xb4: {  	[sflag:s0] =	ssyncadd.s32 @!p0 s1  }
0xb5: {  	[bflag:$0x3] =	sbarrier.arrive $0xFFFF  }
0xb6: {  	_ =	shalt  }

</sc_bundles>
